<compile_context>
chip_gen: v7x
topology: tpu7x:2x2x1
jax: 0.10.2.dev20260603
libtpu: 0.0.44.dev20260713+nightly
codegen_flags: <defaults>
</compile_context>

<pallas_src>
import functools

import jax
import jax.numpy as jnp
from jax import lax
from jax.experimental import pallas as pl
from jax.experimental.pallas import tpu as pltpu
from jax.experimental.pallas import tpu_sc as plsc

_NC = 2
_NS = 16
_NW = _NC * _NS
_LANES = 16
_L = 50
_D = 16
_CH = 64
_NIDX = _CH * _L
_IDXW = 128
_G = _NIDX // _IDXW


def _splat(x):
  return jnp.broadcast_to(x, (_LANES,))


def _sc_body(user_idx, item_idx, fav_r, book_r, subj_emb, attn_w, consts,
             z16, user_bias, item_bias, out,
             idxf, idxb, rows_f, rows_b, sc, pool_f, uidx, iidx, uidxs, iidxs,
             ub, ib, outc, attnw_v, consts_v, z_v, sem_f, sem_b, sem_s):
  wid = lax.axis_index("s") * _NC + lax.axis_index("c")
  rows_pw = out.shape[0] // _NW
  n_chunks = rows_pw // _CH
  iota = jnp.arange(_LANES, dtype=jnp.int32)

  pltpu.sync_copy(z16, z_v)
  zv = z_v[...]
  pltpu.sync_copy(attn_w, attnw_v.at[pl.ds(_LANES, _LANES)])
  pltpu.sync_copy(consts, consts_v.at[pl.ds(8, 2)])
  awk = [plsc.load_gather(attnw_v, [jnp.full((_LANES,), _LANES + k, jnp.int32)])
         for k in range(_D)]
  b_sp = plsc.load_gather(consts_v, [jnp.full((_LANES,), 8, jnp.int32)])
  gb_sp = plsc.load_gather(consts_v, [jnp.full((_LANES,), 9, jnp.int32)])
  neg_inf = jnp.float32(-jnp.inf)

  def scores_for(rows_l):
    def grp(t2, c):
      for u in range(2):
        t = t2 * 2 + u
        s0, s1 = b_sp, jnp.zeros((_LANES,), jnp.float32)
        for k in range(_D):
          kidx = zv if k == 0 else jnp.full((_LANES,), k, jnp.int32)
          col = plsc.load_gather(rows_l, [t * _LANES + iota, kidx])
          if k % 2 == 0:
            s0 = s0 + col * awk[k]
          else:
            s1 = s1 + col * awk[k]
        sc[pl.ds(t * _LANES, _LANES)] = s0 + s1
      return c
    lax.fori_loop(0, _NIDX // (2 * _LANES), grp, 0)

  def pool_row(r, idx_l, rows_l):
    base = r * _L
    qs, svs, valids = [], [], []
    for g in range(4):
      qv = base + g * _LANES + iota
      if g == 3:
        lane_ok = iota < (_L - 3 * _LANES)
        qv = jnp.where(lane_ok, qv, base)
      idv = plsc.load_gather(idx_l, [qv])
      sv = plsc.load_gather(sc, [qv])
      valid = idv != 0
      if g == 3:
        valid = valid & lane_ok
      qs.append(qv)
      svs.append(sv)
      valids.append(valid)
    pc = (plsc.all_reduce_population_count(valids[0]) +
          plsc.all_reduce_population_count(valids[1]) +
          plsc.all_reduce_population_count(valids[2]) +
          plsc.all_reduce_population_count(valids[3]))
    has_real = pc > 0
    valids[0] = jnp.where(has_real, valids[0], iota == 0)
    ms = [jnp.where(valids[g], svs[g], neg_inf) for g in range(4)]
    m = jnp.max(jnp.maximum(jnp.maximum(ms[0], ms[1]),
                            jnp.maximum(ms[2], ms[3])))
    es = [jnp.exp(ms[g] - m) for g in range(4)]
    den = jnp.sum(es[0] + es[1] + es[2] + es[3])
    denv = _splat(den)
    for g in range(4):
      w = es[g] / denv
      if g == 3:
        plsc.store_scatter(sc, [qs[g]], w, mask=iota < (_L - 3 * _LANES))
      else:
        plsc.store_scatter(sc, [qs[g]], w)

    zf = jnp.zeros((_LANES,), jnp.float32)
    def pacc(l5, ps):
      p0, p1 = ps
      for j in range(10):
        q = base + l5 * 10 + j
        qsp = _splat(q)
        wsp = plsc.load_gather(sc, [qsp])
        emb = plsc.load_gather(rows_l, [qsp, iota])
        if j % 2 == 0:
          p0 = p0 + wsp * emb
        else:
          p1 = p1 + wsp * emb
      return (p0, p1)
    p0, p1 = lax.fori_loop(0, _L // 10, pacc, (zf, zf))
    return p0 + p1

  def stage_f(g):
    ibase = (wid * rows_pw + g * _CH) * _L
    pltpu.sync_copy(fav_r.at[pl.ds(ibase, _NIDX)], idxf)
    def fire_f(i, c):
      pltpu.make_async_copy(subj_emb.at[idxf.at[pl.ds(i * _IDXW, _IDXW)]],
                            rows_f.at[pl.ds(i * _IDXW, _IDXW)], sem_f).start()
      return c
    lax.fori_loop(0, _G, fire_f, 0)

  def stage_b(g):
    ibase = (wid * rows_pw + g * _CH) * _L
    pltpu.sync_copy(book_r.at[pl.ds(ibase, _NIDX)], idxb)
    def fire_b(i, c):
      pltpu.make_async_copy(subj_emb.at[idxb.at[pl.ds(i * _IDXW, _IDXW)]],
                            rows_b.at[pl.ds(i * _IDXW, _IDXW)], sem_b).start()
      return c
    lax.fori_loop(0, _G, fire_b, 0)

  def stage_bias(g):
    rbase = wid * rows_pw + g * _CH
    pltpu.sync_copy(user_idx.at[pl.ds(rbase, _CH)], uidx)
    pltpu.sync_copy(item_idx.at[pl.ds(rbase, _CH)], iidx)
    for i in range(_CH // _LANES):
      uidxs[pl.ds(i * _LANES, _LANES)] = lax.shift_right_logical(
          uidx[pl.ds(i * _LANES, _LANES)], 4)
      iidxs[pl.ds(i * _LANES, _LANES)] = lax.shift_right_logical(
          iidx[pl.ds(i * _LANES, _LANES)], 4)
    pltpu.make_async_copy(user_bias.at[uidxs], ub, sem_s).start()
    pltpu.make_async_copy(item_bias.at[iidxs], ib, sem_s).start()

  stage_f(0)
  stage_b(0)
  stage_bias(0)

  def chunk(step, carry):
    rbase = wid * rows_pw + step * _CH
    def drain_f(g, c):
      pltpu.make_async_copy(subj_emb.at[idxf.at[pl.ds(g * _IDXW, _IDXW)]],
                            rows_f.at[pl.ds(g * _IDXW, _IDXW)], sem_f).wait()
      return c
    lax.fori_loop(0, _G, drain_f, 0)
    scores_for(rows_f)
    def rowf(r, c):
      p = pool_row(r, idxf, rows_f)
      plsc.store_scatter(pool_f, [_splat(r), iota], p)
      return c
    lax.fori_loop(0, _CH, rowf, 0)
    @pl.when(step + 1 < n_chunks)
    def _():
      stage_f(step + 1)

    def drain_b(g, c):
      pltpu.make_async_copy(subj_emb.at[idxb.at[pl.ds(g * _IDXW, _IDXW)]],
                            rows_b.at[pl.ds(g * _IDXW, _IDXW)], sem_b).wait()
      return c
    lax.fori_loop(0, _G, drain_b, 0)
    scores_for(rows_b)
    def rowb(r, c):
      pb = pool_row(r, idxb, rows_b)
      pf = plsc.load_gather(pool_f, [_splat(r), iota])
      d = jnp.sum(pf * pb)
      plsc.store_scatter(outc, [_splat(r)], _splat(d), mask=iota == 0)
      return c
    lax.fori_loop(0, _CH, rowb, 0)

    pltpu.make_async_copy(user_bias.at[uidxs], ub, sem_s).wait()
    pltpu.make_async_copy(item_bias.at[iidxs], ib, sem_s).wait()
    for i in range(_CH // _LANES):
      ov = outc[pl.ds(i * _LANES, _LANES)]
      ulane = lax.bitwise_and(uidx[pl.ds(i * _LANES, _LANES)], 15)
      ilane = lax.bitwise_and(iidx[pl.ds(i * _LANES, _LANES)], 15)
      ubv = plsc.load_gather(ub, [i * _LANES + iota, ulane])
      ibv = plsc.load_gather(ib, [i * _LANES + iota, ilane])
      outc[pl.ds(i * _LANES, _LANES)] = ov + ubv + ibv + gb_sp
    pltpu.sync_copy(outc, out.at[pl.ds(rbase, _CH)])
    @pl.when(step + 1 < n_chunks)
    def _():
      stage_b(step + 1)
      stage_bias(step + 1)
    return carry

  lax.fori_loop(0, n_chunks, chunk, 0)


def kernel(user_idx, item_idx, fav_subjects, book_subjects, subj_emb, attn_w,
           attn_b, user_bias, item_bias, global_bias):
  B = user_idx.shape[0]
  fav_r = fav_subjects.astype(jnp.int32).reshape(-1)
  book_r = book_subjects.astype(jnp.int32).reshape(-1)
  consts = jnp.concatenate([
      jnp.reshape(attn_b, (1,)).astype(jnp.float32),
      jnp.reshape(global_bias, (1,)).astype(jnp.float32),
  ])
  mesh = plsc.VectorSubcoreMesh(core_axis_name="c", subcore_axis_name="s",
                                num_cores=_NC, num_subcores=_NS)
  run = functools.partial(
      pl.kernel,
      out_type=jax.ShapeDtypeStruct((B,), jnp.float32),
      mesh=mesh,
      compiler_params=pltpu.CompilerParams(needs_layout_passes=False,
                                           use_tc_tiling_on_sc=False),
      scratch_types=[
          pltpu.VMEM((_NIDX,), jnp.int32),
          pltpu.VMEM((_NIDX,), jnp.int32),
          pltpu.VMEM((_NIDX, _D), jnp.float32),
          pltpu.VMEM((_NIDX, _D), jnp.float32),
          pltpu.VMEM((_NIDX,), jnp.float32),
          pltpu.VMEM((_CH, _D), jnp.float32),
          pltpu.VMEM((_CH,), jnp.int32),
          pltpu.VMEM((_CH,), jnp.int32),
          pltpu.VMEM((_CH,), jnp.int32),
          pltpu.VMEM((_CH,), jnp.int32),
          pltpu.VMEM((_CH, _LANES), jnp.float32),
          pltpu.VMEM((_CH, _LANES), jnp.float32),
          pltpu.VMEM((_CH,), jnp.float32),
          pltpu.VMEM((2 * _LANES,), jnp.float32),
          pltpu.VMEM((_LANES,), jnp.float32),
          pltpu.VMEM((_LANES,), jnp.int32),
          pltpu.SemaphoreType.DMA,
          pltpu.SemaphoreType.DMA,
          pltpu.SemaphoreType.DMA,
      ],
  )(_sc_body)
  z16 = jnp.zeros((_LANES,), jnp.int32)
  ub_r = user_bias.astype(jnp.float32).reshape(-1, _LANES)
  ib_r = item_bias.astype(jnp.float32).reshape(-1, _LANES)
  return run(user_idx.astype(jnp.int32), item_idx.astype(jnp.int32),
             fav_r, book_r, subj_emb.astype(jnp.float32),
             attn_w.astype(jnp.float32), consts, z16, ub_r, ib_r)

# --- scband reference (transcript-rebuilt; emitter-appended) ---
"""Pipeline reference for scband-scalar-pooler-20100446945820 (READ-ONLY COPY).

The authoritative reference and input builder live on the scoring server;
editing this copy changes nothing except your own understanding.
"""

import jax, jax.numpy as jnp
import numpy as np

PAD_IDX = 0
B, L = 16384, 50
N_USERS = 1000000
N_ITEMS = 1000000
N_SUBJECTS = 100000
D = 16


def setup_inputs(seed: int = 0) -> dict:
    key = jax.random.key(seed)
    ks = jax.random.split(key, 10)
    user_idx = jax.random.randint(ks[0], (B,), 0, N_USERS, dtype=jnp.int64 if jax.config.jax_enable_x64 else jnp.int32)
    item_idx = jax.random.randint(ks[1], (B,), 0, N_ITEMS, dtype=jnp.int64 if jax.config.jax_enable_x64 else jnp.int32)
    fav_subjects = jax.random.randint(ks[2], (B, L), 0, N_SUBJECTS)
    book_subjects = jax.random.randint(ks[3], (B, L), 0, N_SUBJECTS)
    subj_emb = (jax.random.normal(ks[4], (N_SUBJECTS, D), dtype=jnp.float32) * 0.02).at[PAD_IDX].set(0.0)
    attn_w = jax.random.normal(ks[5], (D,), dtype=jnp.float32) * 0.1
    attn_b = jnp.zeros((), dtype=jnp.float32)
    user_bias = jax.random.normal(ks[6], (N_USERS, 1), dtype=jnp.float32) * 0.01
    item_bias = jax.random.normal(ks[7], (N_ITEMS, 1), dtype=jnp.float32) * 0.01
    global_bias = jnp.zeros((1,), dtype=jnp.float32)
    return {
        'user_idx': user_idx,
        'item_idx': item_idx,
        'fav_subjects': fav_subjects,
        'book_subjects': book_subjects,
        'subj_emb': subj_emb,
        'attn_w': attn_w,
        'attn_b': attn_b,
        'user_bias': user_bias,
        'item_bias': item_bias,
        'global_bias': global_bias,
    }


def _attention_pool(indices, subj_emb, attn_w, attn_b):
    embs = jnp.take(subj_emb, indices, axis=0)            # [B, L, D]
    scores = embs @ attn_w + attn_b                        # [B, L]  (Linear(D,1).squeeze(-1))
    mask = indices != PAD_IDX                              # [B, L]
    has_real = jnp.any(mask, axis=1)                       # [B]
    safe_mask = mask.at[:, 0].set(jnp.where(has_real, mask[:, 0], True))
    scores = jnp.where(safe_mask, scores, -jnp.inf)
    weights = jax.nn.softmax(scores, axis=1)
    pooled = jnp.sum(embs * weights[..., None], axis=1)    # [B, D]
    # dropout is identity in eval mode (and p=0.0)
    return pooled


def reference(user_idx, item_idx, fav_subjects, book_subjects, subj_emb, attn_w, attn_b, user_bias, item_bias, global_bias):
    u_emb = _attention_pool(fav_subjects, subj_emb, attn_w, attn_b)
    i_emb = _attention_pool(book_subjects, subj_emb, attn_w, attn_b)
    dot = jnp.sum(u_emb * i_emb, axis=1)
    ub = jnp.take(user_bias, user_idx, axis=0).squeeze(-1)
    ib = jnp.take(item_bias, item_idx, axis=0).squeeze(-1)
    return dot + ub + ib + global_bias

if __name__ == "__main__":
    import jax
    _d = setup_inputs()
    print(jax.jit(kernel)(*tuple(_d.values())))

</pallas_src>

<mosaic_0001>
#map = affine_map<(d0, d1) -> (0)>
#map1 = affine_map<(d0, d1) -> (0, 0)>
module attributes {stable_mosaic.version = 14 : i64} {
  func.func @_sc_body(%arg0: i32, %arg1: i32, %arg2: memref<16384xi32, #tpu.memory_space<hbm>>, %arg3: memref<16384xi32, #tpu.memory_space<hbm>>, %arg4: memref<819200xi32, #tpu.memory_space<hbm>>, %arg5: memref<819200xi32, #tpu.memory_space<hbm>>, %arg6: memref<100000x16xf32, #tpu.memory_space<hbm>>, %arg7: memref<16xf32, #tpu.memory_space<hbm>>, %arg8: memref<2xf32, #tpu.memory_space<hbm>>, %arg9: memref<16xi32, #tpu.memory_space<hbm>>, %arg10: memref<62500x16xf32, #tpu.memory_space<hbm>>, %arg11: memref<62500x16xf32, #tpu.memory_space<hbm>>, %arg12: memref<16384xf32, #tpu.memory_space<hbm>>, %arg13: memref<3200xi32, #tpu.memory_space<vmem>>, %arg14: memref<3200xi32, #tpu.memory_space<vmem>>, %arg15: memref<3200x16xf32, #tpu.memory_space<vmem>>, %arg16: memref<3200x16xf32, #tpu.memory_space<vmem>>, %arg17: memref<3200xf32, #tpu.memory_space<vmem>>, %arg18: memref<64x16xf32, #tpu.memory_space<vmem>>, %arg19: memref<64xi32, #tpu.memory_space<vmem>>, %arg20: memref<64xi32, #tpu.memory_space<vmem>>, %arg21: memref<64xi32, #tpu.memory_space<vmem>>, %arg22: memref<64xi32, #tpu.memory_space<vmem>>, %arg23: memref<64x16xf32, #tpu.memory_space<vmem>>, %arg24: memref<64x16xf32, #tpu.memory_space<vmem>>, %arg25: memref<64xf32, #tpu.memory_space<vmem>>, %arg26: memref<32xf32, #tpu.memory_space<vmem>>, %arg27: memref<16xf32, #tpu.memory_space<vmem>>, %arg28: memref<16xi32, #tpu.memory_space<vmem>>, %arg29: memref<!tpu.dma_semaphore, #tpu.memory_space<semaphore_mem>>, %arg30: memref<!tpu.dma_semaphore, #tpu.memory_space<semaphore_mem>>, %arg31: memref<!tpu.dma_semaphore, #tpu.memory_space<semaphore_mem>>) attributes {dimension_semantics = [#tpu.dimension_semantics<core_parallel>, #tpu.dimension_semantics<subcore_parallel>], iteration_bounds = array<i64: 2, 16>, scalar_prefetch = 0 : i64, scratch_operands = 19 : i64, tpu.core_type = #tpu.core_type<sc_vector_subcore>, window_params = [{transform_indices = #map}, {transform_indices = #map}, {transform_indices = #map}, {transform_indices = #map}, {transform_indices = #map1}, {transform_indices = #map}, {transform_indices = #map}, {transform_indices = #map}, {transform_indices = #map1}, {transform_indices = #map1}, {transform_indices = #map}]} {
    %mul3A = arith.constant 2 : i32
    %mul3A_0 = arith.muli %arg1, %mul3A : i32
    %add3A = arith.addi %mul3A_0, %arg0 : i32
    %iota3A = tpu.iota {dimensions = array<i32: 0>} : vector<16xi32>
    "tpu.region"() ({
      %run_scoped3A = tpu.sem_alloc : memref<!tpu.dma_semaphore, #tpu.memory_space<semaphore_mem>>
      tpu.enqueue_dma source(%arg9 : memref<16xi32, #tpu.memory_space<hbm>>) target(%arg28 : memref<16xi32, #tpu.memory_space<vmem>>) target_semaphore(%run_scoped3A : memref<!tpu.dma_semaphore, #tpu.memory_space<semaphore_mem>>)
      tpu.wait_dma2 semaphore(%run_scoped3A : memref<!tpu.dma_semaphore, #tpu.memory_space<semaphore_mem>>) src(%arg9 : memref<16xi32, #tpu.memory_space<hbm>>) dst(%arg28 : memref<16xi32, #tpu.memory_space<vmem>>)
      tpu.yield
    }) : () -> ()
    %get3A = arith.constant 0 : index
    %get3A_1 = tpu.vector_load %arg28[%get3A] {strides = array<i32>} : memref<16xi32, #tpu.memory_space<vmem>>, vector<16xi32>,
    "tpu.region"() ({
      %run_scoped3A = tpu.sem_alloc : memref<!tpu.dma_semaphore, #tpu.memory_space<semaphore_mem>>
      %dma_start3A_147 = arith.constant 16 : i32
      %dma_start3A_148 = tpu.memref_slice %arg26[%dma_start3A_147] : memref<32xf32, #tpu.memory_space<vmem>> -> memref<16xf32, #tpu.memory_space<vmem>>
      %dma_start3A_149 = arith.constant 16 : i32
      %dma_start3A_150 = tpu.memref_slice %arg26[%dma_start3A_149] : memref<32xf32, #tpu.memory_space<vmem>> -> memref<16xf32, #tpu.memory_space<vmem>>
      tpu.enqueue_dma source(%arg7 : memref<16xf32, #tpu.memory_space<hbm>>) target(%dma_start3A_150 : memref<16xf32, #tpu.memory_space<vmem>>) target_semaphore(%run_scoped3A : memref<!tpu.dma_semaphore, #tpu.memory_space<semaphore_mem>>)
      %dma_wait3A = arith.constant 16 : i32
      %dma_wait3A_151 = tpu.memref_slice %arg26[%dma_wait3A] : memref<32xf32, #tpu.memory_space<vmem>> -> memref<16xf32, #tpu.memory_space<vmem>>
      %dma_wait3A_152 = arith.constant 16 : i32
      %dma_wait3A_153 = tpu.memref_slice %arg26[%dma_wait3A_152] : memref<32xf32, #tpu.memory_space<vmem>> -> memref<16xf32, #tpu.memory_space<vmem>>
      tpu.wait_dma2 semaphore(%run_scoped3A : memref<!tpu.dma_semaphore, #tpu.memory_space<semaphore_mem>>) src(%arg7 : memref<16xf32, #tpu.memory_space<hbm>>) dst(%dma_wait3A_153 : memref<16xf32, #tpu.memory_space<vmem>>)
      tpu.yield
    }) : () -> ()
    "tpu.region"() ({
      %run_scoped3A = tpu.sem_alloc : memref<!tpu.dma_semaphore, #tpu.memory_space<semaphore_mem>>
      %dma_start3A_147 = arith.constant 8 : i32
      %dma_start3A_148 = tpu.memref_slice %arg27[%dma_start3A_147] : memref<16xf32, #tpu.memory_space<vmem>> -> memref<2xf32, #tpu.memory_space<vmem>>
      %dma_start3A_149 = arith.constant 8 : i32
      %dma_start3A_150 = tpu.memref_slice %arg27[%dma_start3A_149] : memref<16xf32, #tpu.memory_space<vmem>> -> memref<2xf32, #tpu.memory_space<vmem>>
      tpu.enqueue_dma source(%arg8 : memref<2xf32, #tpu.memory_space<hbm>>) target(%dma_start3A_150 : memref<2xf32, #tpu.memory_space<vmem>>) target_semaphore(%run_scoped3A : memref<!tpu.dma_semaphore, #tpu.memory_space<semaphore_mem>>)
      %dma_wait3A = arith.constant 8 : i32
      %dma_wait3A_151 = tpu.memref_slice %arg27[%dma_wait3A] : memref<16xf32, #tpu.memory_space<vmem>> -> memref<2xf32, #tpu.memory_space<vmem>>
      %dma_wait3A_152 = arith.constant 8 : i32
      %dma_wait3A_153 = tpu.memref_slice %arg27[%dma_wait3A_152] : memref<16xf32, #tpu.memory_space<vmem>> -> memref<2xf32, #tpu.memory_space<vmem>>
      tpu.wait_dma2 semaphore(%run_scoped3A : memref<!tpu.dma_semaphore, #tpu.memory_space<semaphore_mem>>) src(%arg8 : memref<2xf32, #tpu.memory_space<hbm>>) dst(%dma_wait3A_153 : memref<2xf32, #tpu.memory_space<vmem>>)
      tpu.yield
    }) : () -> ()
    %broadcast_in_dim3A = arith.constant 16 : i32
    %broadcast_in_dim3A_2 = vector.broadcast %broadcast_in_dim3A : i32 to vector<16xi32>
    %gather3A = tpu.vector_load_idx %arg26[%broadcast_in_dim3A_2] : memref<32xf32, #tpu.memory_space<vmem>>[vector<16xi32>], vector<16xf32>,
    %broadcast_in_dim3A_3 = arith.constant 17 : i32
    %broadcast_in_dim3A_4 = vector.broadcast %broadcast_in_dim3A_3 : i32 to vector<16xi32>
    %gather3A_5 = tpu.vector_load_idx %arg26[%broadcast_in_dim3A_4] : memref<32xf32, #tpu.memory_space<vmem>>[vector<16xi32>], vector<16xf32>,
    %broadcast_in_dim3A_6 = arith.constant 18 : i32
    %broadcast_in_dim3A_7 = vector.broadcast %broadcast_in_dim3A_6 : i32 to vector<16xi32>
    %gather3A_8 = tpu.vector_load_idx %arg26[%broadcast_in_dim3A_7] : memref<32xf32, #tpu.memory_space<vmem>>[vector<16xi32>], vector<16xf32>,
    %broadcast_in_dim3A_9 = arith.constant 19 : i32
    %broadcast_in_dim3A_10 = vector.broadcast %broadcast_in_dim3A_9 : i32 to vector<16xi32>
    %gather3A_11 = tpu.vector_load_idx %arg26[%broadcast_in_dim3A_10] : memref<32xf32, #tpu.memory_space<vmem>>[vector<16xi32>], vector<16xf32>,
    %broadcast_in_dim3A_12 = arith.constant 20 : i32
    %broadcast_in_dim3A_13 = vector.broadcast %broadcast_in_dim3A_12 : i32 to vector<16xi32>
    %gather3A_14 = tpu.vector_load_idx %arg26[%broadcast_in_dim3A_13] : memref<32xf32, #tpu.memory_space<vmem>>[vector<16xi32>], vector<16xf32>,
    %broadcast_in_dim3A_15 = arith.constant 21 : i32
    %broadcast_in_dim3A_16 = vector.broadcast %broadcast_in_dim3A_15 : i32 to vector<16xi32>
    %gather3A_17 = tpu.vector_load_idx %arg26[%broadcast_in_dim3A_16] : memref<32xf32, #tpu.memory_space<vmem>>[vector<16xi32>], vector<16xf32>,
    %broadcast_in_dim3A_18 = arith.constant 22 : i32
    %broadcast_in_dim3A_19 = vector.broadcast %broadcast_in_dim3A_18 : i32 to vector<16xi32>
    %gather3A_20 = tpu.vector_load_idx %arg26[%broadcast_in_dim3A_19] : memref<32xf32, #tpu.memory_space<vmem>>[vector<16xi32>], vector<16xf32>,
    %broadcast_in_dim3A_21 = arith.constant 23 : i32
    %broadcast_in_dim3A_22 = vector.broadcast %broadcast_in_dim3A_21 : i32 to vector<16xi32>
    %gather3A_23 = tpu.vector_load_idx %arg26[%broadcast_in_dim3A_22] : memref<32xf32, #tpu.memory_space<vmem>>[vector<16xi32>], vector<16xf32>,
    %broadcast_in_dim3A_24 = arith.constant 24 : i32
    %broadcast_in_dim3A_25 = vector.broadcast %broadcast_in_dim3A_24 : i32 to vector<16xi32>
    %gather3A_26 = tpu.vector_load_idx %arg26[%broadcast_in_dim3A_25] : memref<32xf32, #tpu.memory_space<vmem>>[vector<16xi32>], vector<16xf32>,
    %broadcast_in_dim3A_27 = arith.constant 25 : i32
    %broadcast_in_dim3A_28 = vector.broadcast %broadcast_in_dim3A_27 : i32 to vector<16xi32>
    %gather3A_29 = tpu.vector_load_idx %arg26[%broadcast_in_dim3A_28] : memref<32xf32, #tpu.memory_space<vmem>>[vector<16xi32>], vector<16xf32>,
    %broadcast_in_dim3A_30 = arith.constant 26 : i32
    %broadcast_in_dim3A_31 = vector.broadcast %broadcast_in_dim3A_30 : i32 to vector<16xi32>
    %gather3A_32 = tpu.vector_load_idx %arg26[%broadcast_in_dim3A_31] : memref<32xf32, #tpu.memory_space<vmem>>[vector<16xi32>], vector<16xf32>,
    %broadcast_in_dim3A_33 = arith.constant 27 : i32
    %broadcast_in_dim3A_34 = vector.broadcast %broadcast_in_dim3A_33 : i32 to vector<16xi32>
    %gather3A_35 = tpu.vector_load_idx %arg26[%broadcast_in_dim3A_34] : memref<32xf32, #tpu.memory_space<vmem>>[vector<16xi32>], vector<16xf32>,
    %broadcast_in_dim3A_36 = arith.constant 28 : i32
    %broadcast_in_dim3A_37 = vector.broadcast %broadcast_in_dim3A_36 : i32 to vector<16xi32>
    %gather3A_38 = tpu.vector_load_idx %arg26[%broadcast_in_dim3A_37] : memref<32xf32, #tpu.memory_space<vmem>>[vector<16xi32>], vector<16xf32>,
    %broadcast_in_dim3A_39 = arith.constant 29 : i32
    %broadcast_in_dim3A_40 = vector.broadcast %broadcast_in_dim3A_39 : i32 to vector<16xi32>
    %gather3A_41 = tpu.vector_load_idx %arg26[%broadcast_in_dim3A_40] : memref<32xf32, #tpu.memory_space<vmem>>[vector<16xi32>], vector<16xf32>,
    %broadcast_in_dim3A_42 = arith.constant 30 : i32
    %broadcast_in_dim3A_43 = vector.broadcast %broadcast_in_dim3A_42 : i32 to vector<16xi32>
    %gather3A_44 = tpu.vector_load_idx %arg26[%broadcast_in_dim3A_43] : memref<32xf32, #tpu.memory_space<vmem>>[vector<16xi32>], vector<16xf32>,
    %broadcast_in_dim3A_45 = arith.constant 31 : i32
    %broadcast_in_dim3A_46 = vector.broadcast %broadcast_in_dim3A_45 : i32 to vector<16xi32>
    %gather3A_47 = tpu.vector_load_idx %arg26[%broadcast_in_dim3A_46] : memref<32xf32, #tpu.memory_space<vmem>>[vector<16xi32>], vector<16xf32>,
    %broadcast_in_dim3A_48 = arith.constant 8 : i32
    %broadcast_in_dim3A_49 = vector.broadcast %broadcast_in_dim3A_48 : i32 to vector<16xi32>
    %gather3A_50 = tpu.vector_load_idx %arg27[%broadcast_in_dim3A_49] : memref<16xf32, #tpu.memory_space<vmem>>[vector<16xi32>], vector<16xf32>,
    %broadcast_in_dim3A_51 = arith.constant 9 : i32
    %broadcast_in_dim3A_52 = vector.broadcast %broadcast_in_dim3A_51 : i32 to vector<16xi32>
    %gather3A_53 = tpu.vector_load_idx %arg27[%broadcast_in_dim3A_52] : memref<16xf32, #tpu.memory_space<vmem>>[vector<16xi32>], vector<16xf32>,
    %mul3A_54 = arith.constant 512 : i32
    %mul3A_55 = arith.muli %add3A, %mul3A_54 : i32
    %add3A_56 = arith.constant 0 : i32
    %add3A_57 = arith.addi %mul3A_55, %add3A_56 : i32
    %mul3A_58 = arith.constant 50 : i32
    %mul3A_59 = arith.muli %add3A_57, %mul3A_58 : i32
    "tpu.region"() ({
      %run_scoped3A = tpu.sem_alloc : memref<!tpu.dma_semaphore, #tpu.memory_space<semaphore_mem>>
      %dma_start3A_147 = tpu.memref_slice %arg4[%mul3A_59] : memref<819200xi32, #tpu.memory_space<hbm>> -> memref<3200xi32, #tpu.memory_space<hbm>>
      %dma_start3A_148 = tpu.memref_slice %arg4[%mul3A_59] : memref<819200xi32, #tpu.memory_space<hbm>> -> memref<3200xi32, #tpu.memory_space<hbm>>
      tpu.enqueue_dma source(%dma_start3A_148 : memref<3200xi32, #tpu.memory_space<hbm>>) target(%arg13 : memref<3200xi32, #tpu.memory_space<vmem>>) target_semaphore(%run_scoped3A : memref<!tpu.dma_semaphore, #tpu.memory_space<semaphore_mem>>)
      %dma_wait3A = tpu.memref_slice %arg4[%mul3A_59] : memref<819200xi32, #tpu.memory_space<hbm>> -> memref<3200xi32, #tpu.memory_space<hbm>>
      %dma_wait3A_149 = tpu.memref_slice %arg4[%mul3A_59] : memref<819200xi32, #tpu.memory_space<hbm>> -> memref<3200xi32, #tpu.memory_space<hbm>>
      tpu.wait_dma2 semaphore(%run_scoped3A : memref<!tpu.dma_semaphore, #tpu.memory_space<semaphore_mem>>) src(%dma_wait3A_149 : memref<3200xi32, #tpu.memory_space<hbm>>) dst(%arg13 : memref<3200xi32, #tpu.memory_space<vmem>>)
      tpu.yield
    }) : () -> ()
    %scan3A = arith.constant 0 : i32
    %scan3A_60 = arith.constant 0 : i32
    %scan3A_61 = arith.constant 25 : i32
    %scan3A_62 = arith.addi %scan3A_60, %scan3A_61 : i32
    %scan3A_63 = arith.constant 1 : i32
    scf.for %scan3A_147 = %scan3A_60 to %scan3A_62 step %scan3A_63  : i32 {
      %mul3A_148 = arith.constant 128 : i32
      %mul3A_149 = arith.muli %scan3A_147, %mul3A_148 : i32
      %mul3A_150 = arith.constant 128 : i32
      %mul3A_151 = arith.muli %scan3A_147, %mul3A_150 : i32
      %dma_start3A_152 = arith.constant 0 : i32
      %dma_start3A_153 = tpu.memref_slice %arg15[%mul3A_151, %dma_start3A_152] : memref<3200x16xf32, #tpu.memory_space<vmem>> -> memref<128x16xf32, #tpu.memory_space<vmem>>
      %dma_start3A_154 = tpu.memref_slice %arg13[%mul3A_149] : memref<3200xi32, #tpu.memory_space<vmem>> -> memref<128xi32, #tpu.memory_space<vmem>>
      %dma_start3A_155 = arith.constant 0 : i32
      %dma_start3A_156 = arith.constant 0 : i32
      %dma_start3A_157 = tpu.memref_slice %arg6[%dma_start3A_155, %dma_start3A_156] : memref<100000x16xf32, #tpu.memory_space<hbm>> -> memref<100000x16xf32, #tpu.memory_space<hbm>>
      tpu.enqueue_indirect_dma source(%dma_start3A_157 : memref<100000x16xf32, #tpu.memory_space<hbm>>) target(%dma_start3A_153 : memref<128x16xf32, #tpu.memory_space<vmem>>) offsets(%dma_start3A_154 : memref<128xi32, #tpu.memory_space<vmem>>) semaphore(%arg29 : memref<!tpu.dma_semaphore, #tpu.memory_space<semaphore_mem>>)
    }
    %scan3A_64 = arith.constant 25 : i32
    %mul3A_65 = arith.constant 512 : i32
    %mul3A_66 = arith.muli %add3A, %mul3A_65 : i32
    %add3A_67 = arith.constant 0 : i32
    %add3A_68 = arith.addi %mul3A_66, %add3A_67 : i32
    %mul3A_69 = arith.constant 50 : i32
    %mul3A_70 = arith.muli %add3A_68, %mul3A_69 : i32
    "tpu.region"() ({
      %run_scoped3A = tpu.sem_alloc : memref<!tpu.dma_semaphore, #tpu.memory_space<semaphore_mem>>
      %dma_start3A_147 = tpu.memref_slice %arg5[%mul3A_70] : memref<819200xi32, #tpu.memory_space<hbm>> -> memref<3200xi32, #tpu.memory_space<hbm>>
      %dma_start3A_148 = tpu.memref_slice %arg5[%mul3A_70] : memref<819200xi32, #tpu.memory_space<hbm>> -> memref<3200xi32, #tpu.memory_space<hbm>>
      tpu.enqueue_dma source(%dma_start3A_148 : memref<3200xi32, #tpu.memory_space<hbm>>) target(%arg14 : memref<3200xi32, #tpu.memory_space<vmem>>) target_semaphore(%run_scoped3A : memref<!tpu.dma_semaphore, #tpu.memory_space<semaphore_mem>>)
      %dma_wait3A = tpu.memref_slice %arg5[%mul3A_70] : memref<819200xi32, #tpu.memory_space<hbm>> -> memref<3200xi32, #tpu.memory_space<hbm>>
      %dma_wait3A_149 = tpu.memref_slice %arg5[%mul3A_70] : memref<819200xi32, #tpu.memory_space<hbm>> -> memref<3200xi32, #tpu.memory_space<hbm>>
      tpu.wait_dma2 semaphore(%run_scoped3A : memref<!tpu.dma_semaphore, #tpu.memory_space<semaphore_mem>>) src(%dma_wait3A_149 : memref<3200xi32, #tpu.memory_space<hbm>>) dst(%arg14 : memref<3200xi32, #tpu.memory_space<vmem>>)
      tpu.yield
    }) : () -> ()
    %scan3A_71 = arith.constant 0 : i32
    %scan3A_72 = arith.constant 0 : i32
    %scan3A_73 = arith.constant 25 : i32
    %scan3A_74 = arith.addi %scan3A_72, %scan3A_73 : i32
    %scan3A_75 = arith.constant 1 : i32
    scf.for %scan3A_147 = %scan3A_72 to %scan3A_74 step %scan3A_75  : i32 {
      %mul3A_148 = arith.constant 128 : i32
      %mul3A_149 = arith.muli %scan3A_147, %mul3A_148 : i32
      %mul3A_150 = arith.constant 128 : i32
      %mul3A_151 = arith.muli %scan3A_147, %mul3A_150 : i32
      %dma_start3A_152 = arith.constant 0 : i32
      %dma_start3A_153 = tpu.memref_slice %arg16[%mul3A_151, %dma_start3A_152] : memref<3200x16xf32, #tpu.memory_space<vmem>> -> memref<128x16xf32, #tpu.memory_space<vmem>>
      %dma_start3A_154 = tpu.memref_slice %arg14[%mul3A_149] : memref<3200xi32, #tpu.memory_space<vmem>> -> memref<128xi32, #tpu.memory_space<vmem>>
      %dma_start3A_155 = arith.constant 0 : i32
      %dma_start3A_156 = arith.constant 0 : i32
      %dma_start3A_157 = tpu.memref_slice %arg6[%dma_start3A_155, %dma_start3A_156] : memref<100000x16xf32, #tpu.memory_space<hbm>> -> memref<100000x16xf32, #tpu.memory_space<hbm>>
      tpu.enqueue_indirect_dma source(%dma_start3A_157 : memref<100000x16xf32, #tpu.memory_space<hbm>>) target(%dma_start3A_153 : memref<128x16xf32, #tpu.memory_space<vmem>>) offsets(%dma_start3A_154 : memref<128xi32, #tpu.memory_space<vmem>>) semaphore(%arg30 : memref<!tpu.dma_semaphore, #tpu.memory_space<semaphore_mem>>)
    }
    %scan3A_76 = arith.constant 25 : i32
    %mul3A_77 = arith.constant 512 : i32
    %mul3A_78 = arith.muli %add3A, %mul3A_77 : i32
    %add3A_79 = arith.constant 0 : i32
    %add3A_80 = arith.addi %mul3A_78, %add3A_79 : i32
    "tpu.region"() ({
      %run_scoped3A = tpu.sem_alloc : memref<!tpu.dma_semaphore, #tpu.memory_space<semaphore_mem>>
      %dma_start3A_147 = tpu.memref_slice %arg2[%add3A_80] : memref<16384xi32, #tpu.memory_space<hbm>> -> memref<64xi32, #tpu.memory_space<hbm>>
      %dma_start3A_148 = tpu.memref_slice %arg2[%add3A_80] : memref<16384xi32, #tpu.memory_space<hbm>> -> memref<64xi32, #tpu.memory_space<hbm>>
      tpu.enqueue_dma source(%dma_start3A_148 : memref<64xi32, #tpu.memory_space<hbm>>) target(%arg19 : memref<64xi32, #tpu.memory_space<vmem>>) target_semaphore(%run_scoped3A : memref<!tpu.dma_semaphore, #tpu.memory_space<semaphore_mem>>)
      %dma_wait3A = tpu.memref_slice %arg2[%add3A_80] : memref<16384xi32, #tpu.memory_space<hbm>> -> memref<64xi32, #tpu.memory_space<hbm>>
      %dma_wait3A_149 = tpu.memref_slice %arg2[%add3A_80] : memref<16384xi32, #tpu.memory_space<hbm>> -> memref<64xi32, #tpu.memory_space<hbm>>
      tpu.wait_dma2 semaphore(%run_scoped3A : memref<!tpu.dma_semaphore, #tpu.memory_space<semaphore_mem>>) src(%dma_wait3A_149 : memref<64xi32, #tpu.memory_space<hbm>>) dst(%arg19 : memref<64xi32, #tpu.memory_space<vmem>>)
      tpu.yield
    }) : () -> ()
    "tpu.region"() ({
      %run_scoped3A = tpu.sem_alloc : memref<!tpu.dma_semaphore, #tpu.memory_space<semaphore_mem>>
      %dma_start3A_147 = tpu.memref_slice %arg3[%add3A_80] : memref<16384xi32, #tpu.memory_space<hbm>> -> memref<64xi32, #tpu.memory_space<hbm>>
      %dma_start3A_148 = tpu.memref_slice %arg3[%add3A_80] : memref<16384xi32, #tpu.memory_space<hbm>> -> memref<64xi32, #tpu.memory_space<hbm>>
      tpu.enqueue_dma source(%dma_start3A_148 : memref<64xi32, #tpu.memory_space<hbm>>) target(%arg20 : memref<64xi32, #tpu.memory_space<vmem>>) target_semaphore(%run_scoped3A : memref<!tpu.dma_semaphore, #tpu.memory_space<semaphore_mem>>)
      %dma_wait3A = tpu.memref_slice %arg3[%add3A_80] : memref<16384xi32, #tpu.memory_space<hbm>> -> memref<64xi32, #tpu.memory_space<hbm>>
      %dma_wait3A_149 = tpu.memref_slice %arg3[%add3A_80] : memref<16384xi32, #tpu.memory_space<hbm>> -> memref<64xi32, #tpu.memory_space<hbm>>
      tpu.wait_dma2 semaphore(%run_scoped3A : memref<!tpu.dma_semaphore, #tpu.memory_space<semaphore_mem>>) src(%dma_wait3A_149 : memref<64xi32, #tpu.memory_space<hbm>>) dst(%arg20 : memref<64xi32, #tpu.memory_space<vmem>>)
      tpu.yield
    }) : () -> ()
    %get3A_81 = arith.constant 0 : index
    %get3A_82 = tpu.vector_load %arg19[%get3A_81] {strides = array<i32>} : memref<64xi32, #tpu.memory_space<vmem>>, vector<16xi32>,
    %shift_right_logical3A = arith.constant 4 : i32
    %shift_right_logical3A_83 = vector.broadcast %shift_right_logical3A : i32 to vector<16xi32>
    %shift_right_logical3A_84 = arith.shrui %get3A_82, %shift_right_logical3A_83 : vector<16xi32>
    %swap3A = arith.constant 0 : index
    %swap3A_85 = tpu.vector_load %arg21[%swap3A] {strides = array<i32>} : memref<64xi32, #tpu.memory_space<vmem>>, vector<16xi32>,
    tpu.vector_store %arg21[%swap3A], %shift_right_logical3A_84 {strides = array<i32>} : memref<64xi32, #tpu.memory_space<vmem>>, vector<16xi32>,
    %get3A_86 = arith.constant 0 : index
    %get3A_87 = tpu.vector_load %arg20[%get3A_86] {strides = array<i32>} : memref<64xi32, #tpu.memory_space<vmem>>, vector<16xi32>,
    %shift_right_logical3A_88 = arith.constant 4 : i32
    %shift_right_logical3A_89 = vector.broadcast %shift_right_logical3A_88 : i32 to vector<16xi32>
    %shift_right_logical3A_90 = arith.shrui %get3A_87, %shift_right_logical3A_89 : vector<16xi32>
    %swap3A_91 = arith.constant 0 : index
    %swap3A_92 = tpu.vector_load %arg22[%swap3A_91] {strides = array<i32>} : memref<64xi32, #tpu.memory_space<vmem>>, vector<16xi32>,
    tpu.vector_store %arg22[%swap3A_91], %shift_right_logical3A_90 {strides = array<i32>} : memref<64xi32, #tpu.memory_space<vmem>>, vector<16xi32>,
    %get3A_93 = arith.constant 16 : index
    %get3A_94 = tpu.vector_load %arg19[%get3A_93] {strides = array<i32>} : memref<64xi32, #tpu.memory_space<vmem>>, vector<16xi32>,
    %shift_right_logical3A_95 = arith.constant 4 : i32
    %shift_right_logical3A_96 = vector.broadcast %shift_right_logical3A_95 : i32 to vector<16xi32>
    %shift_right_logical3A_97 = arith.shrui %get3A_94, %shift_right_logical3A_96 : vector<16xi32>
    %swap3A_98 = arith.constant 16 : index
    %swap3A_99 = tpu.vector_load %arg21[%swap3A_98] {strides = array<i32>} : memref<64xi32, #tpu.memory_space<vmem>>, vector<16xi32>,
    tpu.vector_store %arg21[%swap3A_98], %shift_right_logical3A_97 {strides = array<i32>} : memref<64xi32, #tpu.memory_space<vmem>>, vector<16xi32>,
    %get3A_100 = arith.constant 16 : index
    %get3A_101 = tpu.vector_load %arg20[%get3A_100] {strides = array<i32>} : memref<64xi32, #tpu.memory_space<vmem>>, vector<16xi32>,
    %shift_right_logical3A_102 = arith.constant 4 : i32
    %shift_right_logical3A_103 = vector.broadcast %shift_right_logical3A_102 : i32 to vector<16xi32>
    %shift_right_logical3A_104 = arith.shrui %get3A_101, %shift_right_logical3A_103 : vector<16xi32>
    %swap3A_105 = arith.constant 16 : index
    %swap3A_106 = tpu.vector_load %arg22[%swap3A_105] {strides = array<i32>} : memref<64xi32, #tpu.memory_space<vmem>>, vector<16xi32>,
    tpu.vector_store %arg22[%swap3A_105], %shift_right_logical3A_104 {strides = array<i32>} : memref<64xi32, #tpu.memory_space<vmem>>, vector<16xi32>,
    %get3A_107 = arith.constant 32 : index
    %get3A_108 = tpu.vector_load %arg19[%get3A_107] {strides = array<i32>} : memref<64xi32, #tpu.memory_space<vmem>>, vector<16xi32>,
    %shift_right_logical3A_109 = arith.constant 4 : i32
    %shift_right_logical3A_110 = vector.broadcast %shift_right_logical3A_109 : i32 to vector<16xi32>
    %shift_right_logical3A_111 = arith.shrui %get3A_108, %shift_right_logical3A_110 : vector<16xi32>
    %swap3A_112 = arith.constant 32 : index
    %swap3A_113 = tpu.vector_load %arg21[%swap3A_112] {strides = array<i32>} : memref<64xi32, #tpu.memory_space<vmem>>, vector<16xi32>,
    tpu.vector_store %arg21[%swap3A_112], %shift_right_logical3A_111 {strides = array<i32>} : memref<64xi32, #tpu.memory_space<vmem>>, vector<16xi32>,
    %get3A_114 = arith.constant 32 : index
    %get3A_115 = tpu.vector_load %arg20[%get3A_114] {strides = array<i32>} : memref<64xi32, #tpu.memory_space<vmem>>, vector<16xi32>,
    %shift_right_logical3A_116 = arith.constant 4 : i32
    %shift_right_logical3A_117 = vector.broadcast %shift_right_logical3A_116 : i32 to vector<16xi32>
    %shift_right_logical3A_118 = arith.shrui %get3A_115, %shift_right_logical3A_117 : vector<16xi32>
    %swap3A_119 = arith.constant 32 : index
    %swap3A_120 = tpu.vector_load %arg22[%swap3A_119] {strides = array<i32>} : memref<64xi32, #tpu.memory_space<vmem>>, vector<16xi32>,
    tpu.vector_store %arg22[%swap3A_119], %shift_right_logical3A_118 {strides = array<i32>} : memref<64xi32, #tpu.memory_space<vmem>>, vector<16xi32>,
    %get3A_121 = arith.constant 48 : index
    %get3A_122 = tpu.vector_load %arg19[%get3A_121] {strides = array<i32>} : memref<64xi32, #tpu.memory_space<vmem>>, vector<16xi32>,
    %shift_right_logical3A_123 = arith.constant 4 : i32
    %shift_right_logical3A_124 = vector.broadcast %shift_right_logical3A_123 : i32 to vector<16xi32>
    %shift_right_logical3A_125 = arith.shrui %get3A_122, %shift_right_logical3A_124 : vector<16xi32>
    %swap3A_126 = arith.constant 48 : index
    %swap3A_127 = tpu.vector_load %arg21[%swap3A_126] {strides = array<i32>} : memref<64xi32, #tpu.memory_space<vmem>>, vector<16xi32>,
    tpu.vector_store %arg21[%swap3A_126], %shift_right_logical3A_125 {strides = array<i32>} : memref<64xi32, #tpu.memory_space<vmem>>, vector<16xi32>,
    %get3A_128 = arith.constant 48 : index
    %get3A_129 = tpu.vector_load %arg20[%get3A_128] {strides = array<i32>} : memref<64xi32, #tpu.memory_space<vmem>>, vector<16xi32>,
    %shift_right_logical3A_130 = arith.constant 4 : i32
    %shift_right_logical3A_131 = vector.broadcast %shift_right_logical3A_130 : i32 to vector<16xi32>
    %shift_right_logical3A_132 = arith.shrui %get3A_129, %shift_right_logical3A_131 : vector<16xi32>
    %swap3A_133 = arith.constant 48 : index
    %swap3A_134 = tpu.vector_load %arg22[%swap3A_133] {strides = array<i32>} : memref<64xi32, #tpu.memory_space<vmem>>, vector<16xi32>,
    tpu.vector_store %arg22[%swap3A_133], %shift_right_logical3A_132 {strides = array<i32>} : memref<64xi32, #tpu.memory_space<vmem>>, vector<16xi32>,
    %dma_start3A = arith.constant 0 : i32
    %dma_start3A_135 = arith.constant 0 : i32
    %dma_start3A_136 = tpu.memref_slice %arg10[%dma_start3A, %dma_start3A_135] : memref<62500x16xf32, #tpu.memory_space<hbm>> -> memref<62500x16xf32, #tpu.memory_space<hbm>>
    tpu.enqueue_indirect_dma source(%dma_start3A_136 : memref<62500x16xf32, #tpu.memory_space<hbm>>) target(%arg23 : memref<64x16xf32, #tpu.memory_space<vmem>>) offsets(%arg21 : memref<64xi32, #tpu.memory_space<vmem>>) semaphore(%arg31 : memref<!tpu.dma_semaphore, #tpu.memory_space<semaphore_mem>>)
    %dma_start3A_137 = arith.constant 0 : i32
    %dma_start3A_138 = arith.constant 0 : i32
    %dma_start3A_139 = tpu.memref_slice %arg11[%dma_start3A_137, %dma_start3A_138] : memref<62500x16xf32, #tpu.memory_space<hbm>> -> memref<62500x16xf32, #tpu.memory_space<hbm>>
    tpu.enqueue_indirect_dma source(%dma_start3A_139 : memref<62500x16xf32, #tpu.memory_space<hbm>>) target(%arg24 : memref<64x16xf32, #tpu.memory_space<vmem>>) offsets(%arg22 : memref<64xi32, #tpu.memory_space<vmem>>) semaphore(%arg31 : memref<!tpu.dma_semaphore, #tpu.memory_space<semaphore_mem>>)
    %scan3A_140 = arith.constant 0 : i32
    %scan3A_141 = arith.constant 0xFF800000 : f32
    %scan3A_142 = arith.constant 0 : i32
    %scan3A_143 = arith.constant 8 : i32
    %scan3A_144 = arith.addi %scan3A_142, %scan3A_143 : i32
    %scan3A_145 = arith.constant 1 : i32
    scf.for %scan3A_147 = %scan3A_142 to %scan3A_144 step %scan3A_145  : i32 {
      %mul3A_148 = arith.constant 512 : i32
      %mul3A_149 = arith.muli %add3A, %mul3A_148 : i32
      %mul3A_150 = arith.constant 64 : i32
      %mul3A_151 = arith.muli %scan3A_147, %mul3A_150 : i32
      %add3A_152 = arith.addi %mul3A_149, %mul3A_151 : i32
      %scan3A_153 = arith.constant 0 : i32
      %scan3A_154 = arith.constant 0 : i32
      %scan3A_155 = arith.constant 25 : i32
      %scan3A_156 = arith.addi %scan3A_154, %scan3A_155 : i32
      %scan3A_157 = arith.constant 1 : i32
      scf.for %scan3A_304 = %scan3A_154 to %scan3A_156 step %scan3A_157  : i32 {
        %mul3A_305 = arith.constant 128 : i32
        %mul3A_306 = arith.muli %scan3A_304, %mul3A_305 : i32
        %mul3A_307 = arith.constant 128 : i32
        %mul3A_308 = arith.muli %scan3A_304, %mul3A_307 : i32
        %dma_wait3A_309 = arith.constant 0 : i32
        %dma_wait3A_310 = tpu.memref_slice %arg15[%mul3A_308, %dma_wait3A_309] : memref<3200x16xf32, #tpu.memory_space<vmem>> -> memref<128x16xf32, #tpu.memory_space<vmem>>
        %dma_wait3A_311 = tpu.memref_slice %arg13[%mul3A_306] : memref<3200xi32, #tpu.memory_space<vmem>> -> memref<128xi32, #tpu.memory_space<vmem>>
        %dma_wait3A_312 = arith.constant 0 : i32
        %dma_wait3A_313 = arith.constant 0 : i32
        %dma_wait3A_314 = tpu.memref_slice %arg6[%dma_wait3A_312, %dma_wait3A_313] : memref<100000x16xf32, #tpu.memory_space<hbm>> -> memref<100000x16xf32, #tpu.memory_space<hbm>>
        tpu.wait_indirect_dma semaphore(%arg29 : memref<!tpu.dma_semaphore, #tpu.memory_space<semaphore_mem>>) src(%dma_wait3A_314 : memref<100000x16xf32, #tpu.memory_space<hbm>>) dst(%dma_wait3A_310 : memref<128x16xf32, #tpu.memory_space<vmem>>)
      }
      %scan3A_158 = arith.constant 25 : i32
      %scan3A_159 = arith.constant 0 : i32
      %scan3A_160 = arith.constant 0 : i32
      %scan3A_161 = arith.constant 100 : i32
      %scan3A_162 = arith.addi %scan3A_160, %scan3A_161 : i32
      %scan3A_163 = arith.constant 1 : i32
      scf.for %scan3A_304 = %scan3A_160 to %scan3A_162 step %scan3A_163  : i32 {
        %mul3A_305 = arith.constant 2 : i32
        %mul3A_306 = arith.muli %scan3A_304, %mul3A_305 : i32
        %add3A_307 = arith.constant 0 : i32
        %add3A_308 = arith.addi %mul3A_306, %add3A_307 : i32
        %broadcast_in_dim3A_309 = arith.constant 0.000000e+00 : f32
        %broadcast_in_dim3A_310 = vector.broadcast %broadcast_in_dim3A_309 : f32 to vector<16xf32>
        %mul3A_311 = arith.constant 16 : i32
        %mul3A_312 = arith.muli %add3A_308, %mul3A_311 : i32
        %add3A_313 = vector.broadcast %mul3A_312 : i32 to vector<16xi32>
        %add3A_314 = arith.addi %add3A_313, %iota3A : vector<16xi32>
        %gather3A_315 = tpu.vector_load_idx %arg15[%add3A_314, %get3A_1] : memref<3200x16xf32, #tpu.memory_space<vmem>>[vector<16xi32>, vector<16xi32>], vector<16xf32>,
        %mul3A_316 = arith.mulf %gather3A_315, %gather3A : vector<16xf32>
        %add3A_317 = arith.addf %gather3A_50, %mul3A_316 : vector<16xf32>
        %broadcast_in_dim3A_318 = arith.constant 1 : i32
        %broadcast_in_dim3A_319 = vector.broadcast %broadcast_in_dim3A_318 : i32 to vector<16xi32>
        %mul3A_320 = arith.constant 16 : i32
        %mul3A_321 = arith.muli %add3A_308, %mul3A_320 : i32
        %add3A_322 = vector.broadcast %mul3A_321 : i32 to vector<16xi32>
        %add3A_323 = arith.addi %add3A_322, %iota3A : vector<16xi32>
        %gather3A_324 = tpu.vector_load_idx %arg15[%add3A_323, %broadcast_in_dim3A_319] : memref<3200x16xf32, #tpu.memory_space<vmem>>[vector<16xi32>, vector<16xi32>], vector<16xf32>,
        %mul3A_325 = arith.mulf %gather3A_324, %gather3A_5 : vector<16xf32>
        %add3A_326 = arith.addf %broadcast_in_dim3A_310, %mul3A_325 : vector<16xf32>
        %broadcast_in_dim3A_327 = arith.constant 2 : i32
        %broadcast_in_dim3A_328 = vector.broadcast %broadcast_in_dim3A_327 : i32 to vector<16xi32>
        %mul3A_329 = arith.constant 16 : i32
        %mul3A_330 = arith.muli %add3A_308, %mul3A_329 : i32
        %add3A_331 = vector.broadcast %mul3A_330 : i32 to vector<16xi32>
        %add3A_332 = arith.addi %add3A_331, %iota3A : vector<16xi32>
        %gather3A_333 = tpu.vector_load_idx %arg15[%add3A_332, %broadcast_in_dim3A_328] : memref<3200x16xf32, #tpu.memory_space<vmem>>[vector<16xi32>, vector<16xi32>], vector<16xf32>,
        %mul3A_334 = arith.mulf %gather3A_333, %gather3A_8 : vector<16xf32>
        %add3A_335 = arith.addf %add3A_317, %mul3A_334 : vector<16xf32>
        %broadcast_in_dim3A_336 = arith.constant 3 : i32
        %broadcast_in_dim3A_337 = vector.broadcast %broadcast_in_dim3A_336 : i32 to vector<16xi32>
        %mul3A_338 = arith.constant 16 : i32
        %mul3A_339 = arith.muli %add3A_308, %mul3A_338 : i32
        %add3A_340 = vector.broadcast %mul3A_339 : i32 to vector<16xi32>
        %add3A_341 = arith.addi %add3A_340, %iota3A : vector<16xi32>
        %gather3A_342 = tpu.vector_load_idx %arg15[%add3A_341, %broadcast_in_dim3A_337] : memref<3200x16xf32, #tpu.memory_space<vmem>>[vector<16xi32>, vector<16xi32>], vector<16xf32>,
        %mul3A_343 = arith.mulf %gather3A_342, %gather3A_11 : vector<16xf32>
        %add3A_344 = arith.addf %add3A_326, %mul3A_343 : vector<16xf32>
        %broadcast_in_dim3A_345 = arith.constant 4 : i32
        %broadcast_in_dim3A_346 = vector.broadcast %broadcast_in_dim3A_345 : i32 to vector<16xi32>
        %mul3A_347 = arith.constant 16 : i32
        %mul3A_348 = arith.muli %add3A_308, %mul3A_347 : i32
        %add3A_349 = vector.broadcast %mul3A_348 : i32 to vector<16xi32>
        %add3A_350 = arith.addi %add3A_349, %iota3A : vector<16xi32>
        %gather3A_351 = tpu.vector_load_idx %arg15[%add3A_350, %broadcast_in_dim3A_346] : memref<3200x16xf32, #tpu.memory_space<vmem>>[vector<16xi32>, vector<16xi32>], vector<16xf32>,
        %mul3A_352 = arith.mulf %gather3A_351, %gather3A_14 : vector<16xf32>
        %add3A_353 = arith.addf %add3A_335, %mul3A_352 : vector<16xf32>
        %broadcast_in_dim3A_354 = arith.constant 5 : i32
        %broadcast_in_dim3A_355 = vector.broadcast %broadcast_in_dim3A_354 : i32 to vector<16xi32>
        %mul3A_356 = arith.constant 16 : i32
        %mul3A_357 = arith.muli %add3A_308, %mul3A_356 : i32
        %add3A_358 = vector.broadcast %mul3A_357 : i32 to vector<16xi32>
        %add3A_359 = arith.addi %add3A_358, %iota3A : vector<16xi32>
        %gather3A_360 = tpu.vector_load_idx %arg15[%add3A_359, %broadcast_in_dim3A_355] : memref<3200x16xf32, #tpu.memory_space<vmem>>[vector<16xi32>, vector<16xi32>], vector<16xf32>,
        %mul3A_361 = arith.mulf %gather3A_360, %gather3A_17 : vector<16xf32>
        %add3A_362 = arith.addf %add3A_344, %mul3A_361 : vector<16xf32>
        %broadcast_in_dim3A_363 = arith.constant 6 : i32
        %broadcast_in_dim3A_364 = vector.broadcast %broadcast_in_dim3A_363 : i32 to vector<16xi32>
        %mul3A_365 = arith.constant 16 : i32
        %mul3A_366 = arith.muli %add3A_308, %mul3A_365 : i32
        %add3A_367 = vector.broadcast %mul3A_366 : i32 to vector<16xi32>
        %add3A_368 = arith.addi %add3A_367, %iota3A : vector<16xi32>
        %gather3A_369 = tpu.vector_load_idx %arg15[%add3A_368, %broadcast_in_dim3A_364] : memref<3200x16xf32, #tpu.memory_space<vmem>>[vector<16xi32>, vector<16xi32>], vector<16xf32>,
        %mul3A_370 = arith.mulf %gather3A_369, %gather3A_20 : vector<16xf32>
        %add3A_371 = arith.addf %add3A_353, %mul3A_370 : vector<16xf32>
        %broadcast_in_dim3A_372 = arith.constant 7 : i32
        %broadcast_in_dim3A_373 = vector.broadcast %broadcast_in_dim3A_372 : i32 to vector<16xi32>
        %mul3A_374 = arith.constant 16 : i32
        %mul3A_375 = arith.muli %add3A_308, %mul3A_374 : i32
        %add3A_376 = vector.broadcast %mul3A_375 : i32 to vector<16xi32>
        %add3A_377 = arith.addi %add3A_376, %iota3A : vector<16xi32>
        %gather3A_378 = tpu.vector_load_idx %arg15[%add3A_377, %broadcast_in_dim3A_373] : memref<3200x16xf32, #tpu.memory_space<vmem>>[vector<16xi32>, vector<16xi32>], vector<16xf32>,
        %mul3A_379 = arith.mulf %gather3A_378, %gather3A_23 : vector<16xf32>
        %add3A_380 = arith.addf %add3A_362, %mul3A_379 : vector<16xf32>
        %broadcast_in_dim3A_381 = arith.constant 8 : i32
        %broadcast_in_dim3A_382 = vector.broadcast %broadcast_in_dim3A_381 : i32 to vector<16xi32>
        %mul3A_383 = arith.constant 16 : i32
        %mul3A_384 = arith.muli %add3A_308, %mul3A_383 : i32
        %add3A_385 = vector.broadcast %mul3A_384 : i32 to vector<16xi32>
        %add3A_386 = arith.addi %add3A_385, %iota3A : vector<16xi32>
        %gather3A_387 = tpu.vector_load_idx %arg15[%add3A_386, %broadcast_in_dim3A_382] : memref<3200x16xf32, #tpu.memory_space<vmem>>[vector<16xi32>, vector<16xi32>], vector<16xf32>,
        %mul3A_388 = arith.mulf %gather3A_387, %gather3A_26 : vector<16xf32>
        %add3A_389 = arith.addf %add3A_371, %mul3A_388 : vector<16xf32>
        %broadcast_in_dim3A_390 = arith.constant 9 : i32
        %broadcast_in_dim3A_391 = vector.broadcast %broadcast_in_dim3A_390 : i32 to vector<16xi32>
        %mul3A_392 = arith.constant 16 : i32
        %mul3A_393 = arith.muli %add3A_308, %mul3A_392 : i32
        %add3A_394 = vector.broadcast %mul3A_393 : i32 to vector<16xi32>
        %add3A_395 = arith.addi %add3A_394, %iota3A : vector<16xi32>
        %gather3A_396 = tpu.vector_load_idx %arg15[%add3A_395, %broadcast_in_dim3A_391] : memref<3200x16xf32, #tpu.memory_space<vmem>>[vector<16xi32>, vector<16xi32>], vector<16xf32>,
        %mul3A_397 = arith.mulf %gather3A_396, %gather3A_29 : vector<16xf32>
        %add3A_398 = arith.addf %add3A_380, %mul3A_397 : vector<16xf32>
        %broadcast_in_dim3A_399 = arith.constant 10 : i32
        %broadcast_in_dim3A_400 = vector.broadcast %broadcast_in_dim3A_399 : i32 to vector<16xi32>
        %mul3A_401 = arith.constant 16 : i32
        %mul3A_402 = arith.muli %add3A_308, %mul3A_401 : i32
        %add3A_403 = vector.broadcast %mul3A_402 : i32 to vector<16xi32>
        %add3A_404 = arith.addi %add3A_403, %iota3A : vector<16xi32>
        %gather3A_405 = tpu.vector_load_idx %arg15[%add3A_404, %broadcast_in_dim3A_400] : memref<3200x16xf32, #tpu.memory_space<vmem>>[vector<16xi32>, vector<16xi32>], vector<16xf32>,
        %mul3A_406 = arith.mulf %gather3A_405, %gather3A_32 : vector<16xf32>
        %add3A_407 = arith.addf %add3A_389, %mul3A_406 : vector<16xf32>
        %broadcast_in_dim3A_408 = arith.constant 11 : i32
        %broadcast_in_dim3A_409 = vector.broadcast %broadcast_in_dim3A_408 : i32 to vector<16xi32>
        %mul3A_410 = arith.constant 16 : i32
        %mul3A_411 = arith.muli %add3A_308, %mul3A_410 : i32
        %add3A_412 = vector.broadcast %mul3A_411 : i32 to vector<16xi32>
        %add3A_413 = arith.addi %add3A_412, %iota3A : vector<16xi32>
        %gather3A_414 = tpu.vector_load_idx %arg15[%add3A_413, %broadcast_in_dim3A_409] : memref<3200x16xf32, #tpu.memory_space<vmem>>[vector<16xi32>, vector<16xi32>], vector<16xf32>,
        %mul3A_415 = arith.mulf %gather3A_414, %gather3A_35 : vector<16xf32>
        %add3A_416 = arith.addf %add3A_398, %mul3A_415 : vector<16xf32>
        %broadcast_in_dim3A_417 = arith.constant 12 : i32
        %broadcast_in_dim3A_418 = vector.broadcast %broadcast_in_dim3A_417 : i32 to vector<16xi32>
        %mul3A_419 = arith.constant 16 : i32
        %mul3A_420 = arith.muli %add3A_308, %mul3A_419 : i32
        %add3A_421 = vector.broadcast %mul3A_420 : i32 to vector<16xi32>
        %add3A_422 = arith.addi %add3A_421, %iota3A : vector<16xi32>
        %gather3A_423 = tpu.vector_load_idx %arg15[%add3A_422, %broadcast_in_dim3A_418] : memref<3200x16xf32, #tpu.memory_space<vmem>>[vector<16xi32>, vector<16xi32>], vector<16xf32>,
        %mul3A_424 = arith.mulf %gather3A_423, %gather3A_38 : vector<16xf32>
        %add3A_425 = arith.addf %add3A_407, %mul3A_424 : vector<16xf32>
        %broadcast_in_dim3A_426 = arith.constant 13 : i32
        %broadcast_in_dim3A_427 = vector.broadcast %broadcast_in_dim3A_426 : i32 to vector<16xi32>
        %mul3A_428 = arith.constant 16 : i32
        %mul3A_429 = arith.muli %add3A_308, %mul3A_428 : i32
        %add3A_430 = vector.broadcast %mul3A_429 : i32 to vector<16xi32>
        %add3A_431 = arith.addi %add3A_430, %iota3A : vector<16xi32>
        %gather3A_432 = tpu.vector_load_idx %arg15[%add3A_431, %broadcast_in_dim3A_427] : memref<3200x16xf32, #tpu.memory_space<vmem>>[vector<16xi32>, vector<16xi32>], vector<16xf32>,
        %mul3A_433 = arith.mulf %gather3A_432, %gather3A_41 : vector<16xf32>
        %add3A_434 = arith.addf %add3A_416, %mul3A_433 : vector<16xf32>
        %broadcast_in_dim3A_435 = arith.constant 14 : i32
        %broadcast_in_dim3A_436 = vector.broadcast %broadcast_in_dim3A_435 : i32 to vector<16xi32>
        %mul3A_437 = arith.constant 16 : i32
        %mul3A_438 = arith.muli %add3A_308, %mul3A_437 : i32
        %add3A_439 = vector.broadcast %mul3A_438 : i32 to vector<16xi32>
        %add3A_440 = arith.addi %add3A_439, %iota3A : vector<16xi32>
        %gather3A_441 = tpu.vector_load_idx %arg15[%add3A_440, %broadcast_in_dim3A_436] : memref<3200x16xf32, #tpu.memory_space<vmem>>[vector<16xi32>, vector<16xi32>], vector<16xf32>,
        %mul3A_442 = arith.mulf %gather3A_441, %gather3A_44 : vector<16xf32>
        %add3A_443 = arith.addf %add3A_425, %mul3A_442 : vector<16xf32>
        %broadcast_in_dim3A_444 = arith.constant 15 : i32
        %broadcast_in_dim3A_445 = vector.broadcast %broadcast_in_dim3A_444 : i32 to vector<16xi32>
        %mul3A_446 = arith.constant 16 : i32
        %mul3A_447 = arith.muli %add3A_308, %mul3A_446 : i32
        %add3A_448 = vector.broadcast %mul3A_447 : i32 to vector<16xi32>
        %add3A_449 = arith.addi %add3A_448, %iota3A : vector<16xi32>
        %gather3A_450 = tpu.vector_load_idx %arg15[%add3A_449, %broadcast_in_dim3A_445] : memref<3200x16xf32, #tpu.memory_space<vmem>>[vector<16xi32>, vector<16xi32>], vector<16xf32>,
        %mul3A_451 = arith.mulf %gather3A_450, %gather3A_47 : vector<16xf32>
        %add3A_452 = arith.addf %add3A_434, %mul3A_451 : vector<16xf32>
        %add3A_453 = arith.addf %add3A_443, %add3A_452 : vector<16xf32>
        %mul3A_454 = arith.constant 16 : i32
        %mul3A_455 = arith.muli %add3A_308, %mul3A_454 : i32
        %swap3A_456 = arith.index_cast %mul3A_455 : i32 to index
        %swap3A_457 = tpu.vector_load %arg17[%swap3A_456] {strides = array<i32>} : memref<3200xf32, #tpu.memory_space<vmem>>, vector<16xf32>,
        tpu.vector_store %arg17[%swap3A_456], %add3A_453 {strides = array<i32>} : memref<3200xf32, #tpu.memory_space<vmem>>, vector<16xf32>,
        %mul3A_458 = arith.constant 2 : i32
        %mul3A_459 = arith.muli %scan3A_304, %mul3A_458 : i32
        %add3A_460 = arith.constant 1 : i32
        %add3A_461 = arith.addi %mul3A_459, %add3A_460 : i32
        %broadcast_in_dim3A_462 = arith.constant 0.000000e+00 : f32
        %broadcast_in_dim3A_463 = vector.broadcast %broadcast_in_dim3A_462 : f32 to vector<16xf32>
        %mul3A_464 = arith.constant 16 : i32
        %mul3A_465 = arith.muli %add3A_461, %mul3A_464 : i32
        %add3A_466 = vector.broadcast %mul3A_465 : i32 to vector<16xi32>
        %add3A_467 = arith.addi %add3A_466, %iota3A : vector<16xi32>
        %gather3A_468 = tpu.vector_load_idx %arg15[%add3A_467, %get3A_1] : memref<3200x16xf32, #tpu.memory_space<vmem>>[vector<16xi32>, vector<16xi32>], vector<16xf32>,
        %mul3A_469 = arith.mulf %gather3A_468, %gather3A : vector<16xf32>
        %add3A_470 = arith.addf %gather3A_50, %mul3A_469 : vector<16xf32>
        %broadcast_in_dim3A_471 = arith.constant 1 : i32
        %broadcast_in_dim3A_472 = vector.broadcast %broadcast_in_dim3A_471 : i32 to vector<16xi32>
        %mul3A_473 = arith.constant 16 : i32
        %mul3A_474 = arith.muli %add3A_461, %mul3A_473 : i32
        %add3A_475 = vector.broadcast %mul3A_474 : i32 to vector<16xi32>
        %add3A_476 = arith.addi %add3A_475, %iota3A : vector<16xi32>
        %gather3A_477 = tpu.vector_load_idx %arg15[%add3A_476, %broadcast_in_dim3A_472] : memref<3200x16xf32, #tpu.memory_space<vmem>>[vector<16xi32>, vector<16xi32>], vector<16xf32>,
        %mul3A_478 = arith.mulf %gather3A_477, %gather3A_5 : vector<16xf32>
        %add3A_479 = arith.addf %broadcast_in_dim3A_463, %mul3A_478 : vector<16xf32>
        %broadcast_in_dim3A_480 = arith.constant 2 : i32
        %broadcast_in_dim3A_481 = vector.broadcast %broadcast_in_dim3A_480 : i32 to vector<16xi32>
        %mul3A_482 = arith.constant 16 : i32
        %mul3A_483 = arith.muli %add3A_461, %mul3A_482 : i32
        %add3A_484 = vector.broadcast %mul3A_483 : i32 to vector<16xi32>
        %add3A_485 = arith.addi %add3A_484, %iota3A : vector<16xi32>
        %gather3A_486 = tpu.vector_load_idx %arg15[%add3A_485, %broadcast_in_dim3A_481] : memref<3200x16xf32, #tpu.memory_space<vmem>>[vector<16xi32>, vector<16xi32>], vector<16xf32>,
        %mul3A_487 = arith.mulf %gather3A_486, %gather3A_8 : vector<16xf32>
        %add3A_488 = arith.addf %add3A_470, %mul3A_487 : vector<16xf32>
        %broadcast_in_dim3A_489 = arith.constant 3 : i32
        %broadcast_in_dim3A_490 = vector.broadcast %broadcast_in_dim3A_489 : i32 to vector<16xi32>
        %mul3A_491 = arith.constant 16 : i32
        %mul3A_492 = arith.muli %add3A_461, %mul3A_491 : i32
        %add3A_493 = vector.broadcast %mul3A_492 : i32 to vector<16xi32>
        %add3A_494 = arith.addi %add3A_493, %iota3A : vector<16xi32>
        %gather3A_495 = tpu.vector_load_idx %arg15[%add3A_494, %broadcast_in_dim3A_490] : memref<3200x16xf32, #tpu.memory_space<vmem>>[vector<16xi32>, vector<16xi32>], vector<16xf32>,
        %mul3A_496 = arith.mulf %gather3A_495, %gather3A_11 : vector<16xf32>
        %add3A_497 = arith.addf %add3A_479, %mul3A_496 : vector<16xf32>
        %broadcast_in_dim3A_498 = arith.constant 4 : i32
        %broadcast_in_dim3A_499 = vector.broadcast %broadcast_in_dim3A_498 : i32 to vector<16xi32>
        %mul3A_500 = arith.constant 16 : i32
        %mul3A_501 = arith.muli %add3A_461, %mul3A_500 : i32
        %add3A_502 = vector.broadcast %mul3A_501 : i32 to vector<16xi32>
        %add3A_503 = arith.addi %add3A_502, %iota3A : vector<16xi32>
        %gather3A_504 = tpu.vector_load_idx %arg15[%add3A_503, %broadcast_in_dim3A_499] : memref<3200x16xf32, #tpu.memory_space<vmem>>[vector<16xi32>, vector<16xi32>], vector<16xf32>,
        %mul3A_505 = arith.mulf %gather3A_504, %gather3A_14 : vector<16xf32>
        %add3A_506 = arith.addf %add3A_488, %mul3A_505 : vector<16xf32>
        %broadcast_in_dim3A_507 = arith.constant 5 : i32
        %broadcast_in_dim3A_508 = vector.broadcast %broadcast_in_dim3A_507 : i32 to vector<16xi32>
        %mul3A_509 = arith.constant 16 : i32
        %mul3A_510 = arith.muli %add3A_461, %mul3A_509 : i32
        %add3A_511 = vector.broadcast %mul3A_510 : i32 to vector<16xi32>
        %add3A_512 = arith.addi %add3A_511, %iota3A : vector<16xi32>
        %gather3A_513 = tpu.vector_load_idx %arg15[%add3A_512, %broadcast_in_dim3A_508] : memref<3200x16xf32, #tpu.memory_space<vmem>>[vector<16xi32>, vector<16xi32>], vector<16xf32>,
        %mul3A_514 = arith.mulf %gather3A_513, %gather3A_17 : vector<16xf32>
        %add3A_515 = arith.addf %add3A_497, %mul3A_514 : vector<16xf32>
        %broadcast_in_dim3A_516 = arith.constant 6 : i32
        %broadcast_in_dim3A_517 = vector.broadcast %broadcast_in_dim3A_516 : i32 to vector<16xi32>
        %mul3A_518 = arith.constant 16 : i32
        %mul3A_519 = arith.muli %add3A_461, %mul3A_518 : i32
        %add3A_520 = vector.broadcast %mul3A_519 : i32 to vector<16xi32>
        %add3A_521 = arith.addi %add3A_520, %iota3A : vector<16xi32>
        %gather3A_522 = tpu.vector_load_idx %arg15[%add3A_521, %broadcast_in_dim3A_517] : memref<3200x16xf32, #tpu.memory_space<vmem>>[vector<16xi32>, vector<16xi32>], vector<16xf32>,
        %mul3A_523 = arith.mulf %gather3A_522, %gather3A_20 : vector<16xf32>
        %add3A_524 = arith.addf %add3A_506, %mul3A_523 : vector<16xf32>
        %broadcast_in_dim3A_525 = arith.constant 7 : i32
        %broadcast_in_dim3A_526 = vector.broadcast %broadcast_in_dim3A_525 : i32 to vector<16xi32>
        %mul3A_527 = arith.constant 16 : i32
        %mul3A_528 = arith.muli %add3A_461, %mul3A_527 : i32
        %add3A_529 = vector.broadcast %mul3A_528 : i32 to vector<16xi32>
        %add3A_530 = arith.addi %add3A_529, %iota3A : vector<16xi32>
        %gather3A_531 = tpu.vector_load_idx %arg15[%add3A_530, %broadcast_in_dim3A_526] : memref<3200x16xf32, #tpu.memory_space<vmem>>[vector<16xi32>, vector<16xi32>], vector<16xf32>,
        %mul3A_532 = arith.mulf %gather3A_531, %gather3A_23 : vector<16xf32>
        %add3A_533 = arith.addf %add3A_515, %mul3A_532 : vector<16xf32>
        %broadcast_in_dim3A_534 = arith.constant 8 : i32
        %broadcast_in_dim3A_535 = vector.broadcast %broadcast_in_dim3A_534 : i32 to vector<16xi32>
        %mul3A_536 = arith.constant 16 : i32
        %mul3A_537 = arith.muli %add3A_461, %mul3A_536 : i32
        %add3A_538 = vector.broadcast %mul3A_537 : i32 to vector<16xi32>
        %add3A_539 = arith.addi %add3A_538, %iota3A : vector<16xi32>
        %gather3A_540 = tpu.vector_load_idx %arg15[%add3A_539, %broadcast_in_dim3A_535] : memref<3200x16xf32, #tpu.memory_space<vmem>>[vector<16xi32>, vector<16xi32>], vector<16xf32>,
        %mul3A_541 = arith.mulf %gather3A_540, %gather3A_26 : vector<16xf32>
        %add3A_542 = arith.addf %add3A_524, %mul3A_541 : vector<16xf32>
        %broadcast_in_dim3A_543 = arith.constant 9 : i32
        %broadcast_in_dim3A_544 = vector.broadcast %broadcast_in_dim3A_543 : i32 to vector<16xi32>
        %mul3A_545 = arith.constant 16 : i32
        %mul3A_546 = arith.muli %add3A_461, %mul3A_545 : i32
        %add3A_547 = vector.broadcast %mul3A_546 : i32 to vector<16xi32>
        %add3A_548 = arith.addi %add3A_547, %iota3A : vector<16xi32>
        %gather3A_549 = tpu.vector_load_idx %arg15[%add3A_548, %broadcast_in_dim3A_544] : memref<3200x16xf32, #tpu.memory_space<vmem>>[vector<16xi32>, vector<16xi32>], vector<16xf32>,
        %mul3A_550 = arith.mulf %gather3A_549, %gather3A_29 : vector<16xf32>
        %add3A_551 = arith.addf %add3A_533, %mul3A_550 : vector<16xf32>
        %broadcast_in_dim3A_552 = arith.constant 10 : i32
        %broadcast_in_dim3A_553 = vector.broadcast %broadcast_in_dim3A_552 : i32 to vector<16xi32>
        %mul3A_554 = arith.constant 16 : i32
        %mul3A_555 = arith.muli %add3A_461, %mul3A_554 : i32
        %add3A_556 = vector.broadcast %mul3A_555 : i32 to vector<16xi32>
        %add3A_557 = arith.addi %add3A_556, %iota3A : vector<16xi32>
        %gather3A_558 = tpu.vector_load_idx %arg15[%add3A_557, %broadcast_in_dim3A_553] : memref<3200x16xf32, #tpu.memory_space<vmem>>[vector<16xi32>, vector<16xi32>], vector<16xf32>,
        %mul3A_559 = arith.mulf %gather3A_558, %gather3A_32 : vector<16xf32>
        %add3A_560 = arith.addf %add3A_542, %mul3A_559 : vector<16xf32>
        %broadcast_in_dim3A_561 = arith.constant 11 : i32
        %broadcast_in_dim3A_562 = vector.broadcast %broadcast_in_dim3A_561 : i32 to vector<16xi32>
        %mul3A_563 = arith.constant 16 : i32
        %mul3A_564 = arith.muli %add3A_461, %mul3A_563 : i32
        %add3A_565 = vector.broadcast %mul3A_564 : i32 to vector<16xi32>
        %add3A_566 = arith.addi %add3A_565, %iota3A : vector<16xi32>
        %gather3A_567 = tpu.vector_load_idx %arg15[%add3A_566, %broadcast_in_dim3A_562] : memref<3200x16xf32, #tpu.memory_space<vmem>>[vector<16xi32>, vector<16xi32>], vector<16xf32>,
        %mul3A_568 = arith.mulf %gather3A_567, %gather3A_35 : vector<16xf32>
        %add3A_569 = arith.addf %add3A_551, %mul3A_568 : vector<16xf32>
        %broadcast_in_dim3A_570 = arith.constant 12 : i32
        %broadcast_in_dim3A_571 = vector.broadcast %broadcast_in_dim3A_570 : i32 to vector<16xi32>
        %mul3A_572 = arith.constant 16 : i32
        %mul3A_573 = arith.muli %add3A_461, %mul3A_572 : i32
        %add3A_574 = vector.broadcast %mul3A_573 : i32 to vector<16xi32>
        %add3A_575 = arith.addi %add3A_574, %iota3A : vector<16xi32>
        %gather3A_576 = tpu.vector_load_idx %arg15[%add3A_575, %broadcast_in_dim3A_571] : memref<3200x16xf32, #tpu.memory_space<vmem>>[vector<16xi32>, vector<16xi32>], vector<16xf32>,
        %mul3A_577 = arith.mulf %gather3A_576, %gather3A_38 : vector<16xf32>
        %add3A_578 = arith.addf %add3A_560, %mul3A_577 : vector<16xf32>
        %broadcast_in_dim3A_579 = arith.constant 13 : i32
        %broadcast_in_dim3A_580 = vector.broadcast %broadcast_in_dim3A_579 : i32 to vector<16xi32>
        %mul3A_581 = arith.constant 16 : i32
        %mul3A_582 = arith.muli %add3A_461, %mul3A_581 : i32
        %add3A_583 = vector.broadcast %mul3A_582 : i32 to vector<16xi32>
        %add3A_584 = arith.addi %add3A_583, %iota3A : vector<16xi32>
        %gather3A_585 = tpu.vector_load_idx %arg15[%add3A_584, %broadcast_in_dim3A_580] : memref<3200x16xf32, #tpu.memory_space<vmem>>[vector<16xi32>, vector<16xi32>], vector<16xf32>,
        %mul3A_586 = arith.mulf %gather3A_585, %gather3A_41 : vector<16xf32>
        %add3A_587 = arith.addf %add3A_569, %mul3A_586 : vector<16xf32>
        %broadcast_in_dim3A_588 = arith.constant 14 : i32
        %broadcast_in_dim3A_589 = vector.broadcast %broadcast_in_dim3A_588 : i32 to vector<16xi32>
        %mul3A_590 = arith.constant 16 : i32
        %mul3A_591 = arith.muli %add3A_461, %mul3A_590 : i32
        %add3A_592 = vector.broadcast %mul3A_591 : i32 to vector<16xi32>
        %add3A_593 = arith.addi %add3A_592, %iota3A : vector<16xi32>
        %gather3A_594 = tpu.vector_load_idx %arg15[%add3A_593, %broadcast_in_dim3A_589] : memref<3200x16xf32, #tpu.memory_space<vmem>>[vector<16xi32>, vector<16xi32>], vector<16xf32>,
        %mul3A_595 = arith.mulf %gather3A_594, %gather3A_44 : vector<16xf32>
        %add3A_596 = arith.addf %add3A_578, %mul3A_595 : vector<16xf32>
        %broadcast_in_dim3A_597 = arith.constant 15 : i32
        %broadcast_in_dim3A_598 = vector.broadcast %broadcast_in_dim3A_597 : i32 to vector<16xi32>
        %mul3A_599 = arith.constant 16 : i32
        %mul3A_600 = arith.muli %add3A_461, %mul3A_599 : i32
        %add3A_601 = vector.broadcast %mul3A_600 : i32 to vector<16xi32>
        %add3A_602 = arith.addi %add3A_601, %iota3A : vector<16xi32>
        %gather3A_603 = tpu.vector_load_idx %arg15[%add3A_602, %broadcast_in_dim3A_598] : memref<3200x16xf32, #tpu.memory_space<vmem>>[vector<16xi32>, vector<16xi32>], vector<16xf32>,
        %mul3A_604 = arith.mulf %gather3A_603, %gather3A_47 : vector<16xf32>
        %add3A_605 = arith.addf %add3A_587, %mul3A_604 : vector<16xf32>
        %add3A_606 = arith.addf %add3A_596, %add3A_605 : vector<16xf32>
        %mul3A_607 = arith.constant 16 : i32
        %mul3A_608 = arith.muli %add3A_461, %mul3A_607 : i32
        %swap3A_609 = arith.index_cast %mul3A_608 : i32 to index
        %swap3A_610 = tpu.vector_load %arg17[%swap3A_609] {strides = array<i32>} : memref<3200xf32, #tpu.memory_space<vmem>>, vector<16xf32>,
        tpu.vector_store %arg17[%swap3A_609], %add3A_606 {strides = array<i32>} : memref<3200xf32, #tpu.memory_space<vmem>>, vector<16xf32>,
      }
      %scan3A_164 = arith.constant 100 : i32
      %scan3A_165 = arith.constant 0 : i32
      %scan3A_166 = arith.constant 0 : i32
      %scan3A_167 = arith.constant 64 : i32
      %scan3A_168 = arith.addi %scan3A_166, %scan3A_167 : i32
      %scan3A_169 = arith.constant 1 : i32
      scf.for %scan3A_304 = %scan3A_166 to %scan3A_168 step %scan3A_169  : i32 {
        %mul3A_305 = arith.constant 50 : i32
        %mul3A_306 = arith.muli %scan3A_304, %mul3A_305 : i32
        %add3A_307 = arith.constant 0 : i32
        %add3A_308 = arith.addi %mul3A_306, %add3A_307 : i32
        %add3A_309 = vector.broadcast %add3A_308 : i32 to vector<16xi32>
        %add3A_310 = arith.addi %add3A_309, %iota3A : vector<16xi32>
        %gather3A_311 = tpu.vector_load_idx %arg13[%add3A_310] : memref<3200xi32, #tpu.memory_space<vmem>>[vector<16xi32>], vector<16xi32>,
        %gather3A_312 = tpu.vector_load_idx %arg17[%add3A_310] : memref<3200xf32, #tpu.memory_space<vmem>>[vector<16xi32>], vector<16xf32>,
        %ne3A = arith.constant 0 : i32
        %ne3A_313 = vector.broadcast %ne3A : i32 to vector<16xi32>
        %ne3A_314 = arith.cmpi ne, %gather3A_311, %ne3A_313 : vector<16xi32>
        %add3A_315 = arith.constant 16 : i32
        %add3A_316 = arith.addi %mul3A_306, %add3A_315 : i32
        %add3A_317 = vector.broadcast %add3A_316 : i32 to vector<16xi32>
        %add3A_318 = arith.addi %add3A_317, %iota3A : vector<16xi32>
        %gather3A_319 = tpu.vector_load_idx %arg13[%add3A_318] : memref<3200xi32, #tpu.memory_space<vmem>>[vector<16xi32>], vector<16xi32>,
        %gather3A_320 = tpu.vector_load_idx %arg17[%add3A_318] : memref<3200xf32, #tpu.memory_space<vmem>>[vector<16xi32>], vector<16xf32>,
        %ne3A_321 = arith.constant 0 : i32
        %ne3A_322 = vector.broadcast %ne3A_321 : i32 to vector<16xi32>
        %ne3A_323 = arith.cmpi ne, %gather3A_319, %ne3A_322 : vector<16xi32>
        %add3A_324 = arith.constant 32 : i32
        %add3A_325 = arith.addi %mul3A_306, %add3A_324 : i32
        %add3A_326 = vector.broadcast %add3A_325 : i32 to vector<16xi32>
        %add3A_327 = arith.addi %add3A_326, %iota3A : vector<16xi32>
        %gather3A_328 = tpu.vector_load_idx %arg13[%add3A_327] : memref<3200xi32, #tpu.memory_space<vmem>>[vector<16xi32>], vector<16xi32>,
        %gather3A_329 = tpu.vector_load_idx %arg17[%add3A_327] : memref<3200xf32, #tpu.memory_space<vmem>>[vector<16xi32>], vector<16xf32>,
        %ne3A_330 = arith.constant 0 : i32
        %ne3A_331 = vector.broadcast %ne3A_330 : i32 to vector<16xi32>
        %ne3A_332 = arith.cmpi ne, %gather3A_328, %ne3A_331 : vector<16xi32>
        %add3A_333 = arith.constant 48 : i32
        %add3A_334 = arith.addi %mul3A_306, %add3A_333 : i32
        %add3A_335 = vector.broadcast %add3A_334 : i32 to vector<16xi32>
        %add3A_336 = arith.addi %add3A_335, %iota3A : vector<16xi32>
        %lt3A_337 = arith.constant 2 : i32
        %lt3A_338 = vector.broadcast %lt3A_337 : i32 to vector<16xi32>
        %lt3A_339 = arith.cmpi slt, %iota3A, %lt3A_338 : vector<16xi32>
        %broadcast_in_dim3A_340 = vector.broadcast %mul3A_306 : i32 to vector<16xi32>
        %select_n3A = arith.select %lt3A_339, %add3A_336, %broadcast_in_dim3A_340 : vector<16xi1>, vector<16xi32>
        %gather3A_341 = tpu.vector_load_idx %arg13[%select_n3A] : memref<3200xi32, #tpu.memory_space<vmem>>[vector<16xi32>], vector<16xi32>,
        %gather3A_342 = tpu.vector_load_idx %arg17[%select_n3A] : memref<3200xf32, #tpu.memory_space<vmem>>[vector<16xi32>], vector<16xf32>,
        %ne3A_343 = arith.constant 0 : i32
        %ne3A_344 = vector.broadcast %ne3A_343 : i32 to vector<16xi32>
        %ne3A_345 = arith.cmpi ne, %gather3A_341, %ne3A_344 : vector<16xi32>
        %and3A_346 = arith.andi %ne3A_345, %lt3A_339 : vector<16xi1>
        %all_reduce_population_count3A = tpu.all_reduce %ne3A_314 {dim = 0 : i64, kind = #tpu.reduction_kind<sum>} : vector<16xi1> -> vector<16xi32>
        %all_reduce_population_count3A_347 = tpu.all_reduce %ne3A_323 {dim = 0 : i64, kind = #tpu.reduction_kind<sum>} : vector<16xi1> -> vector<16xi32>
        %add3A_348 = arith.addi %all_reduce_population_count3A, %all_reduce_population_count3A_347 : vector<16xi32>
        %all_reduce_population_count3A_349 = tpu.all_reduce %ne3A_332 {dim = 0 : i64, kind = #tpu.reduction_kind<sum>} : vector<16xi1> -> vector<16xi32>
        %add3A_350 = arith.addi %add3A_348, %all_reduce_population_count3A_349 : vector<16xi32>
        %all_reduce_population_count3A_351 = tpu.all_reduce %and3A_346 {dim = 0 : i64, kind = #tpu.reduction_kind<sum>} : vector<16xi1> -> vector<16xi32>
        %add3A_352 = arith.addi %add3A_350, %all_reduce_population_count3A_351 : vector<16xi32>
        %gt3A = arith.constant 0 : i32
        %gt3A_353 = vector.broadcast %gt3A : i32 to vector<16xi32>
        %gt3A_354 = arith.cmpi sgt, %add3A_352, %gt3A_353 : vector<16xi32>
        %eq3A = arith.constant 0 : i32
        %eq3A_355 = vector.broadcast %eq3A : i32 to vector<16xi32>
        %eq3A_356 = arith.cmpi eq, %iota3A, %eq3A_355 : vector<16xi32>
        %select_n3A_357 = arith.select %gt3A_354, %ne3A_314, %eq3A_356 : vector<16xi1>, vector<16xi1>
        %broadcast_in_dim3A_358 = vector.broadcast %scan3A_141 : f32 to vector<16xf32>
        %select_n3A_359 = arith.select %select_n3A_357, %gather3A_312, %broadcast_in_dim3A_358 : vector<16xi1>, vector<16xf32>
        %broadcast_in_dim3A_360 = vector.broadcast %scan3A_141 : f32 to vector<16xf32>
        %select_n3A_361 = arith.select %ne3A_323, %gather3A_320, %broadcast_in_dim3A_360 : vector<16xi1>, vector<16xf32>
        %broadcast_in_dim3A_362 = vector.broadcast %scan3A_141 : f32 to vector<16xf32>
        %select_n3A_363 = arith.select %ne3A_332, %gather3A_329, %broadcast_in_dim3A_362 : vector<16xi1>, vector<16xf32>
        %broadcast_in_dim3A_364 = vector.broadcast %scan3A_141 : f32 to vector<16xf32>
        %select_n3A_365 = arith.select %and3A_346, %gather3A_342, %broadcast_in_dim3A_364 : vector<16xi1>, vector<16xf32>
        %max3A = arith.maximumf %select_n3A_359, %select_n3A_361 : vector<16xf32>
        %max3A_366 = arith.maximumf %select_n3A_363, %select_n3A_365 : vector<16xf32>
        %max3A_367 = arith.maximumf %max3A, %max3A_366 : vector<16xf32>
        %reduce_max3A = arith.constant true
        %reduce_max3A_368 = vector.broadcast %reduce_max3A : i1 to vector<16xi1>
        %reduce_max3A_369 = tpu.scan <max>, %max3A_367 masked %reduce_max3A_368 : vector<16xf32>, vector<16xi1> -> vector<16xf32>
        %reduce_max3A_370 = vector.extract %reduce_max3A_369[15] : f32 from vector<16xf32>
        %sub3A = vector.broadcast %reduce_max3A_370 : f32 to vector<16xf32>
        %sub3A_371 = arith.subf %select_n3A_359, %sub3A : vector<16xf32>
        %exp3A = math.exp %sub3A_371 : vector<16xf32>
        %sub3A_372 = vector.broadcast %reduce_max3A_370 : f32 to vector<16xf32>
        %sub3A_373 = arith.subf %select_n3A_361, %sub3A_372 : vector<16xf32>
        %exp3A_374 = math.exp %sub3A_373 : vector<16xf32>
        %sub3A_375 = vector.broadcast %reduce_max3A_370 : f32 to vector<16xf32>
        %sub3A_376 = arith.subf %select_n3A_363, %sub3A_375 : vector<16xf32>
        %exp3A_377 = math.exp %sub3A_376 : vector<16xf32>
        %sub3A_378 = vector.broadcast %reduce_max3A_370 : f32 to vector<16xf32>
        %sub3A_379 = arith.subf %select_n3A_365, %sub3A_378 : vector<16xf32>
        %exp3A_380 = math.exp %sub3A_379 : vector<16xf32>
        %add3A_381 = arith.addf %exp3A, %exp3A_374 : vector<16xf32>
        %add3A_382 = arith.addf %add3A_381, %exp3A_377 : vector<16xf32>
        %add3A_383 = arith.addf %add3A_382, %exp3A_380 : vector<16xf32>
        %reduce_sum3A = arith.constant true
        %reduce_sum3A_384 = vector.broadcast %reduce_sum3A : i1 to vector<16xi1>
        %reduce_sum3A_385 = tpu.scan <sum>, %add3A_383 masked %reduce_sum3A_384 : vector<16xf32>, vector<16xi1> -> vector<16xf32>
        %reduce_sum3A_386 = vector.extract %reduce_sum3A_385[15] : f32 from vector<16xf32>
        %broadcast_in_dim3A_387 = vector.broadcast %reduce_sum3A_386 : f32 to vector<16xf32>
        %div3A = arith.divf %exp3A, %broadcast_in_dim3A_387 : vector<16xf32>
        tpu.vector_store_idx %arg17[%add3A_310], %div3A : memref<3200xf32, #tpu.memory_space<vmem>>[vector<16xi32>], vector<16xf32>,
        %div3A_388 = arith.divf %exp3A_374, %broadcast_in_dim3A_387 : vector<16xf32>
        tpu.vector_store_idx %arg17[%add3A_318], %div3A_388 : memref<3200xf32, #tpu.memory_space<vmem>>[vector<16xi32>], vector<16xf32>,
        %div3A_389 = arith.divf %exp3A_377, %broadcast_in_dim3A_387 : vector<16xf32>
        tpu.vector_store_idx %arg17[%add3A_327], %div3A_389 : memref<3200xf32, #tpu.memory_space<vmem>>[vector<16xi32>], vector<16xf32>,
        %div3A_390 = arith.divf %exp3A_380, %broadcast_in_dim3A_387 : vector<16xf32>
        %lt3A_391 = arith.constant 2 : i32
        %lt3A_392 = vector.broadcast %lt3A_391 : i32 to vector<16xi32>
        %lt3A_393 = arith.cmpi slt, %iota3A, %lt3A_392 : vector<16xi32>
        tpu.vector_store_idx %arg17[%select_n3A], %div3A_390 masked %lt3A_393 : memref<3200xf32, #tpu.memory_space<vmem>>[vector<16xi32>], vector<16xf32>, vector<16xi1>
        %broadcast_in_dim3A_394 = arith.constant 0.000000e+00 : f32
        %broadcast_in_dim3A_395 = vector.broadcast %broadcast_in_dim3A_394 : f32 to vector<16xf32>
        %scan3A_396 = arith.constant 0 : i32
        %scan3A_397 = arith.constant 5 : i32
        %scan3A_398 = arith.addi %scan3A_396, %scan3A_397 : i32
        %scan3A_399 = arith.constant 1 : i32
        %scan3A_400:2 = scf.for %scan3A_404 = %scan3A_396 to %scan3A_398 step %scan3A_399 iter_args(%scan3A_405 = %broadcast_in_dim3A_395, %scan3A_406 = %broadcast_in_dim3A_395) -> (vector<16xf32>, vector<16xf32>)  : i32 {
          %mul3A_407 = arith.constant 10 : i32
          %mul3A_408 = arith.muli %scan3A_404, %mul3A_407 : i32
          %add3A_409 = arith.addi %mul3A_306, %mul3A_408 : i32
          %add3A_410 = arith.constant 0 : i32
          %add3A_411 = arith.addi %add3A_409, %add3A_410 : i32
          %broadcast_in_dim3A_412 = vector.broadcast %add3A_411 : i32 to vector<16xi32>
          %gather3A_413 = tpu.vector_load_idx %arg17[%broadcast_in_dim3A_412] : memref<3200xf32, #tpu.memory_space<vmem>>[vector<16xi32>], vector<16xf32>,
          %gather3A_414 = tpu.vector_load_idx %arg15[%broadcast_in_dim3A_412, %iota3A] : memref<3200x16xf32, #tpu.memory_space<vmem>>[vector<16xi32>, vector<16xi32>], vector<16xf32>,
          %mul3A_415 = arith.mulf %gather3A_413, %gather3A_414 : vector<16xf32>
          %add3A_416 = arith.addf %scan3A_405, %mul3A_415 : vector<16xf32>
          %mul3A_417 = arith.constant 10 : i32
          %mul3A_418 = arith.muli %scan3A_404, %mul3A_417 : i32
          %add3A_419 = arith.addi %mul3A_306, %mul3A_418 : i32
          %add3A_420 = arith.constant 1 : i32
          %add3A_421 = arith.addi %add3A_419, %add3A_420 : i32
          %broadcast_in_dim3A_422 = vector.broadcast %add3A_421 : i32 to vector<16xi32>
          %gather3A_423 = tpu.vector_load_idx %arg17[%broadcast_in_dim3A_422] : memref<3200xf32, #tpu.memory_space<vmem>>[vector<16xi32>], vector<16xf32>,
          %gather3A_424 = tpu.vector_load_idx %arg15[%broadcast_in_dim3A_422, %iota3A] : memref<3200x16xf32, #tpu.memory_space<vmem>>[vector<16xi32>, vector<16xi32>], vector<16xf32>,
          %mul3A_425 = arith.mulf %gather3A_423, %gather3A_424 : vector<16xf32>
          %add3A_426 = arith.addf %scan3A_406, %mul3A_425 : vector<16xf32>
          %mul3A_427 = arith.constant 10 : i32
          %mul3A_428 = arith.muli %scan3A_404, %mul3A_427 : i32
          %add3A_429 = arith.addi %mul3A_306, %mul3A_428 : i32
          %add3A_430 = arith.constant 2 : i32
          %add3A_431 = arith.addi %add3A_429, %add3A_430 : i32
          %broadcast_in_dim3A_432 = vector.broadcast %add3A_431 : i32 to vector<16xi32>
          %gather3A_433 = tpu.vector_load_idx %arg17[%broadcast_in_dim3A_432] : memref<3200xf32, #tpu.memory_space<vmem>>[vector<16xi32>], vector<16xf32>,
          %gather3A_434 = tpu.vector_load_idx %arg15[%broadcast_in_dim3A_432, %iota3A] : memref<3200x16xf32, #tpu.memory_space<vmem>>[vector<16xi32>, vector<16xi32>], vector<16xf32>,
          %mul3A_435 = arith.mulf %gather3A_433, %gather3A_434 : vector<16xf32>
          %add3A_436 = arith.addf %add3A_416, %mul3A_435 : vector<16xf32>
          %mul3A_437 = arith.constant 10 : i32
          %mul3A_438 = arith.muli %scan3A_404, %mul3A_437 : i32
          %add3A_439 = arith.addi %mul3A_306, %mul3A_438 : i32
          %add3A_440 = arith.constant 3 : i32
          %add3A_441 = arith.addi %add3A_439, %add3A_440 : i32
          %broadcast_in_dim3A_442 = vector.broadcast %add3A_441 : i32 to vector<16xi32>
          %gather3A_443 = tpu.vector_load_idx %arg17[%broadcast_in_dim3A_442] : memref<3200xf32, #tpu.memory_space<vmem>>[vector<16xi32>], vector<16xf32>,
          %gather3A_444 = tpu.vector_load_idx %arg15[%broadcast_in_dim3A_442, %iota3A] : memref<3200x16xf32, #tpu.memory_space<vmem>>[vector<16xi32>, vector<16xi32>], vector<16xf32>,
          %mul3A_445 = arith.mulf %gather3A_443, %gather3A_444 : vector<16xf32>
          %add3A_446 = arith.addf %add3A_426, %mul3A_445 : vector<16xf32>
          %mul3A_447 = arith.constant 10 : i32
          %mul3A_448 = arith.muli %scan3A_404, %mul3A_447 : i32
          %add3A_449 = arith.addi %mul3A_306, %mul3A_448 : i32
          %add3A_450 = arith.constant 4 : i32
          %add3A_451 = arith.addi %add3A_449, %add3A_450 : i32
          %broadcast_in_dim3A_452 = vector.broadcast %add3A_451 : i32 to vector<16xi32>
          %gather3A_453 = tpu.vector_load_idx %arg17[%broadcast_in_dim3A_452] : memref<3200xf32, #tpu.memory_space<vmem>>[vector<16xi32>], vector<16xf32>,
          %gather3A_454 = tpu.vector_load_idx %arg15[%broadcast_in_dim3A_452, %iota3A] : memref<3200x16xf32, #tpu.memory_space<vmem>>[vector<16xi32>, vector<16xi32>], vector<16xf32>,
          %mul3A_455 = arith.mulf %gather3A_453, %gather3A_454 : vector<16xf32>
          %add3A_456 = arith.addf %add3A_436, %mul3A_455 : vector<16xf32>
          %mul3A_457 = arith.constant 10 : i32
          %mul3A_458 = arith.muli %scan3A_404, %mul3A_457 : i32
          %add3A_459 = arith.addi %mul3A_306, %mul3A_458 : i32
          %add3A_460 = arith.constant 5 : i32
          %add3A_461 = arith.addi %add3A_459, %add3A_460 : i32
          %broadcast_in_dim3A_462 = vector.broadcast %add3A_461 : i32 to vector<16xi32>
          %gather3A_463 = tpu.vector_load_idx %arg17[%broadcast_in_dim3A_462] : memref<3200xf32, #tpu.memory_space<vmem>>[vector<16xi32>], vector<16xf32>,
          %gather3A_464 = tpu.vector_load_idx %arg15[%broadcast_in_dim3A_462, %iota3A] : memref<3200x16xf32, #tpu.memory_space<vmem>>[vector<16xi32>, vector<16xi32>], vector<16xf32>,
          %mul3A_465 = arith.mulf %gather3A_463, %gather3A_464 : vector<16xf32>
          %add3A_466 = arith.addf %add3A_446, %mul3A_465 : vector<16xf32>
          %mul3A_467 = arith.constant 10 : i32
          %mul3A_468 = arith.muli %scan3A_404, %mul3A_467 : i32
          %add3A_469 = arith.addi %mul3A_306, %mul3A_468 : i32
          %add3A_470 = arith.constant 6 : i32
          %add3A_471 = arith.addi %add3A_469, %add3A_470 : i32
          %broadcast_in_dim3A_472 = vector.broadcast %add3A_471 : i32 to vector<16xi32>
          %gather3A_473 = tpu.vector_load_idx %arg17[%broadcast_in_dim3A_472] : memref<3200xf32, #tpu.memory_space<vmem>>[vector<16xi32>], vector<16xf32>,
          %gather3A_474 = tpu.vector_load_idx %arg15[%broadcast_in_dim3A_472, %iota3A] : memref<3200x16xf32, #tpu.memory_space<vmem>>[vector<16xi32>, vector<16xi32>], vector<16xf32>,
          %mul3A_475 = arith.mulf %gather3A_473, %gather3A_474 : vector<16xf32>
          %add3A_476 = arith.addf %add3A_456, %mul3A_475 : vector<16xf32>
          %mul3A_477 = arith.constant 10 : i32
          %mul3A_478 = arith.muli %scan3A_404, %mul3A_477 : i32
          %add3A_479 = arith.addi %mul3A_306, %mul3A_478 : i32
          %add3A_480 = arith.constant 7 : i32
          %add3A_481 = arith.addi %add3A_479, %add3A_480 : i32
          %broadcast_in_dim3A_482 = vector.broadcast %add3A_481 : i32 to vector<16xi32>
          %gather3A_483 = tpu.vector_load_idx %arg17[%broadcast_in_dim3A_482] : memref<3200xf32, #tpu.memory_space<vmem>>[vector<16xi32>], vector<16xf32>,
          %gather3A_484 = tpu.vector_load_idx %arg15[%broadcast_in_dim3A_482, %iota3A] : memref<3200x16xf32, #tpu.memory_space<vmem>>[vector<16xi32>, vector<16xi32>], vector<16xf32>,
          %mul3A_485 = arith.mulf %gather3A_483, %gather3A_484 : vector<16xf32>
          %add3A_486 = arith.addf %add3A_466, %mul3A_485 : vector<16xf32>
          %mul3A_487 = arith.constant 10 : i32
          %mul3A_488 = arith.muli %scan3A_404, %mul3A_487 : i32
          %add3A_489 = arith.addi %mul3A_306, %mul3A_488 : i32
          %add3A_490 = arith.constant 8 : i32
          %add3A_491 = arith.addi %add3A_489, %add3A_490 : i32
          %broadcast_in_dim3A_492 = vector.broadcast %add3A_491 : i32 to vector<16xi32>
          %gather3A_493 = tpu.vector_load_idx %arg17[%broadcast_in_dim3A_492] : memref<3200xf32, #tpu.memory_space<vmem>>[vector<16xi32>], vector<16xf32>,
          %gather3A_494 = tpu.vector_load_idx %arg15[%broadcast_in_dim3A_492, %iota3A] : memref<3200x16xf32, #tpu.memory_space<vmem>>[vector<16xi32>, vector<16xi32>], vector<16xf32>,
          %mul3A_495 = arith.mulf %gather3A_493, %gather3A_494 : vector<16xf32>
          %add3A_496 = arith.addf %add3A_476, %mul3A_495 : vector<16xf32>
          %mul3A_497 = arith.constant 10 : i32
          %mul3A_498 = arith.muli %scan3A_404, %mul3A_497 : i32
          %add3A_499 = arith.addi %mul3A_306, %mul3A_498 : i32
          %add3A_500 = arith.constant 9 : i32
          %add3A_501 = arith.addi %add3A_499, %add3A_500 : i32
          %broadcast_in_dim3A_502 = vector.broadcast %add3A_501 : i32 to vector<16xi32>
          %gather3A_503 = tpu.vector_load_idx %arg17[%broadcast_in_dim3A_502] : memref<3200xf32, #tpu.memory_space<vmem>>[vector<16xi32>], vector<16xf32>,
          %gather3A_504 = tpu.vector_load_idx %arg15[%broadcast_in_dim3A_502, %iota3A] : memref<3200x16xf32, #tpu.memory_space<vmem>>[vector<16xi32>, vector<16xi32>], vector<16xf32>,
          %mul3A_505 = arith.mulf %gather3A_503, %gather3A_504 : vector<16xf32>
          %add3A_506 = arith.addf %add3A_486, %mul3A_505 : vector<16xf32>
          scf.yield %add3A_496, %add3A_506 : vector<16xf32>, vector<16xf32>
        }
        %scan3A_401 = arith.constant 5 : i32
        %add3A_402 = arith.addf %scan3A_400#0, %scan3A_400#1 : vector<16xf32>
        %broadcast_in_dim3A_403 = vector.broadcast %scan3A_304 : i32 to vector<16xi32>
        tpu.vector_store_idx %arg18[%broadcast_in_dim3A_403, %iota3A], %add3A_402 : memref<64x16xf32, #tpu.memory_space<vmem>>[vector<16xi32>, vector<16xi32>], vector<16xf32>,
      }
      %scan3A_170 = arith.constant 64 : i32
      %add3A_171 = arith.constant 1 : i32
      %add3A_172 = arith.addi %scan3A_147, %add3A_171 : i32
      %lt3A = arith.constant 8 : i32
      %lt3A_173 = arith.cmpi slt, %add3A_172, %lt3A : i32
      %convert_element_type3A = arith.extui %lt3A_173 : i1 to i32
      %cond3A = arith.constant 0 : i32
      %cond3A_174 = arith.cmpi ne, %convert_element_type3A, %cond3A : i32
      scf.if %cond3A_174 {
        %add3A_304 = arith.constant 1 : i32
        %add3A_305 = arith.addi %scan3A_147, %add3A_304 : i32
        %mul3A_306 = arith.constant 512 : i32
        %mul3A_307 = arith.muli %add3A, %mul3A_306 : i32
        %mul3A_308 = arith.constant 64 : i32
        %mul3A_309 = arith.muli %add3A_305, %mul3A_308 : i32
        %add3A_310 = arith.addi %mul3A_307, %mul3A_309 : i32
        %mul3A_311 = arith.constant 50 : i32
        %mul3A_312 = arith.muli %add3A_310, %mul3A_311 : i32
        "tpu.region"() ({
          %run_scoped3A = tpu.sem_alloc : memref<!tpu.dma_semaphore, #tpu.memory_space<semaphore_mem>>
          %dma_start3A_319 = tpu.memref_slice %arg4[%mul3A_312] : memref<819200xi32, #tpu.memory_space<hbm>> -> memref<3200xi32, #tpu.memory_space<hbm>>
          %dma_start3A_320 = tpu.memref_slice %arg4[%mul3A_312] : memref<819200xi32, #tpu.memory_space<hbm>> -> memref<3200xi32, #tpu.memory_space<hbm>>
          tpu.enqueue_dma source(%dma_start3A_320 : memref<3200xi32, #tpu.memory_space<hbm>>) target(%arg13 : memref<3200xi32, #tpu.memory_space<vmem>>) target_semaphore(%run_scoped3A : memref<!tpu.dma_semaphore, #tpu.memory_space<semaphore_mem>>)
          %dma_wait3A_321 = tpu.memref_slice %arg4[%mul3A_312] : memref<819200xi32, #tpu.memory_space<hbm>> -> memref<3200xi32, #tpu.memory_space<hbm>>
          %dma_wait3A_322 = tpu.memref_slice %arg4[%mul3A_312] : memref<819200xi32, #tpu.memory_space<hbm>> -> memref<3200xi32, #tpu.memory_space<hbm>>
          tpu.wait_dma2 semaphore(%run_scoped3A : memref<!tpu.dma_semaphore, #tpu.memory_space<semaphore_mem>>) src(%dma_wait3A_322 : memref<3200xi32, #tpu.memory_space<hbm>>) dst(%arg13 : memref<3200xi32, #tpu.memory_space<vmem>>)
          tpu.yield
        }) : () -> ()
        %scan3A_313 = arith.constant 0 : i32
        %scan3A_314 = arith.constant 0 : i32
        %scan3A_315 = arith.constant 25 : i32
        %scan3A_316 = arith.addi %scan3A_314, %scan3A_315 : i32
        %scan3A_317 = arith.constant 1 : i32
        scf.for %scan3A_319 = %scan3A_314 to %scan3A_316 step %scan3A_317  : i32 {
          %mul3A_320 = arith.constant 128 : i32
          %mul3A_321 = arith.muli %scan3A_319, %mul3A_320 : i32
          %mul3A_322 = arith.constant 128 : i32
          %mul3A_323 = arith.muli %scan3A_319, %mul3A_322 : i32
          %dma_start3A_324 = arith.constant 0 : i32
          %dma_start3A_325 = tpu.memref_slice %arg15[%mul3A_323, %dma_start3A_324] : memref<3200x16xf32, #tpu.memory_space<vmem>> -> memref<128x16xf32, #tpu.memory_space<vmem>>
          %dma_start3A_326 = tpu.memref_slice %arg13[%mul3A_321] : memref<3200xi32, #tpu.memory_space<vmem>> -> memref<128xi32, #tpu.memory_space<vmem>>
          %dma_start3A_327 = arith.constant 0 : i32
          %dma_start3A_328 = arith.constant 0 : i32
          %dma_start3A_329 = tpu.memref_slice %arg6[%dma_start3A_327, %dma_start3A_328] : memref<100000x16xf32, #tpu.memory_space<hbm>> -> memref<100000x16xf32, #tpu.memory_space<hbm>>
          tpu.enqueue_indirect_dma source(%dma_start3A_329 : memref<100000x16xf32, #tpu.memory_space<hbm>>) target(%dma_start3A_325 : memref<128x16xf32, #tpu.memory_space<vmem>>) offsets(%dma_start3A_326 : memref<128xi32, #tpu.memory_space<vmem>>) semaphore(%arg29 : memref<!tpu.dma_semaphore, #tpu.memory_space<semaphore_mem>>)
        }
        %scan3A_318 = arith.constant 25 : i32
      } else {
      }
      %scan3A_175 = arith.constant 0 : i32
      %scan3A_176 = arith.constant 0 : i32
      %scan3A_177 = arith.constant 25 : i32
      %scan3A_178 = arith.addi %scan3A_176, %scan3A_177 : i32
      %scan3A_179 = arith.constant 1 : i32
      scf.for %scan3A_304 = %scan3A_176 to %scan3A_178 step %scan3A_179  : i32 {
        %mul3A_305 = arith.constant 128 : i32
        %mul3A_306 = arith.muli %scan3A_304, %mul3A_305 : i32
        %mul3A_307 = arith.constant 128 : i32
        %mul3A_308 = arith.muli %scan3A_304, %mul3A_307 : i32
        %dma_wait3A_309 = arith.constant 0 : i32
        %dma_wait3A_310 = tpu.memref_slice %arg16[%mul3A_308, %dma_wait3A_309] : memref<3200x16xf32, #tpu.memory_space<vmem>> -> memref<128x16xf32, #tpu.memory_space<vmem>>
        %dma_wait3A_311 = tpu.memref_slice %arg14[%mul3A_306] : memref<3200xi32, #tpu.memory_space<vmem>> -> memref<128xi32, #tpu.memory_space<vmem>>
        %dma_wait3A_312 = arith.constant 0 : i32
        %dma_wait3A_313 = arith.constant 0 : i32
        %dma_wait3A_314 = tpu.memref_slice %arg6[%dma_wait3A_312, %dma_wait3A_313] : memref<100000x16xf32, #tpu.memory_space<hbm>> -> memref<100000x16xf32, #tpu.memory_space<hbm>>
        tpu.wait_indirect_dma semaphore(%arg30 : memref<!tpu.dma_semaphore, #tpu.memory_space<semaphore_mem>>) src(%dma_wait3A_314 : memref<100000x16xf32, #tpu.memory_space<hbm>>) dst(%dma_wait3A_310 : memref<128x16xf32, #tpu.memory_space<vmem>>)
      }
      %scan3A_180 = arith.constant 25 : i32
      %scan3A_181 = arith.constant 0 : i32
      %scan3A_182 = arith.constant 0 : i32
      %scan3A_183 = arith.constant 100 : i32
      %scan3A_184 = arith.addi %scan3A_182, %scan3A_183 : i32
      %scan3A_185 = arith.constant 1 : i32
      scf.for %scan3A_304 = %scan3A_182 to %scan3A_184 step %scan3A_185  : i32 {
        %mul3A_305 = arith.constant 2 : i32
        %mul3A_306 = arith.muli %scan3A_304, %mul3A_305 : i32
        %add3A_307 = arith.constant 0 : i32
        %add3A_308 = arith.addi %mul3A_306, %add3A_307 : i32
        %broadcast_in_dim3A_309 = arith.constant 0.000000e+00 : f32
        %broadcast_in_dim3A_310 = vector.broadcast %broadcast_in_dim3A_309 : f32 to vector<16xf32>
        %mul3A_311 = arith.constant 16 : i32
        %mul3A_312 = arith.muli %add3A_308, %mul3A_311 : i32
        %add3A_313 = vector.broadcast %mul3A_312 : i32 to vector<16xi32>
        %add3A_314 = arith.addi %add3A_313, %iota3A : vector<16xi32>
        %gather3A_315 = tpu.vector_load_idx %arg16[%add3A_314, %get3A_1] : memref<3200x16xf32, #tpu.memory_space<vmem>>[vector<16xi32>, vector<16xi32>], vector<16xf32>,
        %mul3A_316 = arith.mulf %gather3A_315, %gather3A : vector<16xf32>
        %add3A_317 = arith.addf %gather3A_50, %mul3A_316 : vector<16xf32>
        %broadcast_in_dim3A_318 = arith.constant 1 : i32
        %broadcast_in_dim3A_319 = vector.broadcast %broadcast_in_dim3A_318 : i32 to vector<16xi32>
        %mul3A_320 = arith.constant 16 : i32
        %mul3A_321 = arith.muli %add3A_308, %mul3A_320 : i32
        %add3A_322 = vector.broadcast %mul3A_321 : i32 to vector<16xi32>
        %add3A_323 = arith.addi %add3A_322, %iota3A : vector<16xi32>
        %gather3A_324 = tpu.vector_load_idx %arg16[%add3A_323, %broadcast_in_dim3A_319] : memref<3200x16xf32, #tpu.memory_space<vmem>>[vector<16xi32>, vector<16xi32>], vector<16xf32>,
        %mul3A_325 = arith.mulf %gather3A_324, %gather3A_5 : vector<16xf32>
        %add3A_326 = arith.addf %broadcast_in_dim3A_310, %mul3A_325 : vector<16xf32>
        %broadcast_in_dim3A_327 = arith.constant 2 : i32
        %broadcast_in_dim3A_328 = vector.broadcast %broadcast_in_dim3A_327 : i32 to vector<16xi32>
        %mul3A_329 = arith.constant 16 : i32
        %mul3A_330 = arith.muli %add3A_308, %mul3A_329 : i32
        %add3A_331 = vector.broadcast %mul3A_330 : i32 to vector<16xi32>
        %add3A_332 = arith.addi %add3A_331, %iota3A : vector<16xi32>
        %gather3A_333 = tpu.vector_load_idx %arg16[%add3A_332, %broadcast_in_dim3A_328] : memref<3200x16xf32, #tpu.memory_space<vmem>>[vector<16xi32>, vector<16xi32>], vector<16xf32>,
        %mul3A_334 = arith.mulf %gather3A_333, %gather3A_8 : vector<16xf32>
        %add3A_335 = arith.addf %add3A_317, %mul3A_334 : vector<16xf32>
        %broadcast_in_dim3A_336 = arith.constant 3 : i32
        %broadcast_in_dim3A_337 = vector.broadcast %broadcast_in_dim3A_336 : i32 to vector<16xi32>
        %mul3A_338 = arith.constant 16 : i32
        %mul3A_339 = arith.muli %add3A_308, %mul3A_338 : i32
        %add3A_340 = vector.broadcast %mul3A_339 : i32 to vector<16xi32>
        %add3A_341 = arith.addi %add3A_340, %iota3A : vector<16xi32>
        %gather3A_342 = tpu.vector_load_idx %arg16[%add3A_341, %broadcast_in_dim3A_337] : memref<3200x16xf32, #tpu.memory_space<vmem>>[vector<16xi32>, vector<16xi32>], vector<16xf32>,
        %mul3A_343 = arith.mulf %gather3A_342, %gather3A_11 : vector<16xf32>
        %add3A_344 = arith.addf %add3A_326, %mul3A_343 : vector<16xf32>
        %broadcast_in_dim3A_345 = arith.constant 4 : i32
        %broadcast_in_dim3A_346 = vector.broadcast %broadcast_in_dim3A_345 : i32 to vector<16xi32>
        %mul3A_347 = arith.constant 16 : i32
        %mul3A_348 = arith.muli %add3A_308, %mul3A_347 : i32
        %add3A_349 = vector.broadcast %mul3A_348 : i32 to vector<16xi32>
        %add3A_350 = arith.addi %add3A_349, %iota3A : vector<16xi32>
        %gather3A_351 = tpu.vector_load_idx %arg16[%add3A_350, %broadcast_in_dim3A_346] : memref<3200x16xf32, #tpu.memory_space<vmem>>[vector<16xi32>, vector<16xi32>], vector<16xf32>,
        %mul3A_352 = arith.mulf %gather3A_351, %gather3A_14 : vector<16xf32>
        %add3A_353 = arith.addf %add3A_335, %mul3A_352 : vector<16xf32>
        %broadcast_in_dim3A_354 = arith.constant 5 : i32
        %broadcast_in_dim3A_355 = vector.broadcast %broadcast_in_dim3A_354 : i32 to vector<16xi32>
        %mul3A_356 = arith.constant 16 : i32
        %mul3A_357 = arith.muli %add3A_308, %mul3A_356 : i32
        %add3A_358 = vector.broadcast %mul3A_357 : i32 to vector<16xi32>
        %add3A_359 = arith.addi %add3A_358, %iota3A : vector<16xi32>
        %gather3A_360 = tpu.vector_load_idx %arg16[%add3A_359, %broadcast_in_dim3A_355] : memref<3200x16xf32, #tpu.memory_space<vmem>>[vector<16xi32>, vector<16xi32>], vector<16xf32>,
        %mul3A_361 = arith.mulf %gather3A_360, %gather3A_17 : vector<16xf32>
        %add3A_362 = arith.addf %add3A_344, %mul3A_361 : vector<16xf32>
        %broadcast_in_dim3A_363 = arith.constant 6 : i32
        %broadcast_in_dim3A_364 = vector.broadcast %broadcast_in_dim3A_363 : i32 to vector<16xi32>
        %mul3A_365 = arith.constant 16 : i32
        %mul3A_366 = arith.muli %add3A_308, %mul3A_365 : i32
        %add3A_367 = vector.broadcast %mul3A_366 : i32 to vector<16xi32>
        %add3A_368 = arith.addi %add3A_367, %iota3A : vector<16xi32>
        %gather3A_369 = tpu.vector_load_idx %arg16[%add3A_368, %broadcast_in_dim3A_364] : memref<3200x16xf32, #tpu.memory_space<vmem>>[vector<16xi32>, vector<16xi32>], vector<16xf32>,
        %mul3A_370 = arith.mulf %gather3A_369, %gather3A_20 : vector<16xf32>
        %add3A_371 = arith.addf %add3A_353, %mul3A_370 : vector<16xf32>
        %broadcast_in_dim3A_372 = arith.constant 7 : i32
        %broadcast_in_dim3A_373 = vector.broadcast %broadcast_in_dim3A_372 : i32 to vector<16xi32>
        %mul3A_374 = arith.constant 16 : i32
        %mul3A_375 = arith.muli %add3A_308, %mul3A_374 : i32
        %add3A_376 = vector.broadcast %mul3A_375 : i32 to vector<16xi32>
        %add3A_377 = arith.addi %add3A_376, %iota3A : vector<16xi32>
        %gather3A_378 = tpu.vector_load_idx %arg16[%add3A_377, %broadcast_in_dim3A_373] : memref<3200x16xf32, #tpu.memory_space<vmem>>[vector<16xi32>, vector<16xi32>], vector<16xf32>,
        %mul3A_379 = arith.mulf %gather3A_378, %gather3A_23 : vector<16xf32>
        %add3A_380 = arith.addf %add3A_362, %mul3A_379 : vector<16xf32>
        %broadcast_in_dim3A_381 = arith.constant 8 : i32
        %broadcast_in_dim3A_382 = vector.broadcast %broadcast_in_dim3A_381 : i32 to vector<16xi32>
        %mul3A_383 = arith.constant 16 : i32
        %mul3A_384 = arith.muli %add3A_308, %mul3A_383 : i32
        %add3A_385 = vector.broadcast %mul3A_384 : i32 to vector<16xi32>
        %add3A_386 = arith.addi %add3A_385, %iota3A : vector<16xi32>
        %gather3A_387 = tpu.vector_load_idx %arg16[%add3A_386, %broadcast_in_dim3A_382] : memref<3200x16xf32, #tpu.memory_space<vmem>>[vector<16xi32>, vector<16xi32>], vector<16xf32>,
        %mul3A_388 = arith.mulf %gather3A_387, %gather3A_26 : vector<16xf32>
        %add3A_389 = arith.addf %add3A_371, %mul3A_388 : vector<16xf32>
        %broadcast_in_dim3A_390 = arith.constant 9 : i32
        %broadcast_in_dim3A_391 = vector.broadcast %broadcast_in_dim3A_390 : i32 to vector<16xi32>
        %mul3A_392 = arith.constant 16 : i32
        %mul3A_393 = arith.muli %add3A_308, %mul3A_392 : i32
        %add3A_394 = vector.broadcast %mul3A_393 : i32 to vector<16xi32>
        %add3A_395 = arith.addi %add3A_394, %iota3A : vector<16xi32>
        %gather3A_396 = tpu.vector_load_idx %arg16[%add3A_395, %broadcast_in_dim3A_391] : memref<3200x16xf32, #tpu.memory_space<vmem>>[vector<16xi32>, vector<16xi32>], vector<16xf32>,
        %mul3A_397 = arith.mulf %gather3A_396, %gather3A_29 : vector<16xf32>
        %add3A_398 = arith.addf %add3A_380, %mul3A_397 : vector<16xf32>
        %broadcast_in_dim3A_399 = arith.constant 10 : i32
        %broadcast_in_dim3A_400 = vector.broadcast %broadcast_in_dim3A_399 : i32 to vector<16xi32>
        %mul3A_401 = arith.constant 16 : i32
        %mul3A_402 = arith.muli %add3A_308, %mul3A_401 : i32
        %add3A_403 = vector.broadcast %mul3A_402 : i32 to vector<16xi32>
        %add3A_404 = arith.addi %add3A_403, %iota3A : vector<16xi32>
        %gather3A_405 = tpu.vector_load_idx %arg16[%add3A_404, %broadcast_in_dim3A_400] : memref<3200x16xf32, #tpu.memory_space<vmem>>[vector<16xi32>, vector<16xi32>], vector<16xf32>,
        %mul3A_406 = arith.mulf %gather3A_405, %gather3A_32 : vector<16xf32>
        %add3A_407 = arith.addf %add3A_389, %mul3A_406 : vector<16xf32>
        %broadcast_in_dim3A_408 = arith.constant 11 : i32
        %broadcast_in_dim3A_409 = vector.broadcast %broadcast_in_dim3A_408 : i32 to vector<16xi32>
        %mul3A_410 = arith.constant 16 : i32
        %mul3A_411 = arith.muli %add3A_308, %mul3A_410 : i32
        %add3A_412 = vector.broadcast %mul3A_411 : i32 to vector<16xi32>
        %add3A_413 = arith.addi %add3A_412, %iota3A : vector<16xi32>
        %gather3A_414 = tpu.vector_load_idx %arg16[%add3A_413, %broadcast_in_dim3A_409] : memref<3200x16xf32, #tpu.memory_space<vmem>>[vector<16xi32>, vector<16xi32>], vector<16xf32>,
        %mul3A_415 = arith.mulf %gather3A_414, %gather3A_35 : vector<16xf32>
        %add3A_416 = arith.addf %add3A_398, %mul3A_415 : vector<16xf32>
        %broadcast_in_dim3A_417 = arith.constant 12 : i32
        %broadcast_in_dim3A_418 = vector.broadcast %broadcast_in_dim3A_417 : i32 to vector<16xi32>
        %mul3A_419 = arith.constant 16 : i32
        %mul3A_420 = arith.muli %add3A_308, %mul3A_419 : i32
        %add3A_421 = vector.broadcast %mul3A_420 : i32 to vector<16xi32>
        %add3A_422 = arith.addi %add3A_421, %iota3A : vector<16xi32>
        %gather3A_423 = tpu.vector_load_idx %arg16[%add3A_422, %broadcast_in_dim3A_418] : memref<3200x16xf32, #tpu.memory_space<vmem>>[vector<16xi32>, vector<16xi32>], vector<16xf32>,
        %mul3A_424 = arith.mulf %gather3A_423, %gather3A_38 : vector<16xf32>
        %add3A_425 = arith.addf %add3A_407, %mul3A_424 : vector<16xf32>
        %broadcast_in_dim3A_426 = arith.constant 13 : i32
        %broadcast_in_dim3A_427 = vector.broadcast %broadcast_in_dim3A_426 : i32 to vector<16xi32>
        %mul3A_428 = arith.constant 16 : i32
        %mul3A_429 = arith.muli %add3A_308, %mul3A_428 : i32
        %add3A_430 = vector.broadcast %mul3A_429 : i32 to vector<16xi32>
        %add3A_431 = arith.addi %add3A_430, %iota3A : vector<16xi32>
        %gather3A_432 = tpu.vector_load_idx %arg16[%add3A_431, %broadcast_in_dim3A_427] : memref<3200x16xf32, #tpu.memory_space<vmem>>[vector<16xi32>, vector<16xi32>], vector<16xf32>,
        %mul3A_433 = arith.mulf %gather3A_432, %gather3A_41 : vector<16xf32>
        %add3A_434 = arith.addf %add3A_416, %mul3A_433 : vector<16xf32>
        %broadcast_in_dim3A_435 = arith.constant 14 : i32
        %broadcast_in_dim3A_436 = vector.broadcast %broadcast_in_dim3A_435 : i32 to vector<16xi32>
        %mul3A_437 = arith.constant 16 : i32
        %mul3A_438 = arith.muli %add3A_308, %mul3A_437 : i32
        %add3A_439 = vector.broadcast %mul3A_438 : i32 to vector<16xi32>
        %add3A_440 = arith.addi %add3A_439, %iota3A : vector<16xi32>
        %gather3A_441 = tpu.vector_load_idx %arg16[%add3A_440, %broadcast_in_dim3A_436] : memref<3200x16xf32, #tpu.memory_space<vmem>>[vector<16xi32>, vector<16xi32>], vector<16xf32>,
        %mul3A_442 = arith.mulf %gather3A_441, %gather3A_44 : vector<16xf32>
        %add3A_443 = arith.addf %add3A_425, %mul3A_442 : vector<16xf32>
        %broadcast_in_dim3A_444 = arith.constant 15 : i32
        %broadcast_in_dim3A_445 = vector.broadcast %broadcast_in_dim3A_444 : i32 to vector<16xi32>
        %mul3A_446 = arith.constant 16 : i32
        %mul3A_447 = arith.muli %add3A_308, %mul3A_446 : i32
        %add3A_448 = vector.broadcast %mul3A_447 : i32 to vector<16xi32>
        %add3A_449 = arith.addi %add3A_448, %iota3A : vector<16xi32>
        %gather3A_450 = tpu.vector_load_idx %arg16[%add3A_449, %broadcast_in_dim3A_445] : memref<3200x16xf32, #tpu.memory_space<vmem>>[vector<16xi32>, vector<16xi32>], vector<16xf32>,
        %mul3A_451 = arith.mulf %gather3A_450, %gather3A_47 : vector<16xf32>
        %add3A_452 = arith.addf %add3A_434, %mul3A_451 : vector<16xf32>
        %add3A_453 = arith.addf %add3A_443, %add3A_452 : vector<16xf32>
        %mul3A_454 = arith.constant 16 : i32
        %mul3A_455 = arith.muli %add3A_308, %mul3A_454 : i32
        %swap3A_456 = arith.index_cast %mul3A_455 : i32 to index
        %swap3A_457 = tpu.vector_load %arg17[%swap3A_456] {strides = array<i32>} : memref<3200xf32, #tpu.memory_space<vmem>>, vector<16xf32>,
        tpu.vector_store %arg17[%swap3A_456], %add3A_453 {strides = array<i32>} : memref<3200xf32, #tpu.memory_space<vmem>>, vector<16xf32>,
        %mul3A_458 = arith.constant 2 : i32
        %mul3A_459 = arith.muli %scan3A_304, %mul3A_458 : i32
        %add3A_460 = arith.constant 1 : i32
        %add3A_461 = arith.addi %mul3A_459, %add3A_460 : i32
        %broadcast_in_dim3A_462 = arith.constant 0.000000e+00 : f32
        %broadcast_in_dim3A_463 = vector.broadcast %broadcast_in_dim3A_462 : f32 to vector<16xf32>
        %mul3A_464 = arith.constant 16 : i32
        %mul3A_465 = arith.muli %add3A_461, %mul3A_464 : i32
        %add3A_466 = vector.broadcast %mul3A_465 : i32 to vector<16xi32>
        %add3A_467 = arith.addi %add3A_466, %iota3A : vector<16xi32>
        %gather3A_468 = tpu.vector_load_idx %arg16[%add3A_467, %get3A_1] : memref<3200x16xf32, #tpu.memory_space<vmem>>[vector<16xi32>, vector<16xi32>], vector<16xf32>,
        %mul3A_469 = arith.mulf %gather3A_468, %gather3A : vector<16xf32>
        %add3A_470 = arith.addf %gather3A_50, %mul3A_469 : vector<16xf32>
        %broadcast_in_dim3A_471 = arith.constant 1 : i32
        %broadcast_in_dim3A_472 = vector.broadcast %broadcast_in_dim3A_471 : i32 to vector<16xi32>
        %mul3A_473 = arith.constant 16 : i32
        %mul3A_474 = arith.muli %add3A_461, %mul3A_473 : i32
        %add3A_475 = vector.broadcast %mul3A_474 : i32 to vector<16xi32>
        %add3A_476 = arith.addi %add3A_475, %iota3A : vector<16xi32>
        %gather3A_477 = tpu.vector_load_idx %arg16[%add3A_476, %broadcast_in_dim3A_472] : memref<3200x16xf32, #tpu.memory_space<vmem>>[vector<16xi32>, vector<16xi32>], vector<16xf32>,
        %mul3A_478 = arith.mulf %gather3A_477, %gather3A_5 : vector<16xf32>
        %add3A_479 = arith.addf %broadcast_in_dim3A_463, %mul3A_478 : vector<16xf32>
        %broadcast_in_dim3A_480 = arith.constant 2 : i32
        %broadcast_in_dim3A_481 = vector.broadcast %broadcast_in_dim3A_480 : i32 to vector<16xi32>
        %mul3A_482 = arith.constant 16 : i32
        %mul3A_483 = arith.muli %add3A_461, %mul3A_482 : i32
        %add3A_484 = vector.broadcast %mul3A_483 : i32 to vector<16xi32>
        %add3A_485 = arith.addi %add3A_484, %iota3A : vector<16xi32>
        %gather3A_486 = tpu.vector_load_idx %arg16[%add3A_485, %broadcast_in_dim3A_481] : memref<3200x16xf32, #tpu.memory_space<vmem>>[vector<16xi32>, vector<16xi32>], vector<16xf32>,
        %mul3A_487 = arith.mulf %gather3A_486, %gather3A_8 : vector<16xf32>
        %add3A_488 = arith.addf %add3A_470, %mul3A_487 : vector<16xf32>
        %broadcast_in_dim3A_489 = arith.constant 3 : i32
        %broadcast_in_dim3A_490 = vector.broadcast %broadcast_in_dim3A_489 : i32 to vector<16xi32>
        %mul3A_491 = arith.constant 16 : i32
        %mul3A_492 = arith.muli %add3A_461, %mul3A_491 : i32
        %add3A_493 = vector.broadcast %mul3A_492 : i32 to vector<16xi32>
        %add3A_494 = arith.addi %add3A_493, %iota3A : vector<16xi32>
        %gather3A_495 = tpu.vector_load_idx %arg16[%add3A_494, %broadcast_in_dim3A_490] : memref<3200x16xf32, #tpu.memory_space<vmem>>[vector<16xi32>, vector<16xi32>], vector<16xf32>,
        %mul3A_496 = arith.mulf %gather3A_495, %gather3A_11 : vector<16xf32>
        %add3A_497 = arith.addf %add3A_479, %mul3A_496 : vector<16xf32>
        %broadcast_in_dim3A_498 = arith.constant 4 : i32
        %broadcast_in_dim3A_499 = vector.broadcast %broadcast_in_dim3A_498 : i32 to vector<16xi32>
        %mul3A_500 = arith.constant 16 : i32
        %mul3A_501 = arith.muli %add3A_461, %mul3A_500 : i32
        %add3A_502 = vector.broadcast %mul3A_501 : i32 to vector<16xi32>
        %add3A_503 = arith.addi %add3A_502, %iota3A : vector<16xi32>
        %gather3A_504 = tpu.vector_load_idx %arg16[%add3A_503, %broadcast_in_dim3A_499] : memref<3200x16xf32, #tpu.memory_space<vmem>>[vector<16xi32>, vector<16xi32>], vector<16xf32>,
        %mul3A_505 = arith.mulf %gather3A_504, %gather3A_14 : vector<16xf32>
        %add3A_506 = arith.addf %add3A_488, %mul3A_505 : vector<16xf32>
        %broadcast_in_dim3A_507 = arith.constant 5 : i32
        %broadcast_in_dim3A_508 = vector.broadcast %broadcast_in_dim3A_507 : i32 to vector<16xi32>
        %mul3A_509 = arith.constant 16 : i32
        %mul3A_510 = arith.muli %add3A_461, %mul3A_509 : i32
        %add3A_511 = vector.broadcast %mul3A_510 : i32 to vector<16xi32>
        %add3A_512 = arith.addi %add3A_511, %iota3A : vector<16xi32>
        %gather3A_513 = tpu.vector_load_idx %arg16[%add3A_512, %broadcast_in_dim3A_508] : memref<3200x16xf32, #tpu.memory_space<vmem>>[vector<16xi32>, vector<16xi32>], vector<16xf32>,
        %mul3A_514 = arith.mulf %gather3A_513, %gather3A_17 : vector<16xf32>
        %add3A_515 = arith.addf %add3A_497, %mul3A_514 : vector<16xf32>
        %broadcast_in_dim3A_516 = arith.constant 6 : i32
        %broadcast_in_dim3A_517 = vector.broadcast %broadcast_in_dim3A_516 : i32 to vector<16xi32>
        %mul3A_518 = arith.constant 16 : i32
        %mul3A_519 = arith.muli %add3A_461, %mul3A_518 : i32
        %add3A_520 = vector.broadcast %mul3A_519 : i32 to vector<16xi32>
        %add3A_521 = arith.addi %add3A_520, %iota3A : vector<16xi32>
        %gather3A_522 = tpu.vector_load_idx %arg16[%add3A_521, %broadcast_in_dim3A_517] : memref<3200x16xf32, #tpu.memory_space<vmem>>[vector<16xi32>, vector<16xi32>], vector<16xf32>,
        %mul3A_523 = arith.mulf %gather3A_522, %gather3A_20 : vector<16xf32>
        %add3A_524 = arith.addf %add3A_506, %mul3A_523 : vector<16xf32>
        %broadcast_in_dim3A_525 = arith.constant 7 : i32
        %broadcast_in_dim3A_526 = vector.broadcast %broadcast_in_dim3A_525 : i32 to vector<16xi32>
        %mul3A_527 = arith.constant 16 : i32
        %mul3A_528 = arith.muli %add3A_461, %mul3A_527 : i32
        %add3A_529 = vector.broadcast %mul3A_528 : i32 to vector<16xi32>
        %add3A_530 = arith.addi %add3A_529, %iota3A : vector<16xi32>
        %gather3A_531 = tpu.vector_load_idx %arg16[%add3A_530, %broadcast_in_dim3A_526] : memref<3200x16xf32, #tpu.memory_space<vmem>>[vector<16xi32>, vector<16xi32>], vector<16xf32>,
        %mul3A_532 = arith.mulf %gather3A_531, %gather3A_23 : vector<16xf32>
        %add3A_533 = arith.addf %add3A_515, %mul3A_532 : vector<16xf32>
        %broadcast_in_dim3A_534 = arith.constant 8 : i32
        %broadcast_in_dim3A_535 = vector.broadcast %broadcast_in_dim3A_534 : i32 to vector<16xi32>
        %mul3A_536 = arith.constant 16 : i32
        %mul3A_537 = arith.muli %add3A_461, %mul3A_536 : i32
        %add3A_538 = vector.broadcast %mul3A_537 : i32 to vector<16xi32>
        %add3A_539 = arith.addi %add3A_538, %iota3A : vector<16xi32>
        %gather3A_540 = tpu.vector_load_idx %arg16[%add3A_539, %broadcast_in_dim3A_535] : memref<3200x16xf32, #tpu.memory_space<vmem>>[vector<16xi32>, vector<16xi32>], vector<16xf32>,
        %mul3A_541 = arith.mulf %gather3A_540, %gather3A_26 : vector<16xf32>
        %add3A_542 = arith.addf %add3A_524, %mul3A_541 : vector<16xf32>
        %broadcast_in_dim3A_543 = arith.constant 9 : i32
        %broadcast_in_dim3A_544 = vector.broadcast %broadcast_in_dim3A_543 : i32 to vector<16xi32>
        %mul3A_545 = arith.constant 16 : i32
        %mul3A_546 = arith.muli %add3A_461, %mul3A_545 : i32
        %add3A_547 = vector.broadcast %mul3A_546 : i32 to vector<16xi32>
        %add3A_548 = arith.addi %add3A_547, %iota3A : vector<16xi32>
        %gather3A_549 = tpu.vector_load_idx %arg16[%add3A_548, %broadcast_in_dim3A_544] : memref<3200x16xf32, #tpu.memory_space<vmem>>[vector<16xi32>, vector<16xi32>], vector<16xf32>,
        %mul3A_550 = arith.mulf %gather3A_549, %gather3A_29 : vector<16xf32>
        %add3A_551 = arith.addf %add3A_533, %mul3A_550 : vector<16xf32>
        %broadcast_in_dim3A_552 = arith.constant 10 : i32
        %broadcast_in_dim3A_553 = vector.broadcast %broadcast_in_dim3A_552 : i32 to vector<16xi32>
        %mul3A_554 = arith.constant 16 : i32
        %mul3A_555 = arith.muli %add3A_461, %mul3A_554 : i32
        %add3A_556 = vector.broadcast %mul3A_555 : i32 to vector<16xi32>
        %add3A_557 = arith.addi %add3A_556, %iota3A : vector<16xi32>
        %gather3A_558 = tpu.vector_load_idx %arg16[%add3A_557, %broadcast_in_dim3A_553] : memref<3200x16xf32, #tpu.memory_space<vmem>>[vector<16xi32>, vector<16xi32>], vector<16xf32>,
        %mul3A_559 = arith.mulf %gather3A_558, %gather3A_32 : vector<16xf32>
        %add3A_560 = arith.addf %add3A_542, %mul3A_559 : vector<16xf32>
        %broadcast_in_dim3A_561 = arith.constant 11 : i32
        %broadcast_in_dim3A_562 = vector.broadcast %broadcast_in_dim3A_561 : i32 to vector<16xi32>
        %mul3A_563 = arith.constant 16 : i32
        %mul3A_564 = arith.muli %add3A_461, %mul3A_563 : i32
        %add3A_565 = vector.broadcast %mul3A_564 : i32 to vector<16xi32>
        %add3A_566 = arith.addi %add3A_565, %iota3A : vector<16xi32>
        %gather3A_567 = tpu.vector_load_idx %arg16[%add3A_566, %broadcast_in_dim3A_562] : memref<3200x16xf32, #tpu.memory_space<vmem>>[vector<16xi32>, vector<16xi32>], vector<16xf32>,
        %mul3A_568 = arith.mulf %gather3A_567, %gather3A_35 : vector<16xf32>
        %add3A_569 = arith.addf %add3A_551, %mul3A_568 : vector<16xf32>
        %broadcast_in_dim3A_570 = arith.constant 12 : i32
        %broadcast_in_dim3A_571 = vector.broadcast %broadcast_in_dim3A_570 : i32 to vector<16xi32>
        %mul3A_572 = arith.constant 16 : i32
        %mul3A_573 = arith.muli %add3A_461, %mul3A_572 : i32
        %add3A_574 = vector.broadcast %mul3A_573 : i32 to vector<16xi32>
        %add3A_575 = arith.addi %add3A_574, %iota3A : vector<16xi32>
        %gather3A_576 = tpu.vector_load_idx %arg16[%add3A_575, %broadcast_in_dim3A_571] : memref<3200x16xf32, #tpu.memory_space<vmem>>[vector<16xi32>, vector<16xi32>], vector<16xf32>,
        %mul3A_577 = arith.mulf %gather3A_576, %gather3A_38 : vector<16xf32>
        %add3A_578 = arith.addf %add3A_560, %mul3A_577 : vector<16xf32>
        %broadcast_in_dim3A_579 = arith.constant 13 : i32
        %broadcast_in_dim3A_580 = vector.broadcast %broadcast_in_dim3A_579 : i32 to vector<16xi32>
        %mul3A_581 = arith.constant 16 : i32
        %mul3A_582 = arith.muli %add3A_461, %mul3A_581 : i32
        %add3A_583 = vector.broadcast %mul3A_582 : i32 to vector<16xi32>
        %add3A_584 = arith.addi %add3A_583, %iota3A : vector<16xi32>
        %gather3A_585 = tpu.vector_load_idx %arg16[%add3A_584, %broadcast_in_dim3A_580] : memref<3200x16xf32, #tpu.memory_space<vmem>>[vector<16xi32>, vector<16xi32>], vector<16xf32>,
        %mul3A_586 = arith.mulf %gather3A_585, %gather3A_41 : vector<16xf32>
        %add3A_587 = arith.addf %add3A_569, %mul3A_586 : vector<16xf32>
        %broadcast_in_dim3A_588 = arith.constant 14 : i32
        %broadcast_in_dim3A_589 = vector.broadcast %broadcast_in_dim3A_588 : i32 to vector<16xi32>
        %mul3A_590 = arith.constant 16 : i32
        %mul3A_591 = arith.muli %add3A_461, %mul3A_590 : i32
        %add3A_592 = vector.broadcast %mul3A_591 : i32 to vector<16xi32>
        %add3A_593 = arith.addi %add3A_592, %iota3A : vector<16xi32>
        %gather3A_594 = tpu.vector_load_idx %arg16[%add3A_593, %broadcast_in_dim3A_589] : memref<3200x16xf32, #tpu.memory_space<vmem>>[vector<16xi32>, vector<16xi32>], vector<16xf32>,
        %mul3A_595 = arith.mulf %gather3A_594, %gather3A_44 : vector<16xf32>
        %add3A_596 = arith.addf %add3A_578, %mul3A_595 : vector<16xf32>
        %broadcast_in_dim3A_597 = arith.constant 15 : i32
        %broadcast_in_dim3A_598 = vector.broadcast %broadcast_in_dim3A_597 : i32 to vector<16xi32>
        %mul3A_599 = arith.constant 16 : i32
        %mul3A_600 = arith.muli %add3A_461, %mul3A_599 : i32
        %add3A_601 = vector.broadcast %mul3A_600 : i32 to vector<16xi32>
        %add3A_602 = arith.addi %add3A_601, %iota3A : vector<16xi32>
        %gather3A_603 = tpu.vector_load_idx %arg16[%add3A_602, %broadcast_in_dim3A_598] : memref<3200x16xf32, #tpu.memory_space<vmem>>[vector<16xi32>, vector<16xi32>], vector<16xf32>,
        %mul3A_604 = arith.mulf %gather3A_603, %gather3A_47 : vector<16xf32>
        %add3A_605 = arith.addf %add3A_587, %mul3A_604 : vector<16xf32>
        %add3A_606 = arith.addf %add3A_596, %add3A_605 : vector<16xf32>
        %mul3A_607 = arith.constant 16 : i32
        %mul3A_608 = arith.muli %add3A_461, %mul3A_607 : i32
        %swap3A_609 = arith.index_cast %mul3A_608 : i32 to index
        %swap3A_610 = tpu.vector_load %arg17[%swap3A_609] {strides = array<i32>} : memref<3200xf32, #tpu.memory_space<vmem>>, vector<16xf32>,
        tpu.vector_store %arg17[%swap3A_609], %add3A_606 {strides = array<i32>} : memref<3200xf32, #tpu.memory_space<vmem>>, vector<16xf32>,
      }
      %scan3A_186 = arith.constant 100 : i32
      %scan3A_187 = arith.constant 0 : i32
      %scan3A_188 = arith.constant 0 : i32
      %scan3A_189 = arith.constant 64 : i32
      %scan3A_190 = arith.addi %scan3A_188, %scan3A_189 : i32
      %scan3A_191 = arith.constant 1 : i32
      scf.for %scan3A_304 = %scan3A_188 to %scan3A_190 step %scan3A_191  : i32 {
        %mul3A_305 = arith.constant 50 : i32
        %mul3A_306 = arith.muli %scan3A_304, %mul3A_305 : i32
        %add3A_307 = arith.constant 0 : i32
        %add3A_308 = arith.addi %mul3A_306, %add3A_307 : i32
        %add3A_309 = vector.broadcast %add3A_308 : i32 to vector<16xi32>
        %add3A_310 = arith.addi %add3A_309, %iota3A : vector<16xi32>
        %gather3A_311 = tpu.vector_load_idx %arg14[%add3A_310] : memref<3200xi32, #tpu.memory_space<vmem>>[vector<16xi32>], vector<16xi32>,
        %gather3A_312 = tpu.vector_load_idx %arg17[%add3A_310] : memref<3200xf32, #tpu.memory_space<vmem>>[vector<16xi32>], vector<16xf32>,
        %ne3A = arith.constant 0 : i32
        %ne3A_313 = vector.broadcast %ne3A : i32 to vector<16xi32>
        %ne3A_314 = arith.cmpi ne, %gather3A_311, %ne3A_313 : vector<16xi32>
        %add3A_315 = arith.constant 16 : i32
        %add3A_316 = arith.addi %mul3A_306, %add3A_315 : i32
        %add3A_317 = vector.broadcast %add3A_316 : i32 to vector<16xi32>
        %add3A_318 = arith.addi %add3A_317, %iota3A : vector<16xi32>
        %gather3A_319 = tpu.vector_load_idx %arg14[%add3A_318] : memref<3200xi32, #tpu.memory_space<vmem>>[vector<16xi32>], vector<16xi32>,
        %gather3A_320 = tpu.vector_load_idx %arg17[%add3A_318] : memref<3200xf32, #tpu.memory_space<vmem>>[vector<16xi32>], vector<16xf32>,
        %ne3A_321 = arith.constant 0 : i32
        %ne3A_322 = vector.broadcast %ne3A_321 : i32 to vector<16xi32>
        %ne3A_323 = arith.cmpi ne, %gather3A_319, %ne3A_322 : vector<16xi32>
        %add3A_324 = arith.constant 32 : i32
        %add3A_325 = arith.addi %mul3A_306, %add3A_324 : i32
        %add3A_326 = vector.broadcast %add3A_325 : i32 to vector<16xi32>
        %add3A_327 = arith.addi %add3A_326, %iota3A : vector<16xi32>
        %gather3A_328 = tpu.vector_load_idx %arg14[%add3A_327] : memref<3200xi32, #tpu.memory_space<vmem>>[vector<16xi32>], vector<16xi32>,
        %gather3A_329 = tpu.vector_load_idx %arg17[%add3A_327] : memref<3200xf32, #tpu.memory_space<vmem>>[vector<16xi32>], vector<16xf32>,
        %ne3A_330 = arith.constant 0 : i32
        %ne3A_331 = vector.broadcast %ne3A_330 : i32 to vector<16xi32>
        %ne3A_332 = arith.cmpi ne, %gather3A_328, %ne3A_331 : vector<16xi32>
        %add3A_333 = arith.constant 48 : i32
        %add3A_334 = arith.addi %mul3A_306, %add3A_333 : i32
        %add3A_335 = vector.broadcast %add3A_334 : i32 to vector<16xi32>
        %add3A_336 = arith.addi %add3A_335, %iota3A : vector<16xi32>
        %lt3A_337 = arith.constant 2 : i32
        %lt3A_338 = vector.broadcast %lt3A_337 : i32 to vector<16xi32>
        %lt3A_339 = arith.cmpi slt, %iota3A, %lt3A_338 : vector<16xi32>
        %broadcast_in_dim3A_340 = vector.broadcast %mul3A_306 : i32 to vector<16xi32>
        %select_n3A = arith.select %lt3A_339, %add3A_336, %broadcast_in_dim3A_340 : vector<16xi1>, vector<16xi32>
        %gather3A_341 = tpu.vector_load_idx %arg14[%select_n3A] : memref<3200xi32, #tpu.memory_space<vmem>>[vector<16xi32>], vector<16xi32>,
        %gather3A_342 = tpu.vector_load_idx %arg17[%select_n3A] : memref<3200xf32, #tpu.memory_space<vmem>>[vector<16xi32>], vector<16xf32>,
        %ne3A_343 = arith.constant 0 : i32
        %ne3A_344 = vector.broadcast %ne3A_343 : i32 to vector<16xi32>
        %ne3A_345 = arith.cmpi ne, %gather3A_341, %ne3A_344 : vector<16xi32>
        %and3A_346 = arith.andi %ne3A_345, %lt3A_339 : vector<16xi1>
        %all_reduce_population_count3A = tpu.all_reduce %ne3A_314 {dim = 0 : i64, kind = #tpu.reduction_kind<sum>} : vector<16xi1> -> vector<16xi32>
        %all_reduce_population_count3A_347 = tpu.all_reduce %ne3A_323 {dim = 0 : i64, kind = #tpu.reduction_kind<sum>} : vector<16xi1> -> vector<16xi32>
        %add3A_348 = arith.addi %all_reduce_population_count3A, %all_reduce_population_count3A_347 : vector<16xi32>
        %all_reduce_population_count3A_349 = tpu.all_reduce %ne3A_332 {dim = 0 : i64, kind = #tpu.reduction_kind<sum>} : vector<16xi1> -> vector<16xi32>
        %add3A_350 = arith.addi %add3A_348, %all_reduce_population_count3A_349 : vector<16xi32>
        %all_reduce_population_count3A_351 = tpu.all_reduce %and3A_346 {dim = 0 : i64, kind = #tpu.reduction_kind<sum>} : vector<16xi1> -> vector<16xi32>
        %add3A_352 = arith.addi %add3A_350, %all_reduce_population_count3A_351 : vector<16xi32>
        %gt3A = arith.constant 0 : i32
        %gt3A_353 = vector.broadcast %gt3A : i32 to vector<16xi32>
        %gt3A_354 = arith.cmpi sgt, %add3A_352, %gt3A_353 : vector<16xi32>
        %eq3A = arith.constant 0 : i32
        %eq3A_355 = vector.broadcast %eq3A : i32 to vector<16xi32>
        %eq3A_356 = arith.cmpi eq, %iota3A, %eq3A_355 : vector<16xi32>
        %select_n3A_357 = arith.select %gt3A_354, %ne3A_314, %eq3A_356 : vector<16xi1>, vector<16xi1>
        %broadcast_in_dim3A_358 = vector.broadcast %scan3A_141 : f32 to vector<16xf32>
        %select_n3A_359 = arith.select %select_n3A_357, %gather3A_312, %broadcast_in_dim3A_358 : vector<16xi1>, vector<16xf32>
        %broadcast_in_dim3A_360 = vector.broadcast %scan3A_141 : f32 to vector<16xf32>
        %select_n3A_361 = arith.select %ne3A_323, %gather3A_320, %broadcast_in_dim3A_360 : vector<16xi1>, vector<16xf32>
        %broadcast_in_dim3A_362 = vector.broadcast %scan3A_141 : f32 to vector<16xf32>
        %select_n3A_363 = arith.select %ne3A_332, %gather3A_329, %broadcast_in_dim3A_362 : vector<16xi1>, vector<16xf32>
        %broadcast_in_dim3A_364 = vector.broadcast %scan3A_141 : f32 to vector<16xf32>
        %select_n3A_365 = arith.select %and3A_346, %gather3A_342, %broadcast_in_dim3A_364 : vector<16xi1>, vector<16xf32>
        %max3A = arith.maximumf %select_n3A_359, %select_n3A_361 : vector<16xf32>
        %max3A_366 = arith.maximumf %select_n3A_363, %select_n3A_365 : vector<16xf32>
        %max3A_367 = arith.maximumf %max3A, %max3A_366 : vector<16xf32>
        %reduce_max3A = arith.constant true
        %reduce_max3A_368 = vector.broadcast %reduce_max3A : i1 to vector<16xi1>
        %reduce_max3A_369 = tpu.scan <max>, %max3A_367 masked %reduce_max3A_368 : vector<16xf32>, vector<16xi1> -> vector<16xf32>
        %reduce_max3A_370 = vector.extract %reduce_max3A_369[15] : f32 from vector<16xf32>
        %sub3A = vector.broadcast %reduce_max3A_370 : f32 to vector<16xf32>
        %sub3A_371 = arith.subf %select_n3A_359, %sub3A : vector<16xf32>
        %exp3A = math.exp %sub3A_371 : vector<16xf32>
        %sub3A_372 = vector.broadcast %reduce_max3A_370 : f32 to vector<16xf32>
        %sub3A_373 = arith.subf %select_n3A_361, %sub3A_372 : vector<16xf32>
        %exp3A_374 = math.exp %sub3A_373 : vector<16xf32>
        %sub3A_375 = vector.broadcast %reduce_max3A_370 : f32 to vector<16xf32>
        %sub3A_376 = arith.subf %select_n3A_363, %sub3A_375 : vector<16xf32>
        %exp3A_377 = math.exp %sub3A_376 : vector<16xf32>
        %sub3A_378 = vector.broadcast %reduce_max3A_370 : f32 to vector<16xf32>
        %sub3A_379 = arith.subf %select_n3A_365, %sub3A_378 : vector<16xf32>
        %exp3A_380 = math.exp %sub3A_379 : vector<16xf32>
        %add3A_381 = arith.addf %exp3A, %exp3A_374 : vector<16xf32>
        %add3A_382 = arith.addf %add3A_381, %exp3A_377 : vector<16xf32>
        %add3A_383 = arith.addf %add3A_382, %exp3A_380 : vector<16xf32>
        %reduce_sum3A = arith.constant true
        %reduce_sum3A_384 = vector.broadcast %reduce_sum3A : i1 to vector<16xi1>
        %reduce_sum3A_385 = tpu.scan <sum>, %add3A_383 masked %reduce_sum3A_384 : vector<16xf32>, vector<16xi1> -> vector<16xf32>
        %reduce_sum3A_386 = vector.extract %reduce_sum3A_385[15] : f32 from vector<16xf32>
        %broadcast_in_dim3A_387 = vector.broadcast %reduce_sum3A_386 : f32 to vector<16xf32>
        %div3A = arith.divf %exp3A, %broadcast_in_dim3A_387 : vector<16xf32>
        tpu.vector_store_idx %arg17[%add3A_310], %div3A : memref<3200xf32, #tpu.memory_space<vmem>>[vector<16xi32>], vector<16xf32>,
        %div3A_388 = arith.divf %exp3A_374, %broadcast_in_dim3A_387 : vector<16xf32>
        tpu.vector_store_idx %arg17[%add3A_318], %div3A_388 : memref<3200xf32, #tpu.memory_space<vmem>>[vector<16xi32>], vector<16xf32>,
        %div3A_389 = arith.divf %exp3A_377, %broadcast_in_dim3A_387 : vector<16xf32>
        tpu.vector_store_idx %arg17[%add3A_327], %div3A_389 : memref<3200xf32, #tpu.memory_space<vmem>>[vector<16xi32>], vector<16xf32>,
        %div3A_390 = arith.divf %exp3A_380, %broadcast_in_dim3A_387 : vector<16xf32>
        %lt3A_391 = arith.constant 2 : i32
        %lt3A_392 = vector.broadcast %lt3A_391 : i32 to vector<16xi32>
        %lt3A_393 = arith.cmpi slt, %iota3A, %lt3A_392 : vector<16xi32>
        tpu.vector_store_idx %arg17[%select_n3A], %div3A_390 masked %lt3A_393 : memref<3200xf32, #tpu.memory_space<vmem>>[vector<16xi32>], vector<16xf32>, vector<16xi1>
        %broadcast_in_dim3A_394 = arith.constant 0.000000e+00 : f32
        %broadcast_in_dim3A_395 = vector.broadcast %broadcast_in_dim3A_394 : f32 to vector<16xf32>
        %scan3A_396 = arith.constant 0 : i32
        %scan3A_397 = arith.constant 5 : i32
        %scan3A_398 = arith.addi %scan3A_396, %scan3A_397 : i32
        %scan3A_399 = arith.constant 1 : i32
        %scan3A_400:2 = scf.for %scan3A_415 = %scan3A_396 to %scan3A_398 step %scan3A_399 iter_args(%scan3A_416 = %broadcast_in_dim3A_395, %scan3A_417 = %broadcast_in_dim3A_395) -> (vector<16xf32>, vector<16xf32>)  : i32 {
          %mul3A_418 = arith.constant 10 : i32
          %mul3A_419 = arith.muli %scan3A_415, %mul3A_418 : i32
          %add3A_420 = arith.addi %mul3A_306, %mul3A_419 : i32
          %add3A_421 = arith.constant 0 : i32
          %add3A_422 = arith.addi %add3A_420, %add3A_421 : i32
          %broadcast_in_dim3A_423 = vector.broadcast %add3A_422 : i32 to vector<16xi32>
          %gather3A_424 = tpu.vector_load_idx %arg17[%broadcast_in_dim3A_423] : memref<3200xf32, #tpu.memory_space<vmem>>[vector<16xi32>], vector<16xf32>,
          %gather3A_425 = tpu.vector_load_idx %arg16[%broadcast_in_dim3A_423, %iota3A] : memref<3200x16xf32, #tpu.memory_space<vmem>>[vector<16xi32>, vector<16xi32>], vector<16xf32>,
          %mul3A_426 = arith.mulf %gather3A_424, %gather3A_425 : vector<16xf32>
          %add3A_427 = arith.addf %scan3A_416, %mul3A_426 : vector<16xf32>
          %mul3A_428 = arith.constant 10 : i32
          %mul3A_429 = arith.muli %scan3A_415, %mul3A_428 : i32
          %add3A_430 = arith.addi %mul3A_306, %mul3A_429 : i32
          %add3A_431 = arith.constant 1 : i32
          %add3A_432 = arith.addi %add3A_430, %add3A_431 : i32
          %broadcast_in_dim3A_433 = vector.broadcast %add3A_432 : i32 to vector<16xi32>
          %gather3A_434 = tpu.vector_load_idx %arg17[%broadcast_in_dim3A_433] : memref<3200xf32, #tpu.memory_space<vmem>>[vector<16xi32>], vector<16xf32>,
          %gather3A_435 = tpu.vector_load_idx %arg16[%broadcast_in_dim3A_433, %iota3A] : memref<3200x16xf32, #tpu.memory_space<vmem>>[vector<16xi32>, vector<16xi32>], vector<16xf32>,
          %mul3A_436 = arith.mulf %gather3A_434, %gather3A_435 : vector<16xf32>
          %add3A_437 = arith.addf %scan3A_417, %mul3A_436 : vector<16xf32>
          %mul3A_438 = arith.constant 10 : i32
          %mul3A_439 = arith.muli %scan3A_415, %mul3A_438 : i32
          %add3A_440 = arith.addi %mul3A_306, %mul3A_439 : i32
          %add3A_441 = arith.constant 2 : i32
          %add3A_442 = arith.addi %add3A_440, %add3A_441 : i32
          %broadcast_in_dim3A_443 = vector.broadcast %add3A_442 : i32 to vector<16xi32>
          %gather3A_444 = tpu.vector_load_idx %arg17[%broadcast_in_dim3A_443] : memref<3200xf32, #tpu.memory_space<vmem>>[vector<16xi32>], vector<16xf32>,
          %gather3A_445 = tpu.vector_load_idx %arg16[%broadcast_in_dim3A_443, %iota3A] : memref<3200x16xf32, #tpu.memory_space<vmem>>[vector<16xi32>, vector<16xi32>], vector<16xf32>,
          %mul3A_446 = arith.mulf %gather3A_444, %gather3A_445 : vector<16xf32>
          %add3A_447 = arith.addf %add3A_427, %mul3A_446 : vector<16xf32>
          %mul3A_448 = arith.constant 10 : i32
          %mul3A_449 = arith.muli %scan3A_415, %mul3A_448 : i32
          %add3A_450 = arith.addi %mul3A_306, %mul3A_449 : i32
          %add3A_451 = arith.constant 3 : i32
          %add3A_452 = arith.addi %add3A_450, %add3A_451 : i32
          %broadcast_in_dim3A_453 = vector.broadcast %add3A_452 : i32 to vector<16xi32>
          %gather3A_454 = tpu.vector_load_idx %arg17[%broadcast_in_dim3A_453] : memref<3200xf32, #tpu.memory_space<vmem>>[vector<16xi32>], vector<16xf32>,
          %gather3A_455 = tpu.vector_load_idx %arg16[%broadcast_in_dim3A_453, %iota3A] : memref<3200x16xf32, #tpu.memory_space<vmem>>[vector<16xi32>, vector<16xi32>], vector<16xf32>,
          %mul3A_456 = arith.mulf %gather3A_454, %gather3A_455 : vector<16xf32>
          %add3A_457 = arith.addf %add3A_437, %mul3A_456 : vector<16xf32>
          %mul3A_458 = arith.constant 10 : i32
          %mul3A_459 = arith.muli %scan3A_415, %mul3A_458 : i32
          %add3A_460 = arith.addi %mul3A_306, %mul3A_459 : i32
          %add3A_461 = arith.constant 4 : i32
          %add3A_462 = arith.addi %add3A_460, %add3A_461 : i32
          %broadcast_in_dim3A_463 = vector.broadcast %add3A_462 : i32 to vector<16xi32>
          %gather3A_464 = tpu.vector_load_idx %arg17[%broadcast_in_dim3A_463] : memref<3200xf32, #tpu.memory_space<vmem>>[vector<16xi32>], vector<16xf32>,
          %gather3A_465 = tpu.vector_load_idx %arg16[%broadcast_in_dim3A_463, %iota3A] : memref<3200x16xf32, #tpu.memory_space<vmem>>[vector<16xi32>, vector<16xi32>], vector<16xf32>,
          %mul3A_466 = arith.mulf %gather3A_464, %gather3A_465 : vector<16xf32>
          %add3A_467 = arith.addf %add3A_447, %mul3A_466 : vector<16xf32>
          %mul3A_468 = arith.constant 10 : i32
          %mul3A_469 = arith.muli %scan3A_415, %mul3A_468 : i32
          %add3A_470 = arith.addi %mul3A_306, %mul3A_469 : i32
          %add3A_471 = arith.constant 5 : i32
          %add3A_472 = arith.addi %add3A_470, %add3A_471 : i32
          %broadcast_in_dim3A_473 = vector.broadcast %add3A_472 : i32 to vector<16xi32>
          %gather3A_474 = tpu.vector_load_idx %arg17[%broadcast_in_dim3A_473] : memref<3200xf32, #tpu.memory_space<vmem>>[vector<16xi32>], vector<16xf32>,
          %gather3A_475 = tpu.vector_load_idx %arg16[%broadcast_in_dim3A_473, %iota3A] : memref<3200x16xf32, #tpu.memory_space<vmem>>[vector<16xi32>, vector<16xi32>], vector<16xf32>,
          %mul3A_476 = arith.mulf %gather3A_474, %gather3A_475 : vector<16xf32>
          %add3A_477 = arith.addf %add3A_457, %mul3A_476 : vector<16xf32>
          %mul3A_478 = arith.constant 10 : i32
          %mul3A_479 = arith.muli %scan3A_415, %mul3A_478 : i32
          %add3A_480 = arith.addi %mul3A_306, %mul3A_479 : i32
          %add3A_481 = arith.constant 6 : i32
          %add3A_482 = arith.addi %add3A_480, %add3A_481 : i32
          %broadcast_in_dim3A_483 = vector.broadcast %add3A_482 : i32 to vector<16xi32>
          %gather3A_484 = tpu.vector_load_idx %arg17[%broadcast_in_dim3A_483] : memref<3200xf32, #tpu.memory_space<vmem>>[vector<16xi32>], vector<16xf32>,
          %gather3A_485 = tpu.vector_load_idx %arg16[%broadcast_in_dim3A_483, %iota3A] : memref<3200x16xf32, #tpu.memory_space<vmem>>[vector<16xi32>, vector<16xi32>], vector<16xf32>,
          %mul3A_486 = arith.mulf %gather3A_484, %gather3A_485 : vector<16xf32>
          %add3A_487 = arith.addf %add3A_467, %mul3A_486 : vector<16xf32>
          %mul3A_488 = arith.constant 10 : i32
          %mul3A_489 = arith.muli %scan3A_415, %mul3A_488 : i32
          %add3A_490 = arith.addi %mul3A_306, %mul3A_489 : i32
          %add3A_491 = arith.constant 7 : i32
          %add3A_492 = arith.addi %add3A_490, %add3A_491 : i32
          %broadcast_in_dim3A_493 = vector.broadcast %add3A_492 : i32 to vector<16xi32>
          %gather3A_494 = tpu.vector_load_idx %arg17[%broadcast_in_dim3A_493] : memref<3200xf32, #tpu.memory_space<vmem>>[vector<16xi32>], vector<16xf32>,
          %gather3A_495 = tpu.vector_load_idx %arg16[%broadcast_in_dim3A_493, %iota3A] : memref<3200x16xf32, #tpu.memory_space<vmem>>[vector<16xi32>, vector<16xi32>], vector<16xf32>,
          %mul3A_496 = arith.mulf %gather3A_494, %gather3A_495 : vector<16xf32>
          %add3A_497 = arith.addf %add3A_477, %mul3A_496 : vector<16xf32>
          %mul3A_498 = arith.constant 10 : i32
          %mul3A_499 = arith.muli %scan3A_415, %mul3A_498 : i32
          %add3A_500 = arith.addi %mul3A_306, %mul3A_499 : i32
          %add3A_501 = arith.constant 8 : i32
          %add3A_502 = arith.addi %add3A_500, %add3A_501 : i32
          %broadcast_in_dim3A_503 = vector.broadcast %add3A_502 : i32 to vector<16xi32>
          %gather3A_504 = tpu.vector_load_idx %arg17[%broadcast_in_dim3A_503] : memref<3200xf32, #tpu.memory_space<vmem>>[vector<16xi32>], vector<16xf32>,
          %gather3A_505 = tpu.vector_load_idx %arg16[%broadcast_in_dim3A_503, %iota3A] : memref<3200x16xf32, #tpu.memory_space<vmem>>[vector<16xi32>, vector<16xi32>], vector<16xf32>,
          %mul3A_506 = arith.mulf %gather3A_504, %gather3A_505 : vector<16xf32>
          %add3A_507 = arith.addf %add3A_487, %mul3A_506 : vector<16xf32>
          %mul3A_508 = arith.constant 10 : i32
          %mul3A_509 = arith.muli %scan3A_415, %mul3A_508 : i32
          %add3A_510 = arith.addi %mul3A_306, %mul3A_509 : i32
          %add3A_511 = arith.constant 9 : i32
          %add3A_512 = arith.addi %add3A_510, %add3A_511 : i32
          %broadcast_in_dim3A_513 = vector.broadcast %add3A_512 : i32 to vector<16xi32>
          %gather3A_514 = tpu.vector_load_idx %arg17[%broadcast_in_dim3A_513] : memref<3200xf32, #tpu.memory_space<vmem>>[vector<16xi32>], vector<16xf32>,
          %gather3A_515 = tpu.vector_load_idx %arg16[%broadcast_in_dim3A_513, %iota3A] : memref<3200x16xf32, #tpu.memory_space<vmem>>[vector<16xi32>, vector<16xi32>], vector<16xf32>,
          %mul3A_516 = arith.mulf %gather3A_514, %gather3A_515 : vector<16xf32>
          %add3A_517 = arith.addf %add3A_497, %mul3A_516 : vector<16xf32>
          scf.yield %add3A_507, %add3A_517 : vector<16xf32>, vector<16xf32>
        }
        %scan3A_401 = arith.constant 5 : i32
        %add3A_402 = arith.addf %scan3A_400#0, %scan3A_400#1 : vector<16xf32>
        %broadcast_in_dim3A_403 = vector.broadcast %scan3A_304 : i32 to vector<16xi32>
        %gather3A_404 = tpu.vector_load_idx %arg18[%broadcast_in_dim3A_403, %iota3A] : memref<64x16xf32, #tpu.memory_space<vmem>>[vector<16xi32>, vector<16xi32>], vector<16xf32>,
        %mul3A_405 = arith.mulf %gather3A_404, %add3A_402 : vector<16xf32>
        %reduce_sum3A_406 = arith.constant true
        %reduce_sum3A_407 = vector.broadcast %reduce_sum3A_406 : i1 to vector<16xi1>
        %reduce_sum3A_408 = tpu.scan <sum>, %mul3A_405 masked %reduce_sum3A_407 : vector<16xf32>, vector<16xi1> -> vector<16xf32>
        %reduce_sum3A_409 = vector.extract %reduce_sum3A_408[15] : f32 from vector<16xf32>
        %broadcast_in_dim3A_410 = vector.broadcast %scan3A_304 : i32 to vector<16xi32>
        %broadcast_in_dim3A_411 = vector.broadcast %reduce_sum3A_409 : f32 to vector<16xf32>
        %eq3A_412 = arith.constant 0 : i32
        %eq3A_413 = vector.broadcast %eq3A_412 : i32 to vector<16xi32>
        %eq3A_414 = arith.cmpi eq, %iota3A, %eq3A_413 : vector<16xi32>
        tpu.vector_store_idx %arg25[%broadcast_in_dim3A_410], %broadcast_in_dim3A_411 masked %eq3A_414 : memref<64xf32, #tpu.memory_space<vmem>>[vector<16xi32>], vector<16xf32>, vector<16xi1>
      }
      %scan3A_192 = arith.constant 64 : i32
      %dma_wait3A = arith.constant 0 : i32
      %dma_wait3A_193 = arith.constant 0 : i32
      %dma_wait3A_194 = tpu.memref_slice %arg10[%dma_wait3A, %dma_wait3A_193] : memref<62500x16xf32, #tpu.memory_space<hbm>> -> memref<62500x16xf32, #tpu.memory_space<hbm>>
      tpu.wait_indirect_dma semaphore(%arg31 : memref<!tpu.dma_semaphore, #tpu.memory_space<semaphore_mem>>) src(%dma_wait3A_194 : memref<62500x16xf32, #tpu.memory_space<hbm>>) dst(%arg23 : memref<64x16xf32, #tpu.memory_space<vmem>>)
      %dma_wait3A_195 = arith.constant 0 : i32
      %dma_wait3A_196 = arith.constant 0 : i32
      %dma_wait3A_197 = tpu.memref_slice %arg11[%dma_wait3A_195, %dma_wait3A_196] : memref<62500x16xf32, #tpu.memory_space<hbm>> -> memref<62500x16xf32, #tpu.memory_space<hbm>>
      tpu.wait_indirect_dma semaphore(%arg31 : memref<!tpu.dma_semaphore, #tpu.memory_space<semaphore_mem>>) src(%dma_wait3A_197 : memref<62500x16xf32, #tpu.memory_space<hbm>>) dst(%arg24 : memref<64x16xf32, #tpu.memory_space<vmem>>)
      %get3A_198 = arith.constant 0 : index
      %get3A_199 = tpu.vector_load %arg25[%get3A_198] {strides = array<i32>} : memref<64xf32, #tpu.memory_space<vmem>>, vector<16xf32>,
      %get3A_200 = arith.constant 0 : index
      %get3A_201 = tpu.vector_load %arg19[%get3A_200] {strides = array<i32>} : memref<64xi32, #tpu.memory_space<vmem>>, vector<16xi32>,
      %and3A = arith.constant 15 : i32
      %and3A_202 = vector.broadcast %and3A : i32 to vector<16xi32>
      %and3A_203 = arith.andi %get3A_201, %and3A_202 : vector<16xi32>
      %get3A_204 = arith.constant 0 : index
      %get3A_205 = tpu.vector_load %arg20[%get3A_204] {strides = array<i32>} : memref<64xi32, #tpu.memory_space<vmem>>, vector<16xi32>,
      %and3A_206 = arith.constant 15 : i32
      %and3A_207 = vector.broadcast %and3A_206 : i32 to vector<16xi32>
      %and3A_208 = arith.andi %get3A_205, %and3A_207 : vector<16xi32>
      %add3A_209 = arith.constant 0 : i32
      %add3A_210 = vector.broadcast %add3A_209 : i32 to vector<16xi32>
      %add3A_211 = arith.addi %add3A_210, %iota3A : vector<16xi32>
      %gather3A_212 = tpu.vector_load_idx %arg23[%add3A_211, %and3A_203] : memref<64x16xf32, #tpu.memory_space<vmem>>[vector<16xi32>, vector<16xi32>], vector<16xf32>,
      %add3A_213 = arith.constant 0 : i32
      %add3A_214 = vector.broadcast %add3A_213 : i32 to vector<16xi32>
      %add3A_215 = arith.addi %add3A_214, %iota3A : vector<16xi32>
      %gather3A_216 = tpu.vector_load_idx %arg24[%add3A_215, %and3A_208] : memref<64x16xf32, #tpu.memory_space<vmem>>[vector<16xi32>, vector<16xi32>], vector<16xf32>,
      %add3A_217 = arith.addf %get3A_199, %gather3A_212 : vector<16xf32>
      %add3A_218 = arith.addf %add3A_217, %gather3A_216 : vector<16xf32>
      %add3A_219 = arith.addf %add3A_218, %gather3A_53 : vector<16xf32>
      %swap3A_220 = arith.constant 0 : index
      %swap3A_221 = tpu.vector_load %arg25[%swap3A_220] {strides = array<i32>} : memref<64xf32, #tpu.memory_space<vmem>>, vector<16xf32>,
      tpu.vector_store %arg25[%swap3A_220], %add3A_219 {strides = array<i32>} : memref<64xf32, #tpu.memory_space<vmem>>, vector<16xf32>,
      %get3A_222 = arith.constant 16 : index
      %get3A_223 = tpu.vector_load %arg25[%get3A_222] {strides = array<i32>} : memref<64xf32, #tpu.memory_space<vmem>>, vector<16xf32>,
      %get3A_224 = arith.constant 16 : index
      %get3A_225 = tpu.vector_load %arg19[%get3A_224] {strides = array<i32>} : memref<64xi32, #tpu.memory_space<vmem>>, vector<16xi32>,
      %and3A_226 = arith.constant 15 : i32
      %and3A_227 = vector.broadcast %and3A_226 : i32 to vector<16xi32>
      %and3A_228 = arith.andi %get3A_225, %and3A_227 : vector<16xi32>
      %get3A_229 = arith.constant 16 : index
      %get3A_230 = tpu.vector_load %arg20[%get3A_229] {strides = array<i32>} : memref<64xi32, #tpu.memory_space<vmem>>, vector<16xi32>,
      %and3A_231 = arith.constant 15 : i32
      %and3A_232 = vector.broadcast %and3A_231 : i32 to vector<16xi32>
      %and3A_233 = arith.andi %get3A_230, %and3A_232 : vector<16xi32>
      %add3A_234 = arith.constant 16 : i32
      %add3A_235 = vector.broadcast %add3A_234 : i32 to vector<16xi32>
      %add3A_236 = arith.addi %add3A_235, %iota3A : vector<16xi32>
      %gather3A_237 = tpu.vector_load_idx %arg23[%add3A_236, %and3A_228] : memref<64x16xf32, #tpu.memory_space<vmem>>[vector<16xi32>, vector<16xi32>], vector<16xf32>,
      %add3A_238 = arith.constant 16 : i32
      %add3A_239 = vector.broadcast %add3A_238 : i32 to vector<16xi32>
      %add3A_240 = arith.addi %add3A_239, %iota3A : vector<16xi32>
      %gather3A_241 = tpu.vector_load_idx %arg24[%add3A_240, %and3A_233] : memref<64x16xf32, #tpu.memory_space<vmem>>[vector<16xi32>, vector<16xi32>], vector<16xf32>,
      %add3A_242 = arith.addf %get3A_223, %gather3A_237 : vector<16xf32>
      %add3A_243 = arith.addf %add3A_242, %gather3A_241 : vector<16xf32>
      %add3A_244 = arith.addf %add3A_243, %gather3A_53 : vector<16xf32>
      %swap3A_245 = arith.constant 16 : index
      %swap3A_246 = tpu.vector_load %arg25[%swap3A_245] {strides = array<i32>} : memref<64xf32, #tpu.memory_space<vmem>>, vector<16xf32>,
      tpu.vector_store %arg25[%swap3A_245], %add3A_244 {strides = array<i32>} : memref<64xf32, #tpu.memory_space<vmem>>, vector<16xf32>,
      %get3A_247 = arith.constant 32 : index
      %get3A_248 = tpu.vector_load %arg25[%get3A_247] {strides = array<i32>} : memref<64xf32, #tpu.memory_space<vmem>>, vector<16xf32>,
      %get3A_249 = arith.constant 32 : index
      %get3A_250 = tpu.vector_load %arg19[%get3A_249] {strides = array<i32>} : memref<64xi32, #tpu.memory_space<vmem>>, vector<16xi32>,
      %and3A_251 = arith.constant 15 : i32
      %and3A_252 = vector.broadcast %and3A_251 : i32 to vector<16xi32>
      %and3A_253 = arith.andi %get3A_250, %and3A_252 : vector<16xi32>
      %get3A_254 = arith.constant 32 : index
      %get3A_255 = tpu.vector_load %arg20[%get3A_254] {strides = array<i32>} : memref<64xi32, #tpu.memory_space<vmem>>, vector<16xi32>,
      %and3A_256 = arith.constant 15 : i32
      %and3A_257 = vector.broadcast %and3A_256 : i32 to vector<16xi32>
      %and3A_258 = arith.andi %get3A_255, %and3A_257 : vector<16xi32>
      %add3A_259 = arith.constant 32 : i32
      %add3A_260 = vector.broadcast %add3A_259 : i32 to vector<16xi32>
      %add3A_261 = arith.addi %add3A_260, %iota3A : vector<16xi32>
      %gather3A_262 = tpu.vector_load_idx %arg23[%add3A_261, %and3A_253] : memref<64x16xf32, #tpu.memory_space<vmem>>[vector<16xi32>, vector<16xi32>], vector<16xf32>,
      %add3A_263 = arith.constant 32 : i32
      %add3A_264 = vector.broadcast %add3A_263 : i32 to vector<16xi32>
      %add3A_265 = arith.addi %add3A_264, %iota3A : vector<16xi32>
      %gather3A_266 = tpu.vector_load_idx %arg24[%add3A_265, %and3A_258] : memref<64x16xf32, #tpu.memory_space<vmem>>[vector<16xi32>, vector<16xi32>], vector<16xf32>,
      %add3A_267 = arith.addf %get3A_248, %gather3A_262 : vector<16xf32>
      %add3A_268 = arith.addf %add3A_267, %gather3A_266 : vector<16xf32>
      %add3A_269 = arith.addf %add3A_268, %gather3A_53 : vector<16xf32>
      %swap3A_270 = arith.constant 32 : index
      %swap3A_271 = tpu.vector_load %arg25[%swap3A_270] {strides = array<i32>} : memref<64xf32, #tpu.memory_space<vmem>>, vector<16xf32>,
      tpu.vector_store %arg25[%swap3A_270], %add3A_269 {strides = array<i32>} : memref<64xf32, #tpu.memory_space<vmem>>, vector<16xf32>,
      %get3A_272 = arith.constant 48 : index
      %get3A_273 = tpu.vector_load %arg25[%get3A_272] {strides = array<i32>} : memref<64xf32, #tpu.memory_space<vmem>>, vector<16xf32>,
      %get3A_274 = arith.constant 48 : index
      %get3A_275 = tpu.vector_load %arg19[%get3A_274] {strides = array<i32>} : memref<64xi32, #tpu.memory_space<vmem>>, vector<16xi32>,
      %and3A_276 = arith.constant 15 : i32
      %and3A_277 = vector.broadcast %and3A_276 : i32 to vector<16xi32>
      %and3A_278 = arith.andi %get3A_275, %and3A_277 : vector<16xi32>
      %get3A_279 = arith.constant 48 : index
      %get3A_280 = tpu.vector_load %arg20[%get3A_279] {strides = array<i32>} : memref<64xi32, #tpu.memory_space<vmem>>, vector<16xi32>,
      %and3A_281 = arith.constant 15 : i32
      %and3A_282 = vector.broadcast %and3A_281 : i32 to vector<16xi32>
      %and3A_283 = arith.andi %get3A_280, %and3A_282 : vector<16xi32>
      %add3A_284 = arith.constant 48 : i32
      %add3A_285 = vector.broadcast %add3A_284 : i32 to vector<16xi32>
      %add3A_286 = arith.addi %add3A_285, %iota3A : vector<16xi32>
      %gather3A_287 = tpu.vector_load_idx %arg23[%add3A_286, %and3A_278] : memref<64x16xf32, #tpu.memory_space<vmem>>[vector<16xi32>, vector<16xi32>], vector<16xf32>,
      %add3A_288 = arith.constant 48 : i32
      %add3A_289 = vector.broadcast %add3A_288 : i32 to vector<16xi32>
      %add3A_290 = arith.addi %add3A_289, %iota3A : vector<16xi32>
      %gather3A_291 = tpu.vector_load_idx %arg24[%add3A_290, %and3A_283] : memref<64x16xf32, #tpu.memory_space<vmem>>[vector<16xi32>, vector<16xi32>], vector<16xf32>,
      %add3A_292 = arith.addf %get3A_273, %gather3A_287 : vector<16xf32>
      %add3A_293 = arith.addf %add3A_292, %gather3A_291 : vector<16xf32>
      %add3A_294 = arith.addf %add3A_293, %gather3A_53 : vector<16xf32>
      %swap3A_295 = arith.constant 48 : index
      %swap3A_296 = tpu.vector_load %arg25[%swap3A_295] {strides = array<i32>} : memref<64xf32, #tpu.memory_space<vmem>>, vector<16xf32>,
      tpu.vector_store %arg25[%swap3A_295], %add3A_294 {strides = array<i32>} : memref<64xf32, #tpu.memory_space<vmem>>, vector<16xf32>,
      "tpu.region"() ({
        %run_scoped3A = tpu.sem_alloc : memref<!tpu.dma_semaphore, #tpu.memory_space<semaphore_mem>>
        %dma_start3A_304 = tpu.memref_slice %arg12[%add3A_152] : memref<16384xf32, #tpu.memory_space<hbm>> -> memref<64xf32, #tpu.memory_space<hbm>>
        %dma_start3A_305 = tpu.memref_slice %arg12[%add3A_152] : memref<16384xf32, #tpu.memory_space<hbm>> -> memref<64xf32, #tpu.memory_space<hbm>>
        tpu.enqueue_dma source(%arg25 : memref<64xf32, #tpu.memory_space<vmem>>) target(%dma_start3A_305 : memref<64xf32, #tpu.memory_space<hbm>>) target_semaphore(%run_scoped3A : memref<!tpu.dma_semaphore, #tpu.memory_space<semaphore_mem>>)
        %dma_wait3A_306 = tpu.memref_slice %arg12[%add3A_152] : memref<16384xf32, #tpu.memory_space<hbm>> -> memref<64xf32, #tpu.memory_space<hbm>>
        %dma_wait3A_307 = tpu.memref_slice %arg12[%add3A_152] : memref<16384xf32, #tpu.memory_space<hbm>> -> memref<64xf32, #tpu.memory_space<hbm>>
        tpu.wait_dma2 semaphore(%run_scoped3A : memref<!tpu.dma_semaphore, #tpu.memory_space<semaphore_mem>>) src(%arg25 : memref<64xf32, #tpu.memory_space<vmem>>) dst(%dma_wait3A_307 : memref<64xf32, #tpu.memory_space<hbm>>)
        tpu.yield
      }) : () -> ()
      %add3A_297 = arith.constant 1 : i32
      %add3A_298 = arith.addi %scan3A_147, %add3A_297 : i32
      %lt3A_299 = arith.constant 8 : i32
      %lt3A_300 = arith.cmpi slt, %add3A_298, %lt3A_299 : i32
      %convert_element_type3A_301 = arith.extui %lt3A_300 : i1 to i32
      %cond3A_302 = arith.constant 0 : i32
      %cond3A_303 = arith.cmpi ne, %convert_element_type3A_301, %cond3A_302 : i32
      scf.if %cond3A_303 {
        %add3A_304 = arith.constant 1 : i32
        %add3A_305 = arith.addi %scan3A_147, %add3A_304 : i32
        %mul3A_306 = arith.constant 512 : i32
        %mul3A_307 = arith.muli %add3A, %mul3A_306 : i32
        %mul3A_308 = arith.constant 64 : i32
        %mul3A_309 = arith.muli %add3A_305, %mul3A_308 : i32
        %add3A_310 = arith.addi %mul3A_307, %mul3A_309 : i32
        %mul3A_311 = arith.constant 50 : i32
        %mul3A_312 = arith.muli %add3A_310, %mul3A_311 : i32
        "tpu.region"() ({
          %run_scoped3A = tpu.sem_alloc : memref<!tpu.dma_semaphore, #tpu.memory_space<semaphore_mem>>
          %dma_start3A_388 = tpu.memref_slice %arg5[%mul3A_312] : memref<819200xi32, #tpu.memory_space<hbm>> -> memref<3200xi32, #tpu.memory_space<hbm>>
          %dma_start3A_389 = tpu.memref_slice %arg5[%mul3A_312] : memref<819200xi32, #tpu.memory_space<hbm>> -> memref<3200xi32, #tpu.memory_space<hbm>>
          tpu.enqueue_dma source(%dma_start3A_389 : memref<3200xi32, #tpu.memory_space<hbm>>) target(%arg14 : memref<3200xi32, #tpu.memory_space<vmem>>) target_semaphore(%run_scoped3A : memref<!tpu.dma_semaphore, #tpu.memory_space<semaphore_mem>>)
          %dma_wait3A_390 = tpu.memref_slice %arg5[%mul3A_312] : memref<819200xi32, #tpu.memory_space<hbm>> -> memref<3200xi32, #tpu.memory_space<hbm>>
          %dma_wait3A_391 = tpu.memref_slice %arg5[%mul3A_312] : memref<819200xi32, #tpu.memory_space<hbm>> -> memref<3200xi32, #tpu.memory_space<hbm>>
          tpu.wait_dma2 semaphore(%run_scoped3A : memref<!tpu.dma_semaphore, #tpu.memory_space<semaphore_mem>>) src(%dma_wait3A_391 : memref<3200xi32, #tpu.memory_space<hbm>>) dst(%arg14 : memref<3200xi32, #tpu.memory_space<vmem>>)
          tpu.yield
        }) : () -> ()
        %scan3A_313 = arith.constant 0 : i32
        %scan3A_314 = arith.constant 0 : i32
        %scan3A_315 = arith.constant 25 : i32
        %scan3A_316 = arith.addi %scan3A_314, %scan3A_315 : i32
        %scan3A_317 = arith.constant 1 : i32
        scf.for %scan3A_388 = %scan3A_314 to %scan3A_316 step %scan3A_317  : i32 {
          %mul3A_389 = arith.constant 128 : i32
          %mul3A_390 = arith.muli %scan3A_388, %mul3A_389 : i32
          %mul3A_391 = arith.constant 128 : i32
          %mul3A_392 = arith.muli %scan3A_388, %mul3A_391 : i32
          %dma_start3A_393 = arith.constant 0 : i32
          %dma_start3A_394 = tpu.memref_slice %arg16[%mul3A_392, %dma_start3A_393] : memref<3200x16xf32, #tpu.memory_space<vmem>> -> memref<128x16xf32, #tpu.memory_space<vmem>>
          %dma_start3A_395 = tpu.memref_slice %arg14[%mul3A_390] : memref<3200xi32, #tpu.memory_space<vmem>> -> memref<128xi32, #tpu.memory_space<vmem>>
          %dma_start3A_396 = arith.constant 0 : i32
          %dma_start3A_397 = arith.constant 0 : i32
          %dma_start3A_398 = tpu.memref_slice %arg6[%dma_start3A_396, %dma_start3A_397] : memref<100000x16xf32, #tpu.memory_space<hbm>> -> memref<100000x16xf32, #tpu.memory_space<hbm>>
          tpu.enqueue_indirect_dma source(%dma_start3A_398 : memref<100000x16xf32, #tpu.memory_space<hbm>>) target(%dma_start3A_394 : memref<128x16xf32, #tpu.memory_space<vmem>>) offsets(%dma_start3A_395 : memref<128xi32, #tpu.memory_space<vmem>>) semaphore(%arg30 : memref<!tpu.dma_semaphore, #tpu.memory_space<semaphore_mem>>)
        }
        %scan3A_318 = arith.constant 25 : i32
        %add3A_319 = arith.constant 1 : i32
        %add3A_320 = arith.addi %scan3A_147, %add3A_319 : i32
        %mul3A_321 = arith.constant 512 : i32
        %mul3A_322 = arith.muli %add3A, %mul3A_321 : i32
        %mul3A_323 = arith.constant 64 : i32
        %mul3A_324 = arith.muli %add3A_320, %mul3A_323 : i32
        %add3A_325 = arith.addi %mul3A_322, %mul3A_324 : i32
        "tpu.region"() ({
          %run_scoped3A = tpu.sem_alloc : memref<!tpu.dma_semaphore, #tpu.memory_space<semaphore_mem>>
          %dma_start3A_388 = tpu.memref_slice %arg2[%add3A_325] : memref<16384xi32, #tpu.memory_space<hbm>> -> memref<64xi32, #tpu.memory_space<hbm>>
          %dma_start3A_389 = tpu.memref_slice %arg2[%add3A_325] : memref<16384xi32, #tpu.memory_space<hbm>> -> memref<64xi32, #tpu.memory_space<hbm>>
          tpu.enqueue_dma source(%dma_start3A_389 : memref<64xi32, #tpu.memory_space<hbm>>) target(%arg19 : memref<64xi32, #tpu.memory_space<vmem>>) target_semaphore(%run_scoped3A : memref<!tpu.dma_semaphore, #tpu.memory_space<semaphore_mem>>)
          %dma_wait3A_390 = tpu.memref_slice %arg2[%add3A_325] : memref<16384xi32, #tpu.memory_space<hbm>> -> memref<64xi32, #tpu.memory_space<hbm>>
          %dma_wait3A_391 = tpu.memref_slice %arg2[%add3A_325] : memref<16384xi32, #tpu.memory_space<hbm>> -> memref<64xi32, #tpu.memory_space<hbm>>
          tpu.wait_dma2 semaphore(%run_scoped3A : memref<!tpu.dma_semaphore, #tpu.memory_space<semaphore_mem>>) src(%dma_wait3A_391 : memref<64xi32, #tpu.memory_space<hbm>>) dst(%arg19 : memref<64xi32, #tpu.memory_space<vmem>>)
          tpu.yield
        }) : () -> ()
        "tpu.region"() ({
          %run_scoped3A = tpu.sem_alloc : memref<!tpu.dma_semaphore, #tpu.memory_space<semaphore_mem>>
          %dma_start3A_388 = tpu.memref_slice %arg3[%add3A_325] : memref<16384xi32, #tpu.memory_space<hbm>> -> memref<64xi32, #tpu.memory_space<hbm>>
          %dma_start3A_389 = tpu.memref_slice %arg3[%add3A_325] : memref<16384xi32, #tpu.memory_space<hbm>> -> memref<64xi32, #tpu.memory_space<hbm>>
          tpu.enqueue_dma source(%dma_start3A_389 : memref<64xi32, #tpu.memory_space<hbm>>) target(%arg20 : memref<64xi32, #tpu.memory_space<vmem>>) target_semaphore(%run_scoped3A : memref<!tpu.dma_semaphore, #tpu.memory_space<semaphore_mem>>)
          %dma_wait3A_390 = tpu.memref_slice %arg3[%add3A_325] : memref<16384xi32, #tpu.memory_space<hbm>> -> memref<64xi32, #tpu.memory_space<hbm>>
          %dma_wait3A_391 = tpu.memref_slice %arg3[%add3A_325] : memref<16384xi32, #tpu.memory_space<hbm>> -> memref<64xi32, #tpu.memory_space<hbm>>
          tpu.wait_dma2 semaphore(%run_scoped3A : memref<!tpu.dma_semaphore, #tpu.memory_space<semaphore_mem>>) src(%dma_wait3A_391 : memref<64xi32, #tpu.memory_space<hbm>>) dst(%arg20 : memref<64xi32, #tpu.memory_space<vmem>>)
          tpu.yield
        }) : () -> ()
        %get3A_326 = arith.constant 0 : index
        %get3A_327 = tpu.vector_load %arg19[%get3A_326] {strides = array<i32>} : memref<64xi32, #tpu.memory_space<vmem>>, vector<16xi32>,
        %shift_right_logical3A_328 = arith.constant 4 : i32
        %shift_right_logical3A_329 = vector.broadcast %shift_right_logical3A_328 : i32 to vector<16xi32>
        %shift_right_logical3A_330 = arith.shrui %get3A_327, %shift_right_logical3A_329 : vector<16xi32>
        %swap3A_331 = arith.constant 0 : index
        %swap3A_332 = tpu.vector_load %arg21[%swap3A_331] {strides = array<i32>} : memref<64xi32, #tpu.memory_space<vmem>>, vector<16xi32>,
        tpu.vector_store %arg21[%swap3A_331], %shift_right_logical3A_330 {strides = array<i32>} : memref<64xi32, #tpu.memory_space<vmem>>, vector<16xi32>,
        %get3A_333 = arith.constant 0 : index
        %get3A_334 = tpu.vector_load %arg20[%get3A_333] {strides = array<i32>} : memref<64xi32, #tpu.memory_space<vmem>>, vector<16xi32>,
        %shift_right_logical3A_335 = arith.constant 4 : i32
        %shift_right_logical3A_336 = vector.broadcast %shift_right_logical3A_335 : i32 to vector<16xi32>
        %shift_right_logical3A_337 = arith.shrui %get3A_334, %shift_right_logical3A_336 : vector<16xi32>
        %swap3A_338 = arith.constant 0 : index
        %swap3A_339 = tpu.vector_load %arg22[%swap3A_338] {strides = array<i32>} : memref<64xi32, #tpu.memory_space<vmem>>, vector<16xi32>,
        tpu.vector_store %arg22[%swap3A_338], %shift_right_logical3A_337 {strides = array<i32>} : memref<64xi32, #tpu.memory_space<vmem>>, vector<16xi32>,
        %get3A_340 = arith.constant 16 : index
        %get3A_341 = tpu.vector_load %arg19[%get3A_340] {strides = array<i32>} : memref<64xi32, #tpu.memory_space<vmem>>, vector<16xi32>,
        %shift_right_logical3A_342 = arith.constant 4 : i32
        %shift_right_logical3A_343 = vector.broadcast %shift_right_logical3A_342 : i32 to vector<16xi32>
        %shift_right_logical3A_344 = arith.shrui %get3A_341, %shift_right_logical3A_343 : vector<16xi32>
        %swap3A_345 = arith.constant 16 : index
        %swap3A_346 = tpu.vector_load %arg21[%swap3A_345] {strides = array<i32>} : memref<64xi32, #tpu.memory_space<vmem>>, vector<16xi32>,
        tpu.vector_store %arg21[%swap3A_345], %shift_right_logical3A_344 {strides = array<i32>} : memref<64xi32, #tpu.memory_space<vmem>>, vector<16xi32>,
        %get3A_347 = arith.constant 16 : index
        %get3A_348 = tpu.vector_load %arg20[%get3A_347] {strides = array<i32>} : memref<64xi32, #tpu.memory_space<vmem>>, vector<16xi32>,
        %shift_right_logical3A_349 = arith.constant 4 : i32
        %shift_right_logical3A_350 = vector.broadcast %shift_right_logical3A_349 : i32 to vector<16xi32>
        %shift_right_logical3A_351 = arith.shrui %get3A_348, %shift_right_logical3A_350 : vector<16xi32>
        %swap3A_352 = arith.constant 16 : index
        %swap3A_353 = tpu.vector_load %arg22[%swap3A_352] {strides = array<i32>} : memref<64xi32, #tpu.memory_space<vmem>>, vector<16xi32>,
        tpu.vector_store %arg22[%swap3A_352], %shift_right_logical3A_351 {strides = array<i32>} : memref<64xi32, #tpu.memory_space<vmem>>, vector<16xi32>,
        %get3A_354 = arith.constant 32 : index
        %get3A_355 = tpu.vector_load %arg19[%get3A_354] {strides = array<i32>} : memref<64xi32, #tpu.memory_space<vmem>>, vector<16xi32>,
        %shift_right_logical3A_356 = arith.constant 4 : i32
        %shift_right_logical3A_357 = vector.broadcast %shift_right_logical3A_356 : i32 to vector<16xi32>
        %shift_right_logical3A_358 = arith.shrui %get3A_355, %shift_right_logical3A_357 : vector<16xi32>
        %swap3A_359 = arith.constant 32 : index
        %swap3A_360 = tpu.vector_load %arg21[%swap3A_359] {strides = array<i32>} : memref<64xi32, #tpu.memory_space<vmem>>, vector<16xi32>,
        tpu.vector_store %arg21[%swap3A_359], %shift_right_logical3A_358 {strides = array<i32>} : memref<64xi32, #tpu.memory_space<vmem>>, vector<16xi32>,
        %get3A_361 = arith.constant 32 : index
        %get3A_362 = tpu.vector_load %arg20[%get3A_361] {strides = array<i32>} : memref<64xi32, #tpu.memory_space<vmem>>, vector<16xi32>,
        %shift_right_logical3A_363 = arith.constant 4 : i32
        %shift_right_logical3A_364 = vector.broadcast %shift_right_logical3A_363 : i32 to vector<16xi32>
        %shift_right_logical3A_365 = arith.shrui %get3A_362, %shift_right_logical3A_364 : vector<16xi32>
        %swap3A_366 = arith.constant 32 : index
        %swap3A_367 = tpu.vector_load %arg22[%swap3A_366] {strides = array<i32>} : memref<64xi32, #tpu.memory_space<vmem>>, vector<16xi32>,
        tpu.vector_store %arg22[%swap3A_366], %shift_right_logical3A_365 {strides = array<i32>} : memref<64xi32, #tpu.memory_space<vmem>>, vector<16xi32>,
        %get3A_368 = arith.constant 48 : index
        %get3A_369 = tpu.vector_load %arg19[%get3A_368] {strides = array<i32>} : memref<64xi32, #tpu.memory_space<vmem>>, vector<16xi32>,
        %shift_right_logical3A_370 = arith.constant 4 : i32
        %shift_right_logical3A_371 = vector.broadcast %shift_right_logical3A_370 : i32 to vector<16xi32>
        %shift_right_logical3A_372 = arith.shrui %get3A_369, %shift_right_logical3A_371 : vector<16xi32>
        %swap3A_373 = arith.constant 48 : index
        %swap3A_374 = tpu.vector_load %arg21[%swap3A_373] {strides = array<i32>} : memref<64xi32, #tpu.memory_space<vmem>>, vector<16xi32>,
        tpu.vector_store %arg21[%swap3A_373], %shift_right_logical3A_372 {strides = array<i32>} : memref<64xi32, #tpu.memory_space<vmem>>, vector<16xi32>,
        %get3A_375 = arith.constant 48 : index
        %get3A_376 = tpu.vector_load %arg20[%get3A_375] {strides = array<i32>} : memref<64xi32, #tpu.memory_space<vmem>>, vector<16xi32>,
        %shift_right_logical3A_377 = arith.constant 4 : i32
        %shift_right_logical3A_378 = vector.broadcast %shift_right_logical3A_377 : i32 to vector<16xi32>
        %shift_right_logical3A_379 = arith.shrui %get3A_376, %shift_right_logical3A_378 : vector<16xi32>
        %swap3A_380 = arith.constant 48 : index
        %swap3A_381 = tpu.vector_load %arg22[%swap3A_380] {strides = array<i32>} : memref<64xi32, #tpu.memory_space<vmem>>, vector<16xi32>,
        tpu.vector_store %arg22[%swap3A_380], %shift_right_logical3A_379 {strides = array<i32>} : memref<64xi32, #tpu.memory_space<vmem>>, vector<16xi32>,
        %dma_start3A_382 = arith.constant 0 : i32
        %dma_start3A_383 = arith.constant 0 : i32
        %dma_start3A_384 = tpu.memref_slice %arg10[%dma_start3A_382, %dma_start3A_383] : memref<62500x16xf32, #tpu.memory_space<hbm>> -> memref<62500x16xf32, #tpu.memory_space<hbm>>
        tpu.enqueue_indirect_dma source(%dma_start3A_384 : memref<62500x16xf32, #tpu.memory_space<hbm>>) target(%arg23 : memref<64x16xf32, #tpu.memory_space<vmem>>) offsets(%arg21 : memref<64xi32, #tpu.memory_space<vmem>>) semaphore(%arg31 : memref<!tpu.dma_semaphore, #tpu.memory_space<semaphore_mem>>)
        %dma_start3A_385 = arith.constant 0 : i32
        %dma_start3A_386 = arith.constant 0 : i32
        %dma_start3A_387 = tpu.memref_slice %arg11[%dma_start3A_385, %dma_start3A_386] : memref<62500x16xf32, #tpu.memory_space<hbm>> -> memref<62500x16xf32, #tpu.memory_space<hbm>>
        tpu.enqueue_indirect_dma source(%dma_start3A_387 : memref<62500x16xf32, #tpu.memory_space<hbm>>) target(%arg24 : memref<64x16xf32, #tpu.memory_space<vmem>>) offsets(%arg22 : memref<64xi32, #tpu.memory_space<vmem>>) semaphore(%arg31 : memref<!tpu.dma_semaphore, #tpu.memory_space<semaphore_mem>>)
      } else {
      }
    }
    %scan3A_146 = arith.constant 8 : i32
    return
  }
}

</mosaic_0001>

<sc_bundles>
// kernel: kernel.3.cloned.1.call-start
scs
__scs_entry_jumppad:
0x0: {  	(pc) =	sbr.rel $0x88, $3  }
0x1: {  	(tag) =	ssettag $0x0;
	lr =	simm.s32 $0x1  }
0x2: {  	[smem:$0x3F97] =	sst lr;
	_ =	strace $0xD0000000  }
0x3: {  	_ = 	snop  }
0x4: {  	_ = 	snop  }
0x5: {  	_ = 	snop  }
0x6: {  	_ = 	snop  }
0x7: {  	_ = 	snop  }
__scs_overlays_trampoline_lowered:
0x8: {  	[smem:$0x3FA6] =	sst s0  }
0x9: {  	[smem:$0x3FA7] =	sst s1  }
0xa: {  	[smem:$0x3FA8] =	sst s2  }
0xb: {  	[smem:$0x3FA9] =	sst s3  }
0xc: {  	[smem:$0x3FAA] =	sst s4  }
0xd: {  	[smem:$0x3FAB] =	sst s5  }
0xe: {  	[smem:$0x3FAC] =	sst s6  }
0xf: {  	[smem:$0x3FAD] =	sst s7  }
0x10: {  	[smem:$0x3FAE] =	sst s8  }
0x11: {  	[smem:$0x3FAF] =	sst s9;
	s0 =	simm.s32 @!p0 $0x0  }
0x12: {  	s1 =	sld [smem:$0x3F95];
	s0 =	simm.s32 @p0 $0x1  }
0x13: {  	[smem:$0x3FB0] =	sst s0;
	s0 =	simm.s32 @!p1 $0x0  }
0x14: {  	s2 =	sld [smem:$0x3F94];
	s0 =	simm.s32 @p1 $0x1  }
0x15: {  	[smem:$0x3FB1] =	sst s0;
	s0 =	simm.s32 @!p2 $0x0  }
0x16: {  	s3 =	sld [smem:$0x3FDB];
	s0 =	simm.s32 @p2 $0x1  }
0x17: {  	s4 =	simm.s32 $0x1BF5;
	[smem:$0x3FB3] =	sst s0  }
0x18: {  	s0 =	sld [smem:$0x3F96];
	_ =	swait.ge [sflag:s4], $0x0  }
0x19: {  	s7 =	sld [smem:$0x3F97]  }
0x1a: {  	s8 =	sadd.s32 $0xFFFFE003, lr  }
0x1b: {  	s9 =	sadd.s32 $0xFFFFFEF7, lr;
	s5 =	simm.s32 $0xFFFFFFFF;
	p2 =	slt.u32 s8, $0xFFFFF086  }
0x1c: {  	p1 =	slt.u32 s9, $0xF7A;
	s5 =	simm.s32 @!p2 $0x0  }
0x1d: {  	s5 =	simm.s32 @p1 $0x1;
	p0 =	seq.s32 s7, s2  }
0x1e: {  	s7 =	smul.u32 @!p0 $0xF7A, s2;
	p2 =	seq.s32 @!p0 s5, $0x0  }
0x1f: {  	s9 =	smul.u32 $0xF7A, s1;
	s8 =	simm.s32 @!p0 $0x1BF5;
	p2 =	por !p2, p0  }
0x20: {  	[sflag:s8] =	ssyncset.s32 @!p0 $0xFFFFF086;
	s6 =	sadd.s32 @!p0 s3, s7;
	s7 =	simm.s32 @!p0 $0x108  }
0x21: {  	s3 =	sadd.s32 s3, s9;
	s6 =	sadd.s32 @!p0 $0x88, s6;
	s7 =	simm.s32 @p2 $0x1082  }
0x22: {  	[simem:s7], [sflag:s8] =	dma.local @!p0 [hbm:s6], $0xF7A  }
0x23: {  	s9 =	sor.u32 $0xD0000000, s2;
	s6 =	simm.s32 $0x108;
	_ =	swait.ge @!p0 [sflag:s8], $0x0  }
0x24: {  	s3 =	sadd.s32 $0x88, s3;
	s6 =	simm.s32 @!p1 $0x1082;
	[sflag:s4] =	ssyncset.s32 $0xFFFFF086  }
0x25: {  	[simem:s6], [sflag:s4] =	dma.local [hbm:s3], $0xF7A  }
0x26: {  	[smem:$0x3F97] =	sst s1;
	(tag) =	ssettag s2;
	_ =	strace s9  }
0x27: {  	s1 =	sld [smem:$0x3FA7]  }
0x28: {  	s2 =	sld [smem:$0x3FA8]  }
0x29: {  	s4 =	sld [smem:$0x3FAA]  }
0x2a: {  	p0 =	seq.s32 s5, $0x0;
	s5 =	sld [smem:$0x3FAB]  }
0x2b: {  	s6 =	sld [smem:$0x3FAC]  }
0x2c: {  	s7 =	sld [smem:$0x3FAD]  }
0x2d: {  	s3 =	simm.s32 $0x108;
	s8 =	sld [smem:$0x3FAE]  }
0x2e: {  	s3 =	simm.s32 @!p0 $0x1082;
	s9 =	sld [smem:$0x3FAF]  }
0x2f: {  	lr =	sadd.s32 s0, s3;
	s0 =	sld [smem:$0x3FA6]  }
0x30: {  	s3 =	sld [smem:$0x3FA9]  }
0x31: {  	[smem:$0x3FB2] =	sst s10  }
0x32: {  	s10 =	sld [smem:$0x3FB0];
	_ =	sdelay $0x3  }
0x33: {  	p0 =	seq.s32 s10, $0x1;
	s10 =	sld [smem:$0x3FB2];
	_ =	sdelay $0x3  }
0x34: {  	[smem:$0x3FB2] =	sst s10  }
0x35: {  	s10 =	sld [smem:$0x3FB1];
	_ =	sdelay $0x3  }
0x36: {  	p1 =	seq.s32 s10, $0x1;
	s10 =	sld [smem:$0x3FB2];
	_ =	sdelay $0x3  }
0x37: {  	[smem:$0x3FB2] =	sst s10  }
0x38: {  	s10 =	sld [smem:$0x3FB3]  }
0x39: {  	_ = 	snop;
	(pc) =	sbr.ind lr, $3  }
0x3a: {  	_ = 	snop  }
0x3b: {  	_ = 	snop  }
0x3c: {  	p2 =	seq.s32 s10, $0x1;
	s10 =	sld [smem:$0x3FB2]  }
0x3d: {  	_ =	shalt  }
0x3e: {  	_ =	shalt  }
0x3f: {  	_ =	shalt  }
0x40: {  	_ =	shalt  }
0x41: {  	_ =	shalt  }
0x42: {  	_ =	shalt  }
0x43: {  	_ =	shalt  }
0x44: {  	_ =	shalt  }
0x45: {  	_ =	shalt  }
0x46: {  	_ =	shalt  }
0x47: {  	_ =	shalt  }
0x48: {  	_ =	shalt  }
0x49: {  	_ =	shalt  }
0x4a: {  	_ =	shalt  }
0x4b: {  	_ =	shalt  }
0x4c: {  	_ =	shalt  }
0x4d: {  	_ =	shalt  }
0x4e: {  	_ =	shalt  }
0x4f: {  	_ =	shalt  }
0x50: {  	_ =	shalt  }
0x51: {  	_ =	shalt  }
0x52: {  	_ =	shalt  }
0x53: {  	_ =	shalt  }
0x54: {  	_ =	shalt  }
0x55: {  	_ =	shalt  }
0x56: {  	_ =	shalt  }
0x57: {  	_ =	shalt  }
0x58: {  	_ =	shalt  }
0x59: {  	_ =	shalt  }
0x5a: {  	_ =	shalt  }
0x5b: {  	_ =	shalt  }
0x5c: {  	_ =	shalt  }
0x5d: {  	_ =	shalt  }
0x5e: {  	_ =	shalt  }
0x5f: {  	_ =	shalt  }
0x60: {  	_ =	shalt  }
0x61: {  	_ =	shalt  }
0x62: {  	_ =	shalt  }
0x63: {  	_ =	shalt  }
0x64: {  	_ =	shalt  }
0x65: {  	_ =	shalt  }
0x66: {  	_ =	shalt  }
0x67: {  	_ =	shalt  }
0x68: {  	_ =	shalt  }
0x69: {  	_ =	shalt  }
0x6a: {  	_ =	shalt  }
0x6b: {  	_ =	shalt  }
0x6c: {  	_ =	shalt  }
0x6d: {  	_ =	shalt  }
0x6e: {  	_ =	shalt  }
0x6f: {  	_ =	shalt  }
0x70: {  	_ =	shalt  }
0x71: {  	_ =	shalt  }
0x72: {  	_ =	shalt  }
0x73: {  	_ =	shalt  }
0x74: {  	_ =	shalt  }
0x75: {  	_ =	shalt  }
0x76: {  	_ =	shalt  }
0x77: {  	_ =	shalt  }
0x78: {  	_ =	shalt  }
0x79: {  	_ =	shalt  }
0x7a: {  	_ =	shalt  }
0x7b: {  	_ =	shalt  }
0x7c: {  	_ =	shalt  }
0x7d: {  	_ =	shalt  }
0x7e: {  	_ =	shalt  }
0x7f: {  	_ =	shalt  }
0x80: {  	_ =	shalt  }
0x81: {  	_ =	shalt  }
0x82: {  	_ =	shalt  }
0x83: {  	_ =	shalt  }
0x84: {  	_ =	shalt  }
0x85: {  	_ =	shalt  }
0x86: {  	_ =	shalt  }
0x87: {  	_ =	shalt  }
.Lfunc_end0:
.L_simem_size_0:
called_computation_lowered:
.L_overlay_start_0:
0x88: {  	s2 =	sld [smem:$0x3FD9]  }
0x89: {  	s3 =	sld [smem:$0x3FFE];
	_ =	sdelay $0x1  }
0x8a: {  	s1 =	srdreg.scid  }
0x8b: {  	s0 =	sand.u32 $0x1, s1  }
0x8c: {  	s17 =	sshll.u32 s0, $0xA;
	s2 =	sadd.s32 s3, s2  }
0x8d: {  	s2 =	sadd.s32 s2, s17  }
0x8e: {  	[smem:$0x3FBE] =	sst s2  }
0x8f: {  	_ = 	snop  }
0x90: {  	s2 =	sld [smem:$0x3FC9]  }
0x91: {  	s18 =	sld [smem:$0x3FC8]  }
0x92: {  	s4 =	sld [smem:$0x3FC4]  }
0x93: {  	s5 =	sld [smem:$0x3FD0];
	(tm) =	ssettm $0x1  }
0x94: {  	s6 =	sld [smem:$0x3FFB];
	_ =	sdelay $0x3  }
0x95: {  	_ =	strace s6  }
0x96: {  	s6 =	sld [smem:$0x3FFC];
	_ =	sdelay $0x3  }
0x97: {  	_ =	strace s6  }
0x98: {  	s6 =	sld [smem:$0x3FFD];
	_ =	sdelay $0x3  }
0x99: {  	_ =	strace s6  }
0x9a: {  	_ =	strace $0x8FFFFFFF  }
0x9b: {  	s19 =	sld [smem:$0x3FDB];
	_ =	sdelay $0x1  }
0x9c: {  	s7 =	simm.s32 $_scs_section_size  }
0x9d: {  	s8 =	simm.s32 $_size__tile_overlayer_lowered;
	s9 =	simm.s32 $_tile_overlayer_lowered  }
0x9e: {  	s22 =	simm.s32 $0x1BFF;
	s21 =	sshll.u32 s9, $0x1;
	s6 =	sadd.s32 s7, s19  }
0x9f: {  	s10 =	simm.s32 $0x0;
	s20 =	sshll.u32 s8, $0x1;
	s8 =	sadd.s32 s21, s6  }
0xa0: {  	[timem:s10], [sflag:s22] =	dma.local [hbm:s8], s20  }
0xa1: {  	_ =	swait.ge [sflag:s22], s20  }
0xa2: {  	s7 =	ssub.s32 $0x0, s20;
	[sflag:s22] =	ssyncset.done $0x0  }
0xa3: {  	[sflag:s22] =	ssyncadd.s32 s7;
	_ =	sdelay $0x1  }
0xa4: {  	s23 =	simm.s32 $0x1B8B  }
0xa5: {  	_ =	swait.ge [sflag:s23], $0x1  }
0xa6: {  	[sflag:s23] =	ssyncset.done $0x0  }
0xa7: {  	s25 =	simm.s32 $0x1B8E;
	s24 =	sld [smem:$0x3FFE];
	[sflag:s23] =	ssyncadd.s32 $0xFFFFFFFF  }
0xa8: {  	s26 =	simm.s32 $execute0_lowered;
	[smem:$0x3FD2] =	sst s25  }
0xa9: {  	s8 =	sshll.u32 s26, $0x1;
	_ =	strace $0x80000046;
	[dreg:$0x1] =	wrdreg $0xFFFFFFFF  }
0xaa: {  	s28 =	simm.s32 $_size_execute0_lowered;
	s6 =	sadd.s32 s6, s8;
	[dreg:$0x0] =	wrdreg $0x0  }
0xab: {  	s8 =	sshll.u32 s28, $0x1;
	[dreg:$0x2] =	wrdreg s6  }
0xac: {  	[dreg:$0x3] =	wrdreg s8  }
0xad: {  	[dreg:$0x4] =	wrdreg $0xC0  }
0xae: {  	_ =	task [dreg:s10], $0x5FFFF  }
0xaf: {  	[dreg:$0x1] =	wrdreg $0xFFFFFFFF  }
0xb0: {  	[dreg:$0x0] =	wrdreg $0x60  }
0xb1: {  	[dreg:$0x2] =	wrdreg s2  }
0xb2: {  	[dreg:$0x3] =	wrdreg s18  }
0xb3: {  	[dreg:$0x4] =	wrdreg s24  }
0xb4: {  	[dreg:$0x5] =	wrdreg s4  }
0xb5: {  	[dreg:$0x6] =	wrdreg s5  }
0xb6: {  	[dreg:$0x7] =	wrdreg $0x9  }
0xb7: {  	_ =	task.clear_ibuf [dreg:s10], $0x8FFFF;
	_ =	strace $0x90000046  }
0xb8: {  	s29 =	simm.s32 $0x9;
	_ =	strace $0x80000048  }
0xb9: {  	_ =	swait.ge [sflag:s29], $0x1  }
0xba: {  	[sflag:s29] =	ssyncadd.s32 $0xFFFFFFFF  }
0xbb: {  	_ =	strace $0x90000048  }
0xbc: {  	_ =	sfence  }
0xbd: {  	s30 =	sld [smem:$0x0];
	_ =	sdelay $0x2  }
0xbe: {  	s31 =	sshll.u32 s1, $0xD;
	s1 =	sshrl.u32 s1, $0x2  }
0xbf: {  	s3 =	sand.u32 $0x4000, s31;
	s1 =	sadd.s32 s1, s30  }
0xc0: {  	s0 =	sor.u32 s3, s0;
	s1 =	sshll.u32 s1, $0x11  }
0xc1: {  	s0 =	sor.u32 s1, s0  }
0xc2: {  	s0 =	sadd.s32 $0x8F2B, s0  }
0xc3: {  	[sflag:s0] =	ssyncadd.remote.s32 $0x1  }
0xc4: {  	_ =	sfence.sel $0xFFFF  }
0xc5: {  	[dreg:$0x0] =	wrdreg $0xFFFFFFFF;
	(pc) =	sbr.abs _section_cstart, $3  }
0xc6: {  	[dreg:$0x1] =	wrdreg $0xFFFFFFFF  }
0xc7: {  	_ =	task.clear_ibuf [dreg:s10], $0x2FFFF;
	_ =	strace $0x9FFFFFFF  }
0xc8: {  	(tm) =	ssettm $0x7FFFFFFF  }
0xc9: {  	_ =	shalt  }
tec
execute0_lowered:
.L_overlay_start_1:
0x0: {  	(tag) =	ssettag $0x1  }
0x1: {  	s0 =	rddreg [dreg:$0x2];
	s6 =	simm.s32 $0x0  }
0x2: {  	s1 =	srdreg.scid;
	s2 =	stileid.u32;
	s20 =	simm.s32 $0x4  }
0x3: {  	s10 =	simm.s32 $0xC80;
	s11 =	simm.s32 $0xE100;
	s19 =	simm.s32 $0x1BA80  }
0x4: {  	s21 =	simm.s32 $0x1BA40;
	s22 =	simm.s32 $0x1BE80;
	s24 =	simm.s32 $0x1  }
0x5: {  	s7 =	simm.s32 $0x1C280;
	s14 =	simm.s32 $0x3;
	s15 =	simm.s32 $0x0  }
0x6: {  	[smem:$0x7FF] =	sst s6;
	s5 =	sadd.s32 $0x19200, s0;
	s1 =	sand.u32 $0x1, s1  }
0x7: {  	s2 =	sshll.u32 s2, $0x1;
	s8 =	sadd.s32 $0x200, s0;
	s9 =	sadd.s32 $0x186C00, s0  }
0x8: {  	s3 =	sadd.s32 $0x6F600, s0;
	s4 =	sadd.s32 $0x6F800, s0;
	s12 =	sadd.s32 $0x50C00, s0  }
0x9: {  	s13 =	sadd.s32 $0x32200, s0;
	_ =	strace $0x80000047;
	[dreg:$0x7] =	wrdreg s3  }
0xa: {  	s2 =	sor.u32 s1, s2;
	s1 =	ssub.s32 $0x2, s1;
	[dreg:$0x8] =	wrdreg s4  }
0xb: {  	[dreg:$0x6] =	wrdreg s5;
	s3 =	simm.s32 $0x1BA00;
	s4 =	simm.s32 $0x2  }
0xc: {  	s25 =	smul.u32 $0xC80, s2;
	s26 =	sshrl.u32 s1, $0x1;
	s16 =	sshll.u32 s2, $0x9  }
.Ltmp0:
0xd: {  	v9 =	vimm.s32 $0x19;
	v10 =	vimm.s32 $0x1A;
	s31 =	sshll.u32 s2, $0x6;
	s2 =	simm.s32 $0x1B580;
	(pc) =	sbr.rel .LBB2_1-.Ltmp0, $4  }
0xe: {  	v11 =	vimm.s32 $0x1B;
	v12 =	vimm.s32 $0x1C;
	v13 =	vimm.s32 $0x1D;
	s28 =	ssub.s32 s1, s26;
	[dreg:$0xb] =	wrdreg s31;
	s29 =	sadd.s32 s5, s25  }
0xf: {  	v14 =	vimm.s32 $0x1E;
	v15 =	vimm.s32 $0x1F;
	v16 =	vlaneseq.u32;
	s26 =	simm.s32 $0x1900;
	s30 =	sadd.s32 s8, s25;
	[dreg:$0x9] =	wrdreg s29  }
0x10: {  	v17 =	vimm.s32 $0x8;
	v18 =	vimm.s32 $0x9;
	vm0 =	vcmask $0x3F08;
	s1 =	simm.s32 $0x1A900;
	s0 =	smax.u32 s28, $0x1;
	[dreg:$0xa] =	wrdreg s30  }
0x11: {  	vm1 =	vmmov $0x3;
	vm2 =	vmmov $0x1;
	v19 =	vmul.u32 $0x10, v16;
	s25 =	simm.s32 $0x80;
	s5 =	simm.s32 $0x40;
	[dreg:$0xc] =	wrdreg s0  }
.LBB2_26:
0x12: {  	s15 =	rddreg [dreg:$0xd]  }
0x13: {  	s0 =	rddreg [dreg:$0xc];
	s15 =	sadd.s32 $0x1, s15  }
0x14: {  	p0 =	sne.s32 s15, s0  }
.Ltmp1:
0x15: {  	_ = 	snop;
	(pc) =	sbr.rel @!p0 .LBB2_27-.Ltmp1, $1  }
0x16: {  	_ =	sdelay $0x3  }
.LBB2_1:
0x17: {  	[dreg:$0xd] =	wrdreg s15  }
0x18: {  	s0 =	rddreg [dreg:$0x8];
	s31 =	simm.s32 $0x1C2F0  }
0x19: {  	[tilespmem:s31], [sflag:$0x4] =	stream.linear.gather [hbm4b:s0+s6], $0x10, $0x38;
	[tilespmem:$0x1C300] =	vst v63  }
0x1a: {  	_ =	swait.ge [sflag:s20], $0x10  }
0x1b: {  	[sflag:s20] =	ssyncset.done $0x0  }
0x1c: {  	[sflag:s20] =	ssyncadd.s32 $0xFFFFFFF0  }
0x1d: {  	s17 =	simm.s32 $0x1C2D0;
	s15 =	rddreg [dreg:$0x3]  }
0x1e: {  	v20 =	vld [tilespmem:$0x1C2F0];
	[tilespmem:s17], [sflag:$0x4] =	stream.linear.gather [hbm4b:s15+s6], $0x10, $0x38  }
0x1f: {  	_ =	swait.ge [sflag:s20], $0x10  }
0x20: {  	[sflag:s20] =	ssyncset.done $0x0  }
0x21: {  	s23 =	simm.s32 $0x1C2E8;
	v0 =	vimm.s32 $0x10;
	s18 =	rddreg [dreg:$0x7];
	[sflag:s20] =	ssyncadd.s32 $0xFFFFFFF0  }
0x22: {  	v56 =	vimm.s32 $0x11;
	[tilespmem:s23], [sflag:$0x4] =	stream.linear.gather [hbm4b:s18+s6], $0x2, $0x38;
	[tilespmem:$0x1C300] =	vst v63  }
0x23: {  	v57 =	vimm.s32 $0x12;
	_ =	swait.ge [sflag:s20], $0x2  }
0x24: {  	v58 =	vimm.s32 $0x13;
	[sflag:s20] =	ssyncset.done $0x0  }
0x25: {  	s28 =	simm.s32 $0x1C2C0;
	v59 =	vimm.s32 $0x14;
	[sflag:s20] =	ssyncadd.s32 $0xFFFFFFFE  }
0x26: {  	v60 =	vimm.s32 $0x15;
	v21 =	vld.idx.msk [tilespmem:v0+s28+$0x0], $0xffff  }
0x27: {  	v61 =	vimm.s32 $0x16;
	v22 =	vld.idx.msk [tilespmem:v56+s28+$0x0], $0xffff  }
0x28: {  	v62 =	vimm.s32 $0x17;
	v23 =	vld.idx.msk [tilespmem:v57+s28+$0x0], $0xffff  }
0x29: {  	v63 =	vimm.s32 $0x18;
	v24 =	vld.idx.msk [tilespmem:v58+s28+$0x0], $0xffff  }
0x2a: {  	v25 =	vld.idx.msk [tilespmem:v59+s28+$0x0], $0xffff  }
0x2b: {  	v26 =	vld.idx.msk [tilespmem:v60+s28+$0x0], $0xffff  }
0x2c: {  	v27 =	vld.idx.msk [tilespmem:v61+s28+$0x0], $0xffff  }
0x2d: {  	v28 =	vld.idx.msk [tilespmem:v62+s28+$0x0], $0xffff  }
0x2e: {  	v29 =	vld.idx.msk [tilespmem:v63+s28+$0x0], $0xffff  }
0x2f: {  	v30 =	vld.idx.msk [tilespmem:v9+s28+$0x0], $0xffff  }
0x30: {  	v31 =	vld.idx.msk [tilespmem:v10+s28+$0x0], $0xffff  }
0x31: {  	v32 =	vld.idx.msk [tilespmem:v11+s28+$0x0], $0xffff  }
0x32: {  	v33 =	vld.idx.msk [tilespmem:v12+s28+$0x0], $0xffff  }
0x33: {  	v34 =	vld.idx.msk [tilespmem:v13+s28+$0x0], $0xffff  }
0x34: {  	v35 =	vld.idx.msk [tilespmem:v14+s28+$0x0], $0xffff  }
0x35: {  	s29 =	simm.s32 $0x1C2E0;
	v36 =	vld.idx.msk [tilespmem:v15+s28+$0x0], $0xffff  }
0x36: {  	s30 =	rddreg [dreg:$0x9];
	v37 =	vld.idx.msk [tilespmem:v17+s29+$0x0], $0xffff  }
0x37: {  	v38 =	vld.idx.msk [tilespmem:v18+s29+$0x0], $0xffff;
	[tilespmem:s6], [sflag:$0x4] =	stream.linear.gather [hbm4b:s30+s6], $0xC80, $0x38  }
0x38: {  	_ =	swait.ge [sflag:s20], $0xC80  }
0x39: {  	[sflag:s20] =	ssyncset.done $0x0  }
0x3a: {  	[sflag:s20] =	ssyncadd.s32 $0xFFFFF380  }
0x3b: {  	[tilespmem:s26], [sflag:$0x1] =	stream.indirect.gather [hbm4b:s9+s25], $0x10, s6, s25, $0xb8;
	[tilespmem:$0x1C300] =	vst v63  }
0x3c: {  	s31 =	simm.s32 $0x2100  }
0x3d: {  	[tilespmem:s31], [sflag:$0x1] =	stream.indirect.gather [hbm4b:s9+s25], $0x10, s25, s25, $0xb8;
	[tilespmem:$0x1C300] =	vst v63  }
0x3e: {  	s15 =	simm.s32 $0x100;
	s17 =	simm.s32 $0x2900  }
0x3f: {  	[tilespmem:s17], [sflag:$0x1] =	stream.indirect.gather [hbm4b:s9+s25], $0x10, s15, s25, $0xb8;
	[tilespmem:$0x1C300] =	vst v63  }
0x40: {  	s18 =	simm.s32 $0x180;
	s23 =	simm.s32 $0x3100  }
0x41: {  	[tilespmem:s23], [sflag:$0x1] =	stream.indirect.gather [hbm4b:s9+s25], $0x10, s18, s25, $0xb8;
	[tilespmem:$0x1C300] =	vst v63  }
0x42: {  	s28 =	simm.s32 $0x200;
	s29 =	simm.s32 $0x3900  }
0x43: {  	[tilespmem:s29], [sflag:$0x1] =	stream.indirect.gather [hbm4b:s9+s25], $0x10, s28, s25, $0xb8;
	[tilespmem:$0x1C300] =	vst v63  }
0x44: {  	s30 =	simm.s32 $0x280;
	s31 =	simm.s32 $0x4100  }
0x45: {  	[tilespmem:s31], [sflag:$0x1] =	stream.indirect.gather [hbm4b:s9+s25], $0x10, s30, s25, $0xb8;
	[tilespmem:$0x1C300] =	vst v63  }
0x46: {  	s15 =	simm.s32 $0x300;
	s17 =	simm.s32 $0x4900  }
0x47: {  	[tilespmem:s17], [sflag:$0x1] =	stream.indirect.gather [hbm4b:s9+s25], $0x10, s15, s25, $0xb8;
	[tilespmem:$0x1C300] =	vst v63  }
0x48: {  	s18 =	simm.s32 $0x380;
	s23 =	simm.s32 $0x5100  }
0x49: {  	[tilespmem:s23], [sflag:$0x1] =	stream.indirect.gather [hbm4b:s9+s25], $0x10, s18, s25, $0xb8;
	[tilespmem:$0x1C300] =	vst v63  }
0x4a: {  	s28 =	simm.s32 $0x400;
	s29 =	simm.s32 $0x5900  }
0x4b: {  	[tilespmem:s29], [sflag:$0x1] =	stream.indirect.gather [hbm4b:s9+s25], $0x10, s28, s25, $0xb8;
	[tilespmem:$0x1C300] =	vst v63  }
0x4c: {  	s30 =	simm.s32 $0x480;
	s31 =	simm.s32 $0x6100  }
0x4d: {  	[tilespmem:s31], [sflag:$0x1] =	stream.indirect.gather [hbm4b:s9+s25], $0x10, s30, s25, $0xb8;
	[tilespmem:$0x1C300] =	vst v63  }
0x4e: {  	s15 =	simm.s32 $0x500;
	s17 =	simm.s32 $0x6900  }
0x4f: {  	[tilespmem:s17], [sflag:$0x1] =	stream.indirect.gather [hbm4b:s9+s25], $0x10, s15, s25, $0xb8;
	[tilespmem:$0x1C300] =	vst v63  }
0x50: {  	s18 =	simm.s32 $0x580;
	s23 =	simm.s32 $0x7100  }
0x51: {  	[tilespmem:s23], [sflag:$0x1] =	stream.indirect.gather [hbm4b:s9+s25], $0x10, s18, s25, $0xb8;
	[tilespmem:$0x1C300] =	vst v63  }
0x52: {  	s28 =	simm.s32 $0x600;
	s29 =	simm.s32 $0x7900  }
0x53: {  	[tilespmem:s29], [sflag:$0x1] =	stream.indirect.gather [hbm4b:s9+s25], $0x10, s28, s25, $0xb8;
	[tilespmem:$0x1C300] =	vst v63  }
0x54: {  	s30 =	simm.s32 $0x680;
	s31 =	simm.s32 $0x8100  }
0x55: {  	[tilespmem:s31], [sflag:$0x1] =	stream.indirect.gather [hbm4b:s9+s25], $0x10, s30, s25, $0xb8;
	[tilespmem:$0x1C300] =	vst v63  }
0x56: {  	s15 =	simm.s32 $0x700;
	s17 =	simm.s32 $0x8900  }
0x57: {  	[tilespmem:s17], [sflag:$0x1] =	stream.indirect.gather [hbm4b:s9+s25], $0x10, s15, s25, $0xb8;
	[tilespmem:$0x1C300] =	vst v63  }
0x58: {  	s18 =	simm.s32 $0x780;
	s23 =	simm.s32 $0x9100  }
0x59: {  	[tilespmem:s23], [sflag:$0x1] =	stream.indirect.gather [hbm4b:s9+s25], $0x10, s18, s25, $0xb8;
	[tilespmem:$0x1C300] =	vst v63  }
0x5a: {  	s28 =	simm.s32 $0x800;
	s29 =	simm.s32 $0x9900  }
0x5b: {  	[tilespmem:s29], [sflag:$0x1] =	stream.indirect.gather [hbm4b:s9+s25], $0x10, s28, s25, $0xb8;
	[tilespmem:$0x1C300] =	vst v63  }
0x5c: {  	s30 =	simm.s32 $0x880;
	s31 =	simm.s32 $0xA100  }
0x5d: {  	[tilespmem:s31], [sflag:$0x1] =	stream.indirect.gather [hbm4b:s9+s25], $0x10, s30, s25, $0xb8;
	[tilespmem:$0x1C300] =	vst v63  }
0x5e: {  	s15 =	simm.s32 $0x900;
	s17 =	simm.s32 $0xA900  }
0x5f: {  	[tilespmem:s17], [sflag:$0x1] =	stream.indirect.gather [hbm4b:s9+s25], $0x10, s15, s25, $0xb8;
	[tilespmem:$0x1C300] =	vst v63  }
0x60: {  	s18 =	simm.s32 $0x980;
	s23 =	simm.s32 $0xB100  }
0x61: {  	[tilespmem:s23], [sflag:$0x1] =	stream.indirect.gather [hbm4b:s9+s25], $0x10, s18, s25, $0xb8;
	[tilespmem:$0x1C300] =	vst v63  }
0x62: {  	s28 =	simm.s32 $0xA00;
	s29 =	simm.s32 $0xB900  }
0x63: {  	[tilespmem:s29], [sflag:$0x1] =	stream.indirect.gather [hbm4b:s9+s25], $0x10, s28, s25, $0xb8;
	[tilespmem:$0x1C300] =	vst v63  }
0x64: {  	s30 =	simm.s32 $0xA80;
	s31 =	simm.s32 $0xC100  }
0x65: {  	[tilespmem:s31], [sflag:$0x1] =	stream.indirect.gather [hbm4b:s9+s25], $0x10, s30, s25, $0xb8;
	[tilespmem:$0x1C300] =	vst v63  }
0x66: {  	s17 =	simm.s32 $0xB00;
	s18 =	simm.s32 $0xC900  }
0x67: {  	[tilespmem:s18], [sflag:$0x1] =	stream.indirect.gather [hbm4b:s9+s25], $0x10, s17, s25, $0xb8;
	[tilespmem:$0x1C300] =	vst v63  }
0x68: {  	s23 =	simm.s32 $0xB80;
	s28 =	simm.s32 $0xD100  }
0x69: {  	[tilespmem:s28], [sflag:$0x1] =	stream.indirect.gather [hbm4b:s9+s25], $0x10, s23, s25, $0xb8;
	[tilespmem:$0x1C300] =	vst v63  }
0x6a: {  	s29 =	simm.s32 $0xC00;
	s30 =	simm.s32 $0xD900  }
0x6b: {  	[tilespmem:s30], [sflag:$0x1] =	stream.indirect.gather [hbm4b:s9+s25], $0x10, s29, s25, $0xb8;
	[tilespmem:$0x1C300] =	vst v63  }
0x6c: {  	s31 =	rddreg [dreg:$0xa]  }
0x6d: {  	[tilespmem:s10], [sflag:$0x4] =	stream.linear.gather [hbm4b:s31+s6], $0xC80, $0x38;
	[tilespmem:$0x1C300] =	vst v63  }
0x6e: {  	_ =	swait.ge [sflag:s20], $0xC80  }
0x6f: {  	[sflag:s20] =	ssyncset.done $0x0  }
0x70: {  	[sflag:s20] =	ssyncadd.s32 $0xFFFFF380  }
0x71: {  	[tilespmem:s11], [sflag:$0x2] =	stream.indirect.gather [hbm4b:s9+s25], $0x10, s10, s25, $0xb8;
	[tilespmem:$0x1C300] =	vst v63  }
0x72: {  	s15 =	simm.s32 $0xD00;
	s17 =	simm.s32 $0xE900  }
0x73: {  	[tilespmem:s17], [sflag:$0x2] =	stream.indirect.gather [hbm4b:s9+s25], $0x10, s15, s25, $0xb8;
	[tilespmem:$0x1C300] =	vst v63  }
0x74: {  	s18 =	simm.s32 $0xD80;
	s23 =	simm.s32 $0xF100  }
0x75: {  	[tilespmem:s23], [sflag:$0x2] =	stream.indirect.gather [hbm4b:s9+s25], $0x10, s18, s25, $0xb8;
	[tilespmem:$0x1C300] =	vst v63  }
0x76: {  	s28 =	simm.s32 $0xE00;
	s29 =	simm.s32 $0xF900  }
0x77: {  	[tilespmem:s29], [sflag:$0x2] =	stream.indirect.gather [hbm4b:s9+s25], $0x10, s28, s25, $0xb8;
	[tilespmem:$0x1C300] =	vst v63  }
0x78: {  	s30 =	simm.s32 $0xE80;
	s31 =	simm.s32 $0x10100  }
0x79: {  	[tilespmem:s31], [sflag:$0x2] =	stream.indirect.gather [hbm4b:s9+s25], $0x10, s30, s25, $0xb8;
	[tilespmem:$0x1C300] =	vst v63  }
0x7a: {  	s15 =	simm.s32 $0xF00;
	s17 =	simm.s32 $0x10900  }
0x7b: {  	[tilespmem:s17], [sflag:$0x2] =	stream.indirect.gather [hbm4b:s9+s25], $0x10, s15, s25, $0xb8;
	[tilespmem:$0x1C300] =	vst v63  }
0x7c: {  	s18 =	simm.s32 $0xF80;
	s23 =	simm.s32 $0x11100  }
0x7d: {  	[tilespmem:s23], [sflag:$0x2] =	stream.indirect.gather [hbm4b:s9+s25], $0x10, s18, s25, $0xb8;
	[tilespmem:$0x1C300] =	vst v63  }
0x7e: {  	s28 =	simm.s32 $0x1000;
	s29 =	simm.s32 $0x11900  }
0x7f: {  	[tilespmem:s29], [sflag:$0x2] =	stream.indirect.gather [hbm4b:s9+s25], $0x10, s28, s25, $0xb8;
	[tilespmem:$0x1C300] =	vst v63  }
0x80: {  	s30 =	simm.s32 $0x1080;
	s31 =	simm.s32 $0x12100  }
0x81: {  	[tilespmem:s31], [sflag:$0x2] =	stream.indirect.gather [hbm4b:s9+s25], $0x10, s30, s25, $0xb8;
	[tilespmem:$0x1C300] =	vst v63  }
0x82: {  	s15 =	simm.s32 $0x1100;
	s17 =	simm.s32 $0x12900  }
0x83: {  	[tilespmem:s17], [sflag:$0x2] =	stream.indirect.gather [hbm4b:s9+s25], $0x10, s15, s25, $0xb8;
	[tilespmem:$0x1C300] =	vst v63  }
0x84: {  	s18 =	simm.s32 $0x1180;
	s23 =	simm.s32 $0x13100  }
0x85: {  	[tilespmem:s23], [sflag:$0x2] =	stream.indirect.gather [hbm4b:s9+s25], $0x10, s18, s25, $0xb8;
	[tilespmem:$0x1C300] =	vst v63  }
0x86: {  	s28 =	simm.s32 $0x1200;
	s29 =	simm.s32 $0x13900  }
0x87: {  	[tilespmem:s29], [sflag:$0x2] =	stream.indirect.gather [hbm4b:s9+s25], $0x10, s28, s25, $0xb8;
	[tilespmem:$0x1C300] =	vst v63  }
0x88: {  	s30 =	simm.s32 $0x1280;
	s31 =	simm.s32 $0x14100  }
0x89: {  	[tilespmem:s31], [sflag:$0x2] =	stream.indirect.gather [hbm4b:s9+s25], $0x10, s30, s25, $0xb8;
	[tilespmem:$0x1C300] =	vst v63  }
0x8a: {  	s15 =	simm.s32 $0x1300;
	s17 =	simm.s32 $0x14900  }
0x8b: {  	[tilespmem:s17], [sflag:$0x2] =	stream.indirect.gather [hbm4b:s9+s25], $0x10, s15, s25, $0xb8;
	[tilespmem:$0x1C300] =	vst v63  }
0x8c: {  	s18 =	simm.s32 $0x1380;
	s23 =	simm.s32 $0x15100  }
0x8d: {  	[tilespmem:s23], [sflag:$0x2] =	stream.indirect.gather [hbm4b:s9+s25], $0x10, s18, s25, $0xb8;
	[tilespmem:$0x1C300] =	vst v63  }
0x8e: {  	s28 =	simm.s32 $0x1400;
	s29 =	simm.s32 $0x15900  }
0x8f: {  	[tilespmem:s29], [sflag:$0x2] =	stream.indirect.gather [hbm4b:s9+s25], $0x10, s28, s25, $0xb8;
	[tilespmem:$0x1C300] =	vst v63  }
0x90: {  	s30 =	simm.s32 $0x1480;
	s31 =	simm.s32 $0x16100  }
0x91: {  	[tilespmem:s31], [sflag:$0x2] =	stream.indirect.gather [hbm4b:s9+s25], $0x10, s30, s25, $0xb8;
	[tilespmem:$0x1C300] =	vst v63  }
0x92: {  	s15 =	simm.s32 $0x1500;
	s17 =	simm.s32 $0x16900  }
0x93: {  	[tilespmem:s17], [sflag:$0x2] =	stream.indirect.gather [hbm4b:s9+s25], $0x10, s15, s25, $0xb8;
	[tilespmem:$0x1C300] =	vst v63  }
0x94: {  	s18 =	simm.s32 $0x1580;
	s23 =	simm.s32 $0x17100  }
0x95: {  	[tilespmem:s23], [sflag:$0x2] =	stream.indirect.gather [hbm4b:s9+s25], $0x10, s18, s25, $0xb8;
	[tilespmem:$0x1C300] =	vst v63  }
0x96: {  	s28 =	simm.s32 $0x1600;
	s29 =	simm.s32 $0x17900  }
0x97: {  	[tilespmem:s29], [sflag:$0x2] =	stream.indirect.gather [hbm4b:s9+s25], $0x10, s28, s25, $0xb8;
	[tilespmem:$0x1C300] =	vst v63  }
0x98: {  	s30 =	simm.s32 $0x1680;
	s31 =	simm.s32 $0x18100  }
0x99: {  	[tilespmem:s31], [sflag:$0x2] =	stream.indirect.gather [hbm4b:s9+s25], $0x10, s30, s25, $0xb8;
	[tilespmem:$0x1C300] =	vst v63  }
0x9a: {  	s15 =	simm.s32 $0x1700;
	s17 =	simm.s32 $0x18900  }
0x9b: {  	[tilespmem:s17], [sflag:$0x2] =	stream.indirect.gather [hbm4b:s9+s25], $0x10, s15, s25, $0xb8;
	[tilespmem:$0x1C300] =	vst v63  }
0x9c: {  	s18 =	simm.s32 $0x1780;
	s23 =	simm.s32 $0x19100  }
0x9d: {  	[tilespmem:s23], [sflag:$0x2] =	stream.indirect.gather [hbm4b:s9+s25], $0x10, s18, s25, $0xb8;
	[tilespmem:$0x1C300] =	vst v63  }
0x9e: {  	s0 =	rddreg [dreg:$0xb];
	s28 =	simm.s32 $0x1800;
	s29 =	simm.s32 $0x19900  }
0x9f: {  	[tilespmem:s29], [sflag:$0x2] =	stream.indirect.gather [hbm4b:s9+s25], $0x10, s28, s25, $0xb8;
	[tilespmem:$0x1C300] =	vst v63  }
0xa0: {  	s30 =	simm.s32 $0x1880;
	s31 =	simm.s32 $0x1A100;
	s15 =	simm.s32 $0x0  }
0xa1: {  	[tilespmem:s31], [sflag:$0x2] =	stream.indirect.gather [hbm4b:s9+s25], $0x10, s30, s25, $0xb8;
	[tilespmem:$0x1C300] =	vst v63  }
.LBB2_2:
0xa2: {  	s17 =	rddreg [dreg:$0x0]  }
0xa3: {  	s18 =	simm.s32 $0x1B980;
	s17 =	sadd.s32 s17, s0  }
0xa4: {  	[tilespmem:s18], [sflag:$0x4] =	stream.linear.gather [hbm4b:s17+s6], $0x40, $0x38;
	[tilespmem:$0x1C300] =	vst v63  }
0xa5: {  	_ =	swait.ge [sflag:s20], $0x40  }
0xa6: {  	[sflag:s20] =	ssyncset.done $0x0  }
0xa7: {  	[sflag:s20] =	ssyncadd.s32 $0xFFFFFFC0  }
0xa8: {  	s18 =	rddreg [dreg:$0x1]  }
0xa9: {  	s31 =	simm.s32 $0x1B9C0;
	s23 =	sadd.s32 s18, s0  }
0xaa: {  	[tilespmem:s31], [sflag:$0x4] =	stream.linear.gather [hbm4b:s23+s6], $0x40, $0x38;
	[tilespmem:$0x1C300] =	vst v63  }
0xab: {  	_ =	swait.ge [sflag:s20], $0x40  }
0xac: {  	[sflag:s20] =	ssyncset.done $0x0  }
0xad: {  	[sflag:s20] =	ssyncadd.s32 $0xFFFFFFC0  }
0xae: {  	v0 =	vld [tilespmem:$0x1B980]  }
0xaf: {  	v1 =	vld [tilespmem:$0x1B9C0]  }
0xb0: {  	v39 =	vld [tilespmem:$0x1B990]  }
0xb1: {  	v40 =	vld [tilespmem:$0x1B9D0]  }
0xb2: {  	v41 =	vld [tilespmem:$0x1B9A0]  }
0xb3: {  	v42 =	vld [tilespmem:$0x1B9E0];
	v0 =	vshrl.u32 v0, $0x4  }
0xb4: {  	[tilespmem:$0x1BA00] =	vst v0;
	v0 =	vshrl.u32 v1, $0x4;
	v1 =	vld [tilespmem:$0x1B9B0]  }
0xb5: {  	v59 =	vld [tilespmem:$0x1B9F0];
	[tilespmem:$0x1BA40] =	vst v0;
	v0 =	vshrl.u32 v39, $0x4  }
0xb6: {  	[tilespmem:$0x1BA10] =	vst v0;
	v0 =	vshrl.u32 v40, $0x4  }
0xb7: {  	[tilespmem:$0x1BA50] =	vst v0;
	v0 =	vshrl.u32 v41, $0x4  }
0xb8: {  	[tilespmem:$0x1BA20] =	vst v0;
	v0 =	vshrl.u32 v42, $0x4  }
0xb9: {  	[tilespmem:$0x1BA60] =	vst v0;
	v0 =	vshrl.u32 v1, $0x4  }
0xba: {  	[tilespmem:$0x1BA30] =	vst v0;
	v0 =	vshrl.u32 v59, $0x4  }
0xbb: {  	[tilespmem:$0x1BA70] =	vst v0  }
0xbc: {  	[tilespmem:s19], [sflag:$0x3] =	stream.indirect.gather [hbm4b:s12+s5], $0x10, s3, s5, $0xb8;
	[tilespmem:$0x1C300] =	vst v63  }
0xbd: {  	_ = 	snop  }
0xbe: {  	[tilespmem:s22], [sflag:$0x3] =	stream.indirect.gather [hbm4b:s13+s5], $0x10, s21, s5, $0xb8;
	[tilespmem:$0x1C300] =	vst v63  }
0xbf: {  	_ =	swait.ge [sflag:s24], $0x800  }
0xc0: {  	[sflag:s24] =	ssyncset.done $0x0  }
0xc1: {  	[sflag:s24] =	ssyncadd.s32 $0xFFFFF800  }
0xc2: {  	_ =	swait.ge [sflag:s24], $0x800  }
0xc3: {  	[sflag:s24] =	ssyncset.done $0x0  }
0xc4: {  	[sflag:s24] =	ssyncadd.s32 $0xFFFFF800  }
0xc5: {  	_ =	swait.ge [sflag:s24], $0x800  }
0xc6: {  	[sflag:s24] =	ssyncset.done $0x0  }
0xc7: {  	[sflag:s24] =	ssyncadd.s32 $0xFFFFF800  }
0xc8: {  	_ =	swait.ge [sflag:s24], $0x800  }
0xc9: {  	[sflag:s24] =	ssyncset.done $0x0  }
0xca: {  	[sflag:s24] =	ssyncadd.s32 $0xFFFFF800  }
0xcb: {  	_ =	swait.ge [sflag:s24], $0x800  }
0xcc: {  	[sflag:s24] =	ssyncset.done $0x0  }
0xcd: {  	[sflag:s24] =	ssyncadd.s32 $0xFFFFF800  }
0xce: {  	_ =	swait.ge [sflag:s24], $0x800  }
0xcf: {  	[sflag:s24] =	ssyncset.done $0x0  }
0xd0: {  	[sflag:s24] =	ssyncadd.s32 $0xFFFFF800  }
0xd1: {  	_ =	swait.ge [sflag:s24], $0x800  }
0xd2: {  	[sflag:s24] =	ssyncset.done $0x0  }
0xd3: {  	[sflag:s24] =	ssyncadd.s32 $0xFFFFF800  }
0xd4: {  	_ =	swait.ge [sflag:s24], $0x800  }
0xd5: {  	[sflag:s24] =	ssyncset.done $0x0  }
0xd6: {  	[sflag:s24] =	ssyncadd.s32 $0xFFFFF800  }
0xd7: {  	_ =	swait.ge [sflag:s24], $0x800  }
0xd8: {  	[sflag:s24] =	ssyncset.done $0x0  }
0xd9: {  	[sflag:s24] =	ssyncadd.s32 $0xFFFFF800  }
0xda: {  	_ =	swait.ge [sflag:s24], $0x800  }
0xdb: {  	[sflag:s24] =	ssyncset.done $0x0  }
0xdc: {  	[sflag:s24] =	ssyncadd.s32 $0xFFFFF800  }
0xdd: {  	_ =	swait.ge [sflag:s24], $0x800  }
0xde: {  	[sflag:s24] =	ssyncset.done $0x0  }
0xdf: {  	[sflag:s24] =	ssyncadd.s32 $0xFFFFF800  }
0xe0: {  	_ =	swait.ge [sflag:s24], $0x800  }
0xe1: {  	[sflag:s24] =	ssyncset.done $0x0  }
0xe2: {  	[sflag:s24] =	ssyncadd.s32 $0xFFFFF800  }
0xe3: {  	_ =	swait.ge [sflag:s24], $0x800  }
0xe4: {  	[sflag:s24] =	ssyncset.done $0x0  }
0xe5: {  	[sflag:s24] =	ssyncadd.s32 $0xFFFFF800  }
0xe6: {  	_ =	swait.ge [sflag:s24], $0x800  }
0xe7: {  	[sflag:s24] =	ssyncset.done $0x0  }
0xe8: {  	[sflag:s24] =	ssyncadd.s32 $0xFFFFF800  }
0xe9: {  	_ =	swait.ge [sflag:s24], $0x800  }
0xea: {  	[sflag:s24] =	ssyncset.done $0x0  }
0xeb: {  	[sflag:s24] =	ssyncadd.s32 $0xFFFFF800  }
0xec: {  	_ =	swait.ge [sflag:s24], $0x800  }
0xed: {  	[sflag:s24] =	ssyncset.done $0x0  }
0xee: {  	[sflag:s24] =	ssyncadd.s32 $0xFFFFF800  }
0xef: {  	_ =	swait.ge [sflag:s24], $0x800  }
0xf0: {  	[sflag:s24] =	ssyncset.done $0x0  }
0xf1: {  	[sflag:s24] =	ssyncadd.s32 $0xFFFFF800  }
0xf2: {  	_ =	swait.ge [sflag:s24], $0x800  }
0xf3: {  	[sflag:s24] =	ssyncset.done $0x0  }
0xf4: {  	[sflag:s24] =	ssyncadd.s32 $0xFFFFF800  }
0xf5: {  	_ =	swait.ge [sflag:s24], $0x800  }
0xf6: {  	[sflag:s24] =	ssyncset.done $0x0  }
0xf7: {  	[sflag:s24] =	ssyncadd.s32 $0xFFFFF800  }
0xf8: {  	_ =	swait.ge [sflag:s24], $0x800  }
0xf9: {  	[sflag:s24] =	ssyncset.done $0x0  }
0xfa: {  	[sflag:s24] =	ssyncadd.s32 $0xFFFFF800  }
0xfb: {  	_ =	swait.ge [sflag:s24], $0x800  }
0xfc: {  	[sflag:s24] =	ssyncset.done $0x0  }
0xfd: {  	[sflag:s24] =	ssyncadd.s32 $0xFFFFF800  }
0xfe: {  	_ =	swait.ge [sflag:s24], $0x800  }
0xff: {  	[sflag:s24] =	ssyncset.done $0x0  }
0x100: {  	[sflag:s24] =	ssyncadd.s32 $0xFFFFF800  }
0x101: {  	s17 =	simm.s32 $0x0;
	_ =	swait.ge [sflag:s24], $0x800  }
0x102: {  	v0 =	vmov s17;
	[sflag:s24] =	ssyncset.done $0x0  }
0x103: {  	v0 =	vshll.u32 v0, $0x4;
	[sflag:s24] =	ssyncadd.s32 $0xFFFFF800  }
0x104: {  	v0 =	vor.u32 v19, v0;
	_ =	swait.ge [sflag:s24], $0x800  }
0x105: {  	v1 =	vadd.s32 v20, v0;
	[sflag:s24] =	ssyncset.done $0x0  }
0x106: {  	v60 =	vor.u32 $0x1, v0;
	[sflag:s24] =	ssyncadd.s32 $0xFFFFF800  }
0x107: {  	v61 =	vor.u32 $0x2, v0;
	_ =	swait.ge [sflag:s24], $0x800  }
0x108: {  	v62 =	vor.u32 $0x3, v0;
	[sflag:s24] =	ssyncset.done $0x0  }
0x109: {  	v63 =	vor.u32 $0x4, v0;
	[sflag:s24] =	ssyncadd.s32 $0xFFFFF800  }
0x10a: {  	v43 =	vor.u32 $0x5, v0;
	v1 =	vld.idx.msk [tilespmem:v1+s26+$0x0], $0xffff  }
0x10b: {  	v44 =	vor.u32 $0x6, v0;
	v39 =	vld.idx.msk [tilespmem:v60+s26+$0x0], $0xffff  }
0x10c: {  	v45 =	vor.u32 $0x7, v0;
	v40 =	vld.idx.msk [tilespmem:v61+s26+$0x0], $0xffff  }
0x10d: {  	v46 =	vor.u32 $0x8, v0;
	v41 =	vld.idx.msk [tilespmem:v62+s26+$0x0], $0xffff  }
0x10e: {  	v47 =	vor.u32 $0x9, v0;
	v42 =	vld.idx.msk [tilespmem:v63+s26+$0x0], $0xffff  }
0x10f: {  	v48 =	vor.u32 $0xA, v0;
	v43 =	vld.idx.msk [tilespmem:v43+s26+$0x0], $0xffff  }
0x110: {  	v49 =	vor.u32 $0xB, v0;
	v44 =	vld.idx.msk [tilespmem:v44+s26+$0x0], $0xffff;
	v1 =	vmul.f32 v1, v21;
	v39 =	vmul.f32 v39, v22  }
0x111: {  	v50 =	vor.u32 $0xC, v0;
	v51 =	vor.u32 $0xD, v0;
	v45 =	vld.idx.msk [tilespmem:v45+s26+$0x0], $0xffff;
	v40 =	vmul.f32 v40, v23  }
0x112: {  	v46 =	vld.idx.msk [tilespmem:v46+s26+$0x0], $0xffff;
	v41 =	vmul.f32 v41, v24;
	v1 =	vadd.f32 v1, v37;
	v39 =	vadd.f32 $0.0e+00, v39  }
0x113: {  	v52 =	vor.u32 $0xF, v0;
	v0 =	vor.u32 $0xE, v0;
	v47 =	vld.idx.msk [tilespmem:v47+s26+$0x0], $0xffff;
	v4 =	vmul.f32 v42, v25  }
0x114: {  	v5 =	vld.idx.msk [tilespmem:v48+s26+$0x0], $0xffff;
	v6 =	vmul.f32 v43, v26;
	v1 =	vadd.f32 v40, v1;
	v39 =	vadd.f32 v41, v39  }
0x115: {  	v7 =	vld.idx.msk [tilespmem:v49+s26+$0x0], $0xffff;
	v48 =	vmul.f32 v44, v27  }
0x116: {  	v49 =	vld.idx.msk [tilespmem:v50+s26+$0x0], $0xffff;
	v50 =	vmul.f32 v45, v28;
	v1 =	vadd.f32 v4, v1;
	v39 =	vadd.f32 v6, v39  }
0x117: {  	v53 =	vld.idx.msk [tilespmem:v51+s26+$0x0], $0xffff;
	v54 =	vmul.f32 v46, v29  }
0x118: {  	v55 =	vld.idx.msk [tilespmem:v52+s26+$0x0], $0xffff;
	v56 =	vmul.f32 v47, v30;
	v1 =	vadd.f32 v48, v1;
	v39 =	vadd.f32 v50, v39  }
0x119: {  	v0 =	vld.idx.msk [tilespmem:v0+s26+$0x0], $0xffff;
	v57 =	vmul.f32 v5, v31  }
0x11a: {  	s18 =	simm.s32 $0x10;
	v58 =	vmul.f32 v7, v32;
	v1 =	vadd.f32 v54, v1;
	v39 =	vadd.f32 v56, v39  }
0x11b: {  	v62 =	vmov s18;
	v59 =	vmul.f32 v49, v33  }
0x11c: {  	v60 =	vmul.f32 v53, v34;
	v1 =	vadd.f32 v57, v1;
	v39 =	vadd.f32 v58, v39  }
0x11d: {  	v63 =	vshll.u32 v62, $0x4;
	v61 =	vmul.f32 v55, v36  }
0x11e: {  	v0 =	vmul.f32 v0, v35;
	v1 =	vadd.f32 v59, v1;
	v39 =	vadd.f32 v60, v39  }
0x11f: {  	v4 =	vor.u32 v19, v63  }
0x120: {  	v5 =	vadd.s32 v20, v4;
	v0 =	vadd.f32 v0, v1;
	v1 =	vadd.f32 v61, v39  }
0x121: {  	v6 =	vor.u32 $0x1, v4  }
0x122: {  	v7 =	vor.u32 $0x3, v4;
	v0 =	vadd.f32 v1, v0  }
0x123: {  	s29 =	simm.s32 $0x1A910;
	v1 =	vor.u32 $0x2, v4  }
0x124: {  	v61 =	vor.u32 $0x4, v4;
	[tilespmem:s29+$0xFFFFFFF0] =	vst v0  }
0x125: {  	v0 =	vor.u32 $0x5, v4;
	v39 =	vld.idx.msk [tilespmem:v5+s26+$0x0], $0xffff  }
0x126: {  	v63 =	vor.u32 $0x7, v4;
	v45 =	vor.u32 $0xE, v4;
	v62 =	vld.idx.msk [tilespmem:v6+s26+$0x0], $0xffff  }
0x127: {  	s23 =	simm.s32 $0x20;
	v46 =	vor.u32 $0xF, v4;
	v52 =	vor.u32 $0xB, v4;
	v54 =	vor.u32 $0x9, v4;
	v58 =	vld.idx.msk [tilespmem:v7+s26+$0x0], $0xffff  }
0x128: {  	v47 =	vor.u32 $0xC, v4;
	v60 =	vmov s23;
	v56 =	vld.idx.msk [tilespmem:v1+s26+$0x0], $0xffff;
	v1 =	vor.u32 $0x6, v4  }
0x129: {  	s31 =	simm.s32 $0x40;
	v53 =	vor.u32 $0xA, v4;
	v59 =	vor.u32 $0x8, v4;
	v41 =	vshll.u32 v60, $0x4;
	v48 =	vld.idx.msk [tilespmem:v61+s26+$0x0], $0xffff  }
0x12a: {  	v55 =	vor.u32 $0xD, v4;
	v40 =	vor.u32 v19, v41;
	v49 =	vld.idx.msk [tilespmem:v0+s26+$0x0], $0xffff;
	v0 =	vmov s31  }
0x12b: {  	v42 =	vadd.s32 v20, v40;
	v41 =	vor.u32 $0x1, v40;
	v50 =	vld.idx.msk [tilespmem:v63+s26+$0x0], $0xffff;
	v0 =	vshll.u32 v0, $0x4  }
0x12c: {  	v54 =	vld.idx.msk [tilespmem:v54+s26+$0x0], $0xffff;
	v57 =	vmul.f32 v39, v21;
	v60 =	vmul.f32 v62, v22;
	v39 =	vor.u32 v19, v0  }
0x12d: {  	s28 =	simm.s32 $0x30;
	s30 =	simm.s32 $0x70;
	v58 =	vmul.f32 v58, v24;
	v51 =	vld.idx.msk [tilespmem:v1+s26+$0x0], $0xffff;
	v44 =	vadd.s32 v20, v39;
	v43 =	vor.u32 $0x1, v39  }
0x12e: {  	s17 =	simm.s32 $0x50;
	s18 =	simm.s32 $0x1A930;
	s23 =	simm.s32 $0x1A930;
	v0 =	vadd.f32 v57, v37;
	v1 =	vadd.f32 $0.0e+00, v60;
	v57 =	vmul.f32 v56, v23;
	v56 =	vld.idx.msk [tilespmem:v59+s26+$0x0], $0xffff  }
.LBB2_3:
0x12f: {  	p0 =	sne.s32 s30, $0xC70  }
0x130: {  	s18 =	sadd.s32 $0x20, s18;
	v49 =	vmul.f32 v49, v26;
	v52 =	vld.idx.msk [tilespmem:v52+s26+$0x0], $0xffff;
	s31 =	smov.u32 s30;
	s30 =	sadd.s32 $0x20, s30  }
0x131: {  	v48 =	vmul.f32 v48, v25;
	v0 =	vadd.f32 v57, v0;
	v1 =	vadd.f32 v58, v1;
	v53 =	vld.idx.msk [tilespmem:v53+s26+$0x0], $0xffff  }
0x132: {  	v50 =	vmul.f32 v50, v28;
	v55 =	vld.idx.msk [tilespmem:v55+s26+$0x0], $0xffff  }
0x133: {  	v0 =	vadd.f32 v48, v0;
	v1 =	vadd.f32 v49, v1;
	v48 =	vmul.f32 v51, v27;
	v47 =	vld.idx.msk [tilespmem:v47+s26+$0x0], $0xffff  }
0x134: {  	v49 =	vmul.f32 v54, v30;
	v46 =	vld.idx.msk [tilespmem:v46+s26+$0x0], $0xffff  }
0x135: {  	v0 =	vadd.f32 v48, v0;
	v1 =	vadd.f32 v50, v1;
	v48 =	vmul.f32 v56, v29;
	v45 =	vld.idx.msk [tilespmem:v45+s26+$0x0], $0xffff  }
0x136: {  	v50 =	vmul.f32 v52, v32  }
0x137: {  	v0 =	vadd.f32 v48, v0;
	v1 =	vadd.f32 v49, v1;
	v48 =	vmul.f32 v53, v31  }
0x138: {  	v49 =	vmul.f32 v55, v34  }
0x139: {  	v47 =	vmul.f32 v47, v33;
	v0 =	vadd.f32 v48, v0;
	v1 =	vadd.f32 v50, v1  }
0x13a: {  	v46 =	vmul.f32 v46, v36  }
0x13b: {  	v45 =	vmul.f32 v45, v35;
	v0 =	vadd.f32 v47, v0;
	v1 =	vadd.f32 v49, v1;
	_ =	sdelay $0x1  }
0x13c: {  	v0 =	vadd.f32 v45, v0;
	v1 =	vadd.f32 v46, v1;
	_ =	sdelay $0x1  }
0x13d: {  	v45 =	vor.u32 $0x2, v40;
	v0 =	vadd.f32 v1, v0  }
0x13e: {  	v1 =	vor.u32 $0x3, v40  }
0x13f: {  	v46 =	vor.u32 $0x4, v40;
	[tilespmem:s29+$0x0] =	vst v0;
	s29 =	smov.u32 s23;
	s23 =	smov.u32 s18  }
0x140: {  	v47 =	vor.u32 $0x5, v40;
	v0 =	vld.idx.msk [tilespmem:v42+s26+$0x0], $0xffff;
	v42 =	vmov v44  }
0x141: {  	v48 =	vor.u32 $0x6, v40;
	v44 =	vld.idx.msk [tilespmem:v41+s26+$0x0], $0xffff;
	v41 =	vmov v43  }
0x142: {  	v43 =	vld.idx.msk [tilespmem:v45+s26+$0x0], $0xffff;
	v45 =	vor.u32 $0x7, v40  }
0x143: {  	v49 =	vor.u32 $0x8, v40;
	v1 =	vld.idx.msk [tilespmem:v1+s26+$0x0], $0xffff  }
0x144: {  	v50 =	vor.u32 $0x9, v40;
	v46 =	vld.idx.msk [tilespmem:v46+s26+$0x0], $0xffff  }
0x145: {  	v51 =	vor.u32 $0xA, v40;
	v47 =	vld.idx.msk [tilespmem:v47+s26+$0x0], $0xffff  }
0x146: {  	v52 =	vor.u32 $0xB, v40;
	v0 =	vmul.f32 v0, v21;
	v48 =	vld.idx.msk [tilespmem:v48+s26+$0x0], $0xffff  }
0x147: {  	v53 =	vor.u32 $0xC, v40;
	v44 =	vmul.f32 v44, v22;
	v45 =	vld.idx.msk [tilespmem:v45+s26+$0x0], $0xffff  }
0x148: {  	v54 =	vor.u32 $0xD, v40;
	v0 =	vadd.f32 v0, v37;
	v43 =	vmul.f32 v43, v23;
	v49 =	vld.idx.msk [tilespmem:v49+s26+$0x0], $0xffff  }
0x149: {  	v55 =	vor.u32 $0xF, v40;
	v44 =	vadd.f32 $0.0e+00, v44;
	v1 =	vmul.f32 v1, v24;
	v50 =	vld.idx.msk [tilespmem:v50+s26+$0x0], $0xffff  }
0x14a: {  	v0 =	vadd.f32 v43, v0;
	v43 =	vmul.f32 v46, v25;
	v46 =	vld.idx.msk [tilespmem:v51+s26+$0x0], $0xffff;
	v51 =	vor.u32 $0xE, v40;
	v40 =	vmovc v39  }
0x14b: {  	v1 =	vadd.f32 v1, v44;
	v39 =	vmul.f32 v47, v26;
	v44 =	vld.idx.msk [tilespmem:v52+s26+$0x0], $0xffff  }
0x14c: {  	v0 =	vadd.f32 v43, v0;
	v43 =	vmul.f32 v48, v27;
	v47 =	vld.idx.msk [tilespmem:v53+s26+$0x0], $0xffff  }
0x14d: {  	v1 =	vadd.f32 v39, v1;
	v39 =	vmul.f32 v45, v28;
	v45 =	vld.idx.msk [tilespmem:v54+s26+$0x0], $0xffff  }
0x14e: {  	v0 =	vadd.f32 v43, v0;
	v43 =	vmul.f32 v49, v29;
	v48 =	vld.idx.msk [tilespmem:v55+s26+$0x0], $0xffff  }
0x14f: {  	v1 =	vadd.f32 v39, v1;
	v39 =	vmul.f32 v50, v30;
	v49 =	vld.idx.msk [tilespmem:v51+s26+$0x0], $0xffff  }
0x150: {  	v0 =	vadd.f32 v43, v0;
	v43 =	vmul.f32 v46, v31  }
0x151: {  	v1 =	vadd.f32 v39, v1;
	v39 =	vmul.f32 v44, v32  }
0x152: {  	v0 =	vadd.f32 v43, v0;
	v43 =	vmul.f32 v47, v33  }
0x153: {  	v1 =	vadd.f32 v39, v1;
	v39 =	vmul.f32 v45, v34  }
0x154: {  	v44 =	vmov s28;
	s28 =	smov.u32 s17;
	s17 =	smov.u32 s31;
	v0 =	vadd.f32 v43, v0;
	v43 =	vmul.f32 v48, v36  }
0x155: {  	v44 =	vshll.u32 v44, $0x4;
	v1 =	vadd.f32 v39, v1;
	v39 =	vmul.f32 v49, v35  }
0x156: {  	v44 =	vor.u32 v19, v44  }
0x157: {  	v0 =	vadd.f32 v39, v0;
	v1 =	vadd.f32 v43, v1;
	v39 =	vadd.s32 v20, v44  }
0x158: {  	v45 =	vor.u32 $0xE, v44;
	v43 =	vor.u32 $0x1, v44  }
0x159: {  	v0 =	vadd.f32 v1, v0;
	v1 =	vor.u32 $0x2, v44  }
0x15a: {  	v46 =	vor.u32 $0x3, v44  }
0x15b: {  	[tilespmem:s29+$0xFFFFFFF0] =	vst v0;
	v0 =	vor.u32 $0x5, v44  }
0x15c: {  	v47 =	vor.u32 $0x4, v44;
	v39 =	vld.idx.msk [tilespmem:v39+s26+$0x0], $0xffff  }
0x15d: {  	v50 =	vor.u32 $0x7, v44;
	v43 =	vld.idx.msk [tilespmem:v43+s26+$0x0], $0xffff  }
0x15e: {  	v56 =	vld.idx.msk [tilespmem:v1+s26+$0x0], $0xffff;
	v1 =	vor.u32 $0x6, v44  }
0x15f: {  	v54 =	vor.u32 $0x9, v44;
	v58 =	vld.idx.msk [tilespmem:v46+s26+$0x0], $0xffff  }
0x160: {  	s0 =	sadd.s32 $0xFFFFFFF0, s17;
	v59 =	vor.u32 $0x8, v44;
	v46 =	vor.u32 $0xF, v44;
	v49 =	vld.idx.msk [tilespmem:v0+s26+$0x0], $0xffff  }
.Ltmp2:
0x161: {  	v52 =	vor.u32 $0xB, v44;
	v0 =	vmov s0;
	v48 =	vld.idx.msk [tilespmem:v47+s26+$0x0], $0xffff;
	v47 =	vor.u32 $0xC, v44;
	(pc) =	sbr.rel @p0 .LBB2_3-.Ltmp2, $4  }
0x162: {  	v53 =	vor.u32 $0xA, v44;
	v0 =	vshll.u32 v0, $0x4;
	v57 =	vmul.f32 v39, v21;
	v50 =	vld.idx.msk [tilespmem:v50+s26+$0x0], $0xffff  }
0x163: {  	v55 =	vor.u32 $0xD, v44;
	v39 =	vor.u32 v19, v0;
	v60 =	vmul.f32 v43, v22;
	v51 =	vld.idx.msk [tilespmem:v1+s26+$0x0], $0xffff  }
0x164: {  	v44 =	vadd.s32 v20, v39;
	v43 =	vor.u32 $0x1, v39;
	v0 =	vadd.f32 v57, v37;
	v54 =	vld.idx.msk [tilespmem:v54+s26+$0x0], $0xffff  }
0x165: {  	v57 =	vmul.f32 v56, v23;
	v1 =	vadd.f32 $0.0e+00, v60;
	v58 =	vmul.f32 v58, v24;
	v56 =	vld.idx.msk [tilespmem:v59+s26+$0x0], $0xffff  }
0x166: {  	_ =	sdelay $0x2  }
0x167: {  	v49 =	vmul.f32 v49, v26  }
0x168: {  	v52 =	vld.idx.msk [tilespmem:v52+s26+$0x0], $0xffff;
	v48 =	vmul.f32 v48, v25;
	v0 =	vadd.f32 v57, v0;
	v1 =	vadd.f32 v58, v1  }
0x169: {  	v53 =	vld.idx.msk [tilespmem:v53+s26+$0x0], $0xffff;
	v50 =	vmul.f32 v50, v28  }
0x16a: {  	v55 =	vld.idx.msk [tilespmem:v55+s26+$0x0], $0xffff;
	v4 =	vmul.f32 v51, v27;
	v0 =	vadd.f32 v48, v0;
	v1 =	vadd.f32 v49, v1  }
0x16b: {  	v47 =	vld.idx.msk [tilespmem:v47+s26+$0x0], $0xffff;
	v5 =	vmul.f32 v54, v30  }
0x16c: {  	v46 =	vld.idx.msk [tilespmem:v46+s26+$0x0], $0xffff;
	v6 =	vmul.f32 v56, v29;
	v0 =	vadd.f32 v4, v0;
	v1 =	vadd.f32 v50, v1  }
0x16d: {  	v45 =	vld.idx.msk [tilespmem:v45+s26+$0x0], $0xffff;
	v7 =	vmul.f32 v52, v32  }
0x16e: {  	v52 =	vmul.f32 v53, v31;
	v0 =	vadd.f32 v6, v0;
	v1 =	vadd.f32 v5, v1  }
0x16f: {  	v53 =	vmul.f32 v55, v34  }
0x170: {  	v47 =	vmul.f32 v47, v33;
	v0 =	vadd.f32 v52, v0;
	v1 =	vadd.f32 v7, v1  }
0x171: {  	v46 =	vmul.f32 v46, v36  }
0x172: {  	v45 =	vmul.f32 v45, v35;
	v0 =	vadd.f32 v47, v0;
	v1 =	vadd.f32 v53, v1;
	_ =	sdelay $0x1  }
0x173: {  	v0 =	vadd.f32 v45, v0;
	v1 =	vadd.f32 v46, v1;
	_ =	sdelay $0x1  }
0x174: {  	v54 =	vor.u32 $0x2, v40;
	v0 =	vadd.f32 v1, v0  }
0x175: {  	v55 =	vor.u32 $0x3, v40  }
0x176: {  	v56 =	vor.u32 $0x4, v40;
	[tilespmem:s29+$0x0] =	vst v0  }
0x177: {  	v57 =	vor.u32 $0x5, v40;
	v0 =	vld.idx.msk [tilespmem:v42+s26+$0x0], $0xffff  }
0x178: {  	v58 =	vor.u32 $0x6, v40;
	v41 =	vld.idx.msk [tilespmem:v41+s26+$0x0], $0xffff  }
0x179: {  	v59 =	vor.u32 $0x7, v40;
	v45 =	vld.idx.msk [tilespmem:v54+s26+$0x0], $0xffff  }
0x17a: {  	v60 =	vor.u32 $0x8, v40;
	v1 =	vld.idx.msk [tilespmem:v55+s26+$0x0], $0xffff  }
0x17b: {  	v61 =	vor.u32 $0x9, v40;
	v46 =	vld.idx.msk [tilespmem:v56+s26+$0x0], $0xffff  }
0x17c: {  	v63 =	vor.u32 $0xB, v40;
	v42 =	vld.idx.msk [tilespmem:v57+s26+$0x0], $0xffff  }
0x17d: {  	v62 =	vor.u32 $0xA, v40;
	v47 =	vld.idx.msk [tilespmem:v58+s26+$0x0], $0xffff;
	v0 =	vmul.f32 v0, v21;
	v41 =	vmul.f32 v41, v22  }
0x17e: {  	v4 =	vor.u32 $0xC, v40;
	v5 =	vor.u32 $0xD, v40;
	v48 =	vld.idx.msk [tilespmem:v59+s26+$0x0], $0xffff;
	v45 =	vmul.f32 v45, v23  }
0x17f: {  	v49 =	vld.idx.msk [tilespmem:v60+s26+$0x0], $0xffff;
	v1 =	vmul.f32 v1, v24;
	v0 =	vadd.f32 v0, v37;
	v41 =	vadd.f32 $0.0e+00, v41  }
0x180: {  	v6 =	vor.u32 $0xF, v40;
	v50 =	vld.idx.msk [tilespmem:v61+s26+$0x0], $0xffff;
	v57 =	vor.u32 $0xE, v40;
	v7 =	vmul.f32 v46, v25  }
0x181: {  	v59 =	vld.idx.msk [tilespmem:v63+s26+$0x0], $0xffff;
	v58 =	vmul.f32 v42, v26;
	v0 =	vadd.f32 v45, v0;
	v1 =	vadd.f32 v1, v41  }
0x182: {  	v56 =	vld.idx.msk [tilespmem:v62+s26+$0x0], $0xffff;
	v60 =	vmul.f32 v47, v27  }
0x183: {  	v61 =	vld.idx.msk [tilespmem:v4+s26+$0x0], $0xffff;
	v62 =	vmul.f32 v48, v28;
	v0 =	vadd.f32 v7, v0;
	v1 =	vadd.f32 v58, v1  }
0x184: {  	v63 =	vld.idx.msk [tilespmem:v5+s26+$0x0], $0xffff;
	v4 =	vmul.f32 v49, v29  }
0x185: {  	v5 =	vld.idx.msk [tilespmem:v6+s26+$0x0], $0xffff;
	v6 =	vmul.f32 v50, v30;
	v0 =	vadd.f32 v60, v0;
	v1 =	vadd.f32 v62, v1  }
0x186: {  	v40 =	vld.idx.msk [tilespmem:v57+s26+$0x0], $0xffff;
	v46 =	vmul.f32 v59, v32  }
0x187: {  	v7 =	vmul.f32 v56, v31;
	v0 =	vadd.f32 v4, v0;
	v1 =	vadd.f32 v6, v1  }
0x188: {  	v51 =	vmov s28;
	v47 =	vmul.f32 v61, v33  }
0x189: {  	v48 =	vmul.f32 v63, v34;
	v0 =	vadd.f32 v7, v0;
	v1 =	vadd.f32 v46, v1  }
0x18a: {  	v52 =	vshll.u32 v51, $0x4;
	v50 =	vmul.f32 v5, v36  }
0x18b: {  	v40 =	vmul.f32 v40, v35;
	v0 =	vadd.f32 v47, v0;
	v1 =	vadd.f32 v48, v1  }
0x18c: {  	v41 =	vor.u32 v19, v52  }
0x18d: {  	v53 =	vadd.s32 v20, v41;
	v0 =	vadd.f32 v40, v0;
	v1 =	vadd.f32 v50, v1  }
0x18e: {  	v54 =	vor.u32 $0x1, v41  }
0x18f: {  	v55 =	vor.u32 $0x2, v41;
	v0 =	vadd.f32 v1, v0  }
0x190: {  	v56 =	vor.u32 $0x3, v41  }
0x191: {  	v57 =	vor.u32 $0x5, v41;
	[tilespmem:s23+$0xFFFFFFF0] =	vst v0  }
0x192: {  	v58 =	vor.u32 $0x4, v41;
	v40 =	vld.idx.msk [tilespmem:v53+s26+$0x0], $0xffff  }
0x193: {  	v59 =	vor.u32 $0x7, v41;
	v42 =	vld.idx.msk [tilespmem:v54+s26+$0x0], $0xffff  }
0x194: {  	v60 =	vor.u32 $0x6, v41;
	v1 =	vld.idx.msk [tilespmem:v55+s26+$0x0], $0xffff  }
0x195: {  	v61 =	vor.u32 $0x9, v41;
	v45 =	vld.idx.msk [tilespmem:v56+s26+$0x0], $0xffff  }
0x196: {  	v62 =	vor.u32 $0x8, v41;
	v0 =	vld.idx.msk [tilespmem:v57+s26+$0x0], $0xffff  }
0x197: {  	v63 =	vor.u32 $0xB, v41;
	v46 =	vld.idx.msk [tilespmem:v58+s26+$0x0], $0xffff  }
0x198: {  	v4 =	vor.u32 $0xA, v41;
	v47 =	vld.idx.msk [tilespmem:v59+s26+$0x0], $0xffff;
	v40 =	vmul.f32 v40, v21;
	v42 =	vmul.f32 v42, v22  }
0x199: {  	v5 =	vor.u32 $0xC, v41;
	v6 =	vor.u32 $0xD, v41;
	v48 =	vld.idx.msk [tilespmem:v60+s26+$0x0], $0xffff;
	v1 =	vmul.f32 v1, v23  }
0x19a: {  	v49 =	vld.idx.msk [tilespmem:v61+s26+$0x0], $0xffff;
	v45 =	vmul.f32 v45, v24;
	v40 =	vadd.f32 v40, v37;
	v42 =	vadd.f32 $0.0e+00, v42  }
0x19b: {  	v7 =	vor.u32 $0xE, v41;
	v41 =	vor.u32 $0xF, v41;
	v50 =	vld.idx.msk [tilespmem:v62+s26+$0x0], $0xffff;
	v0 =	vmul.f32 v0, v26  }
0x19c: {  	v51 =	vld.idx.msk [tilespmem:v63+s26+$0x0], $0xffff;
	v58 =	vmul.f32 v46, v25;
	v1 =	vadd.f32 v1, v40;
	v57 =	vadd.f32 v45, v42  }
0x19d: {  	v59 =	vld.idx.msk [tilespmem:v4+s26+$0x0], $0xffff;
	v60 =	vmul.f32 v47, v28  }
0x19e: {  	v61 =	vld.idx.msk [tilespmem:v6+s26+$0x0], $0xffff;
	v62 =	vmul.f32 v48, v27;
	v1 =	vadd.f32 v58, v1;
	v0 =	vadd.f32 v0, v57  }
0x19f: {  	v63 =	vld.idx.msk [tilespmem:v5+s26+$0x0], $0xffff;
	v4 =	vmul.f32 v49, v30  }
0x1a0: {  	v41 =	vld.idx.msk [tilespmem:v41+s26+$0x0], $0xffff;
	v5 =	vmul.f32 v50, v29;
	v1 =	vadd.f32 v62, v1;
	v0 =	vadd.f32 v60, v0  }
0x1a1: {  	v6 =	vld.idx.msk [tilespmem:v7+s26+$0x0], $0xffff;
	v7 =	vmul.f32 v51, v32  }
0x1a2: {  	v51 =	vmul.f32 v59, v31;
	v1 =	vadd.f32 v5, v1;
	v0 =	vadd.f32 v4, v0  }
0x1a3: {  	v52 =	vmul.f32 v61, v34  }
0x1a4: {  	v53 =	vmul.f32 v63, v33;
	v1 =	vadd.f32 v51, v1;
	v0 =	vadd.f32 v7, v0  }
0x1a5: {  	v41 =	vmul.f32 v41, v36  }
0x1a6: {  	v54 =	vmul.f32 v6, v35;
	v1 =	vadd.f32 v53, v1;
	v0 =	vadd.f32 v52, v0;
	_ =	sdelay $0x1  }
0x1a7: {  	v1 =	vadd.f32 v54, v1;
	v0 =	vadd.f32 v41, v0;
	_ =	sdelay $0x1  }
0x1a8: {  	v55 =	vor.u32 $0x2, v39;
	v0 =	vadd.f32 v0, v1  }
0x1a9: {  	v56 =	vor.u32 $0x3, v39  }
0x1aa: {  	v57 =	vor.u32 $0x4, v39;
	[tilespmem:s23+$0x0] =	vst v0  }
0x1ab: {  	v58 =	vor.u32 $0x5, v39;
	v0 =	vld.idx.msk [tilespmem:v44+s26+$0x0], $0xffff  }
0x1ac: {  	v59 =	vor.u32 $0x6, v39;
	v43 =	vld.idx.msk [tilespmem:v43+s26+$0x0], $0xffff  }
0x1ad: {  	v60 =	vor.u32 $0x7, v39;
	v40 =	vld.idx.msk [tilespmem:v55+s26+$0x0], $0xffff  }
0x1ae: {  	v61 =	vor.u32 $0x8, v39;
	v1 =	vld.idx.msk [tilespmem:v56+s26+$0x0], $0xffff  }
0x1af: {  	v62 =	vor.u32 $0x9, v39;
	v41 =	vld.idx.msk [tilespmem:v57+s26+$0x0], $0xffff  }
0x1b0: {  	v63 =	vor.u32 $0xA, v39;
	v42 =	vld.idx.msk [tilespmem:v58+s26+$0x0], $0xffff  }
0x1b1: {  	v4 =	vor.u32 $0xB, v39;
	v44 =	vld.idx.msk [tilespmem:v59+s26+$0x0], $0xffff;
	v0 =	vmul.f32 v0, v21;
	v43 =	vmul.f32 v43, v22  }
0x1b2: {  	v6 =	vor.u32 $0xD, v39;
	v5 =	vor.u32 $0xC, v39;
	v45 =	vld.idx.msk [tilespmem:v60+s26+$0x0], $0xffff;
	v40 =	vmul.f32 v40, v23  }
0x1b3: {  	v46 =	vld.idx.msk [tilespmem:v61+s26+$0x0], $0xffff;
	v1 =	vmul.f32 v1, v24;
	v0 =	vadd.f32 v0, v37;
	v43 =	vadd.f32 $0.0e+00, v43  }
0x1b4: {  	v7 =	vor.u32 $0xF, v39;
	v47 =	vld.idx.msk [tilespmem:v62+s26+$0x0], $0xffff;
	v57 =	vor.u32 $0xE, v39;
	v55 =	vmul.f32 v41, v25  }
0x1b5: {  	v56 =	vld.idx.msk [tilespmem:v63+s26+$0x0], $0xffff;
	v42 =	vmul.f32 v42, v26;
	v0 =	vadd.f32 v40, v0;
	v1 =	vadd.f32 v1, v43  }
0x1b6: {  	v58 =	vld.idx.msk [tilespmem:v4+s26+$0x0], $0xffff;
	v59 =	vmul.f32 v44, v27  }
0x1b7: {  	v60 =	vld.idx.msk [tilespmem:v5+s26+$0x0], $0xffff;
	v61 =	vmul.f32 v45, v28;
	v0 =	vadd.f32 v55, v0;
	v1 =	vadd.f32 v42, v1  }
0x1b8: {  	v62 =	vld.idx.msk [tilespmem:v6+s26+$0x0], $0xffff;
	v63 =	vmul.f32 v46, v29  }
0x1b9: {  	v4 =	vld.idx.msk [tilespmem:v7+s26+$0x0], $0xffff;
	v5 =	vmul.f32 v47, v30;
	v0 =	vadd.f32 v59, v0;
	v1 =	vadd.f32 v61, v1  }
0x1ba: {  	v39 =	vld.idx.msk [tilespmem:v57+s26+$0x0], $0xffff;
	v6 =	vmul.f32 v56, v31  }
0x1bb: {  	v7 =	vmul.f32 v58, v32;
	v0 =	vadd.f32 v63, v0;
	v1 =	vadd.f32 v5, v1  }
0x1bc: {  	v48 =	vmov s17;
	v44 =	vmul.f32 v60, v33  }
0x1bd: {  	v45 =	vmul.f32 v62, v34;
	v0 =	vadd.f32 v6, v0;
	v1 =	vadd.f32 v7, v1  }
0x1be: {  	v49 =	vshll.u32 v48, $0x4;
	v47 =	vmul.f32 v4, v36  }
0x1bf: {  	v39 =	vmul.f32 v39, v35;
	v0 =	vadd.f32 v44, v0;
	v1 =	vadd.f32 v45, v1  }
0x1c0: {  	v41 =	vor.u32 v19, v49  }
0x1c1: {  	v50 =	vadd.s32 v20, v41;
	v0 =	vadd.f32 v39, v0;
	v1 =	vadd.f32 v47, v1  }
0x1c2: {  	v51 =	vor.u32 $0x1, v41  }
0x1c3: {  	v52 =	vor.u32 $0x2, v41;
	v0 =	vadd.f32 v1, v0  }
0x1c4: {  	s0 =	sadd.s32 $0x20, s18;
	v53 =	vor.u32 $0x3, v41  }
0x1c5: {  	v54 =	vor.u32 $0x5, v41;
	[tilespmem:s0+$0xFFFFFFF0] =	vst v0  }
0x1c6: {  	v55 =	vor.u32 $0x4, v41;
	v39 =	vld.idx.msk [tilespmem:v50+s26+$0x0], $0xffff  }
0x1c7: {  	v56 =	vor.u32 $0x7, v41;
	v40 =	vld.idx.msk [tilespmem:v51+s26+$0x0], $0xffff  }
0x1c8: {  	v57 =	vor.u32 $0x6, v41;
	v1 =	vld.idx.msk [tilespmem:v52+s26+$0x0], $0xffff  }
0x1c9: {  	v58 =	vor.u32 $0x9, v41;
	v42 =	vld.idx.msk [tilespmem:v53+s26+$0x0], $0xffff  }
0x1ca: {  	v59 =	vor.u32 $0x8, v41;
	v0 =	vld.idx.msk [tilespmem:v54+s26+$0x0], $0xffff  }
0x1cb: {  	v60 =	vor.u32 $0xB, v41;
	v43 =	vld.idx.msk [tilespmem:v55+s26+$0x0], $0xffff  }
0x1cc: {  	v61 =	vor.u32 $0xA, v41;
	v44 =	vld.idx.msk [tilespmem:v56+s26+$0x0], $0xffff;
	v39 =	vmul.f32 v39, v21;
	v40 =	vmul.f32 v40, v22  }
0x1cd: {  	v62 =	vor.u32 $0xC, v41;
	v63 =	vor.u32 $0xD, v41;
	v45 =	vld.idx.msk [tilespmem:v57+s26+$0x0], $0xffff;
	v1 =	vmul.f32 v1, v23  }
0x1ce: {  	v46 =	vld.idx.msk [tilespmem:v58+s26+$0x0], $0xffff;
	v42 =	vmul.f32 v42, v24;
	v39 =	vadd.f32 v39, v37;
	v40 =	vadd.f32 $0.0e+00, v40  }
0x1cf: {  	v4 =	vor.u32 $0xE, v41;
	v41 =	vor.u32 $0xF, v41;
	v47 =	vld.idx.msk [tilespmem:v59+s26+$0x0], $0xffff;
	v0 =	vmul.f32 v0, v26  }
0x1d0: {  	v48 =	vld.idx.msk [tilespmem:v60+s26+$0x0], $0xffff;
	v6 =	vmul.f32 v43, v25;
	v1 =	vadd.f32 v1, v39;
	v5 =	vadd.f32 v42, v40  }
0x1d1: {  	v7 =	vld.idx.msk [tilespmem:v61+s26+$0x0], $0xffff;
	v49 =	vmul.f32 v44, v28  }
0x1d2: {  	v51 =	vld.idx.msk [tilespmem:v63+s26+$0x0], $0xffff;
	v53 =	vmul.f32 v45, v27;
	v1 =	vadd.f32 v6, v1;
	v0 =	vadd.f32 v0, v5  }
0x1d3: {  	v54 =	vld.idx.msk [tilespmem:v62+s26+$0x0], $0xffff;
	v55 =	vmul.f32 v46, v30  }
0x1d4: {  	v41 =	vld.idx.msk [tilespmem:v41+s26+$0x0], $0xffff;
	v56 =	vmul.f32 v47, v29;
	v1 =	vadd.f32 v53, v1;
	v0 =	vadd.f32 v49, v0  }
0x1d5: {  	v57 =	vld.idx.msk [tilespmem:v4+s26+$0x0], $0xffff;
	v58 =	vmul.f32 v48, v32  }
0x1d6: {  	v59 =	vmul.f32 v7, v31;
	v1 =	vadd.f32 v56, v1;
	v0 =	vadd.f32 v55, v0  }
0x1d7: {  	v60 =	vmul.f32 v51, v34  }
0x1d8: {  	v61 =	vmul.f32 v54, v33;
	v1 =	vadd.f32 v59, v1;
	v0 =	vadd.f32 v58, v0  }
0x1d9: {  	v62 =	vmul.f32 v41, v36  }
0x1da: {  	v63 =	vmul.f32 v57, v35;
	v1 =	vadd.f32 v61, v1;
	v0 =	vadd.f32 v60, v0;
	_ =	sdelay $0x1  }
0x1db: {  	v1 =	vadd.f32 v63, v1;
	v0 =	vadd.f32 v62, v0;
	_ =	sdelay $0x1  }
0x1dc: {  	v0 =	vadd.f32 v0, v1;
	_ =	sdelay $0x1  }
0x1dd: {  	s18 =	simm.s32 $0x0;
	s17 =	simm.s32 $0x0;
	s23 =	simm.s32 $0x0;
	[tilespmem:s0+$0x0] =	vst v0  }
.LBB2_5:
0x1de: {  	s0 =	smul.u32 $0x32, s23;
	_ =	sdelay $0x1  }
0x1df: {  	v0 =	vadd.s32 s0, v16;
	s28 =	sadd.s32 $0x10, s0  }
0x1e0: {  	s31 =	sadd.s32 $0x20, s0;
	s29 =	sadd.s32 $0x30, s0;
	v1 =	vadd.s32 s28, v16  }
0x1e1: {  	v39 =	vadd.s32 s31, v16;
	v40 =	vor.u32 s29, v16  }
0x1e2: {  	v40 =	vsel vm0, s0, v40;
	_ =	sdelay $0x1  }
0x1e3: {  	v41 =	vld.idx.msk [tilespmem:v0+s17+$0x0], $0xffff  }
0x1e4: {  	v42 =	vld.idx.msk [tilespmem:v1+s17+$0x0], $0xffff  }
0x1e5: {  	v43 =	vld.idx.msk [tilespmem:v39+s17+$0x0], $0xffff  }
0x1e6: {  	v44 =	vld.idx.msk [tilespmem:v40+s17+$0x0], $0xffff;
	_ =	sdelay $0x3  }
0x1e7: {  	vm3 =	vne.s32 v41, $0x0;
	vm4 =	vne.s32 v42, $0x0;
	vm5 =	vne.s32 v43, $0x0  }
0x1e8: {  	v41 =	vmpcnt.ones.xlane vm3;
	vm6 =	vne.s32 v44, $0x0;
	v42 =	vmpcnt.ones.xlane vm4  }
0x1e9: {  	v48 =	vld.idx.msk [tilespmem:v0+s1+$0x0], $0xffff;
	v43 =	vmpcnt.ones.xlane vm5;
	vm6 =	vmand vm6, vm1  }
0x1ea: {  	v45 =	vld.idx.msk [tilespmem:v1+s1+$0x0], $0xffff;
	v41 =	vadd.s32 v41, v42;
	v49 =	vmpcnt.ones.xlane vm6  }
0x1eb: {  	v50 =	vld.idx.msk [tilespmem:v39+s1+$0x0], $0xffff;
	v41 =	vadd.s32 v43, v41  }
0x1ec: {  	v51 =	vld.idx.msk [tilespmem:v40+s1+$0x0], $0xffff;
	v41 =	vadd.s32 v49, v41  }
0x1ed: {  	vm7 =	vgt.s32 v41, $0x0  }
0x1ee: {  	vm8 =	vmneg vm7  }
0x1ef: {  	vm3 =	vmand vm7, vm3;
	vm15 =	vmand vm8, vm2  }
0x1f0: {  	v53 =	vnsel vm4, $0xFF800000, v45;
	vm3 =	vmor vm3, vm15  }
0x1f1: {  	v42 =	vnsel vm6, $0xFF800000, v51;
	v43 =	vnsel vm5, $0xFF800000, v50;
	v52 =	vnsel vm3, $0xFF800000, v48  }
0x1f2: {  	v46 =	vmax.f32 v43, v42;
	v45 =	vmax.f32 v52, v53  }
0x1f3: {  	v45 =	vmax.f32 v45, v46  }
0x1f4: {  	(xrf0) =	vmax.scan.msk.f32 $0xffff, v45;
	_ =	sdelay $0x5  }
0x1f5: {  	v45, _, _ =	vpop (xrf0)  }
0x1f6: {  	v45 =	vbroadcast v45, $0xF;
	_ =	sdelay $0x1  }
0x1f7: {  	v41 =	vsub.f32 v52, v45  }
0x1f8: {  	v44 =	vsub.f32 v53, v45  }
0x1f9: {  	v41 =	vmul.f32 $1.442695020e+00, v41  }
0x1fa: {  	v43 =	vsub.f32 v43, v45;
	v44 =	vmul.f32 $1.442695020e+00, v44  }
0x1fb: {  	(erf) = vpow2.f32 v41  }
0x1fc: {  	v42 =	vsub.f32 v42, v45;
	v54 =	vmul.f32 $1.442695020e+00, v43;
	(erf) = vpow2.f32 v44;
	_ =	sdelay $0x1  }
0x1fd: {  	v55 =	vmul.f32 $1.442695020e+00, v42;
	(erf) = vpow2.f32 v54;
	_ =	sdelay $0x1  }
0x1fe: {  	(erf) = vpow2.f32 v55;
	_ =	sdelay $0x3  }
0x1ff: {  	v56 =	vpop (erf)  }
0x200: {  	v57 =	vpop (erf)  }
0x201: {  	v58 =	vadd.f32 v57, v56  }
0x202: {  	v59 =	vpop (erf)  }
0x203: {  	v43 =	vadd.f32 v58, v59  }
0x204: {  	v60 =	vpop (erf)  }
0x205: {  	v43 =	vadd.f32 v43, v60;
	_ =	sdelay $0x1  }
0x206: {  	(xrf2) =	vadd.scan.msk.f32 $0xffff, v43;
	_ =	sdelay $0x9  }
0x207: {  	v43, _, _ =	vpop (xrf2)  }
0x208: {  	v43 =	vbroadcast v43, $0xF;
	_ =	sdelay $0x1  }
0x209: {  	(erf) = vrcp.f32 v43;
	_ =	sdelay $0x8  }
0x20a: {  	v61 =	vpop (erf)  }
0x20b: {  	s0 =	sadd.s32 $0x0, s18;
	v41 =	vmul.f32 v61, v56  }
0x20c: {  	s30 =	sadd.s32 $0x8, s0;
	v42 =	vmul.f32 v61, v57  }
0x20d: {  	s31 =	sadd.s32 $0x9, s0;
	v43 =	vmov s30;
	[tilespmem:v0+s1+$0x0] =	vst.idx.msk $0xffff, v41  }
0x20e: {  	v62 =	vmul.f32 v61, v59;
	[tilespmem:v1+s1+$0x0] =	vst.idx.msk $0xffff, v42;
	v42 =	vmov s31  }
0x20f: {  	v63 =	vmul.f32 v61, v60  }
0x210: {  	p1 =	por $0x1, $0x1;
	v52 =	vmov s0;
	[tilespmem:v39+s1+$0x0] =	vst.idx.msk $0xffff, v62  }
.Ltmp3:
0x211: {  	s29 =	sadd.s32 $0x7, s0;
	[tilespmem:v40+s1+$0x0] =	vst.idx.msk $0x3, v63;
	(pc) =	sbr.rel @!p1 .LBB2_6-.Ltmp3, $4  }
0x212: {  	v47 =	vmov s29;
	s29 =	sadd.s32 $0x2, s0;
	s30 =	sadd.s32 $0x6, s0;
	v41 =	vld.idx.msk [tilespmem:v43+s1+$0x0], $0xffff  }
0x213: {  	v51 =	vmov s29;
	v46 =	vmov s30;
	s30 =	sadd.s32 $0x5, s0;
	s31 =	sadd.s32 $0x4, s0;
	v40 =	vld.idx.msk [tilespmem:v42+s1+$0x0], $0xffff  }
0x214: {  	v48 =	vmov s30;
	v60 =	vshll.u32 v52, $0x4;
	v49 =	vmov s31;
	s31 =	sadd.s32 $0x3, s0;
	s0 =	sadd.s32 $0x1, s0  }
0x215: {  	p0 =	por $0x0, $0x0;
	v39 =	vimm.f32 $0.0e+00;
	v50 =	vmov s31;
	v44 =	vld.idx.msk [tilespmem:v52+s1+$0x0], $0xffff;
	v52 =	vmov s0  }
0x216: {  	_ =	sdelay $0x3  }
0x217: {  	v0 =	vld.idx.msk [tilespmem:v46+s1+$0x0], $0xffff  }
0x218: {  	v45 =	vld.idx.msk [tilespmem:v47+s1+$0x0], $0xffff  }
0x219: {  	v1 =	vor.u32 v16, v60;
	v53 =	vshll.u32 v52, $0x4;
	v56 =	vld.idx.msk [tilespmem:v49+s1+$0x0], $0xffff  }
0x21a: {  	v54 =	vshll.u32 v51, $0x4;
	v58 =	vld.idx.msk [tilespmem:v48+s1+$0x0], $0xffff;
	v53 =	vor.u32 v16, v53  }
0x21b: {  	v55 =	vshll.u32 v50, $0x4;
	v51 =	vld.idx.msk [tilespmem:v51+s1+$0x0], $0xffff;
	v54 =	vor.u32 v16, v54  }
0x21c: {  	v50 =	vld.idx.msk [tilespmem:v50+s1+$0x0], $0xffff;
	v3 =	vshll.u32 v49, $0x4;
	v55 =	vor.u32 v16, v55  }
0x21d: {  	v52 =	vld.idx.msk [tilespmem:v52+s1+$0x0], $0xffff;
	v4 =	vshll.u32 v48, $0x4;
	v49 =	vor.u32 v16, v3  }
0x21e: {  	v5 =	vshll.u32 v46, $0x4;
	v48 =	vor.u32 v16, v4;
	v1 =	vld.idx.msk [tilespmem:v1+s26+$0x0], $0xffff  }
0x21f: {  	v43 =	vshll.u32 v43, $0x4;
	v57 =	vor.u32 v16, v5;
	v53 =	vld.idx.msk [tilespmem:v53+s26+$0x0], $0xffff  }
0x220: {  	v6 =	vshll.u32 v47, $0x4;
	s0 =	sadd.s32 $0xA, s18;
	v7 =	vor.u32 v16, v43;
	v54 =	vld.idx.msk [tilespmem:v54+s26+$0x0], $0xffff  }
0x221: {  	v59 =	vor.u32 v16, v6;
	s29 =	sadd.s32 $0x8, s0;
	v60 =	vld.idx.msk [tilespmem:v55+s26+$0x0], $0xffff  }
0x222: {  	v42 =	vshll.u32 v42, $0x4;
	v43 =	vmov s29;
	v61 =	vld.idx.msk [tilespmem:v49+s26+$0x0], $0xffff  }
0x223: {  	v62 =	vor.u32 v16, v42;
	s28 =	sadd.s32 $0x6, s0;
	s30 =	sadd.s32 $0x9, s0;
	v2 =	vld.idx.msk [tilespmem:v48+s26+$0x0], $0xffff  }
0x224: {  	v63 =	vmov s0;
	v46 =	vmov s28;
	s28 =	sadd.s32 $0x7, s0;
	v42 =	vmov s30;
	v3 =	vld.idx.msk [tilespmem:v57+s26+$0x0], $0xffff  }
0x225: {  	p1 =	por $0x1, $0x1;
	s31 =	sadd.s32 $0x5, s0;
	s29 =	sadd.s32 $0x4, s0;
	v47 =	vmov s28;
	v55 =	vld.idx.msk [tilespmem:v7+s26+$0x0], $0xffff;
	v1 =	vmul.f32 v1, v44;
	v5 =	vmul.f32 v53, v52  }
.Ltmp4:
0x226: {  	v49 =	vmov s29;
	v48 =	vmov s31;
	v53 =	vld.idx.msk [tilespmem:v59+s26+$0x0], $0xffff;
	v6 =	vmul.f32 v54, v51;
	(pc) =	sbr.rel @!p1 .LBB2_8-.Ltmp4, $4  }
0x227: {  	s30 =	sadd.s32 $0x2, s0;
	s31 =	sadd.s32 $0x3, s0;
	v57 =	vld.idx.msk [tilespmem:v43+s1+$0x0], $0xffff;
	v60 =	vmul.f32 v60, v50;
	v1 =	vadd.f32 v1, v39;
	v7 =	vadd.f32 v5, v39  }
0x228: {  	v54 =	vld.idx.msk [tilespmem:v62+s26+$0x0], $0xffff;
	v51 =	vmov s30;
	v50 =	vmov s31;
	v56 =	vmul.f32 v61, v56  }
0x229: {  	s0 =	sadd.s32 $0x1, s0;
	v44 =	vld.idx.msk [tilespmem:v63+s1+$0x0], $0xffff;
	v62 =	vmul.f32 v2, v58;
	v61 =	vadd.f32 v6, v1;
	v59 =	vadd.f32 v60, v7  }
0x22a: {  	p0 =	por $0x1, $0x1;
	v52 =	vmov s0;
	s0 =	simm.s32 $0x14;
	v58 =	vmul.f32 v3, v0;
	v60 =	vshll.u32 v63, $0x4;
	v63 =	vld.idx.msk [tilespmem:v42+s1+$0x0], $0xffff  }
.LBB2_9:
0x22b: {  	p1 =	sne.s32 s0, $0x28;
	v0 =	vld.idx.msk [tilespmem:v46+s1+$0x0], $0xffff;
	v1 =	vadd.f32 v56, v61;
	v2 =	vadd.f32 v62, v59;
	v3 =	vmul.f32 v53, v45  }
0x22c: {  	v53 =	vor.u32 v16, v60;
	v56 =	vshll.u32 v52, $0x4;
	v41 =	vmul.f32 v55, v41;
	v45 =	vld.idx.msk [tilespmem:v47+s1+$0x0], $0xffff  }
0x22d: {  	v59 =	vld.idx.msk [tilespmem:v49+s1+$0x0], $0xffff;
	v1 =	vadd.f32 v58, v1;
	v2 =	vadd.f32 v3, v2;
	v3 =	vmul.f32 v54, v40  }
0x22e: {  	v4 =	vshll.u32 v51, $0x4;
	v55 =	vshll.u32 v50, $0x4;
	v54 =	vor.u32 v16, v56;
	v58 =	vld.idx.msk [tilespmem:v48+s1+$0x0], $0xffff  }
0x22f: {  	v56 =	vor.u32 v16, v4;
	v51 =	vld.idx.msk [tilespmem:v51+s1+$0x0], $0xffff;
	v1 =	vadd.f32 v41, v1;
	v2 =	vadd.f32 v3, v2  }
0x230: {  	v49 =	vshll.u32 v49, $0x4;
	v41 =	vmovc v57;
	v40 =	vmov v63;
	v3 =	vld.idx.msk [tilespmem:v50+s1+$0x0], $0xffff;
	v50 =	vor.u32 v16, v55  }
0x231: {  	v49 =	vor.u32 v16, v49;
	v48 =	vshll.u32 v48, $0x4;
	v52 =	vld.idx.msk [tilespmem:v52+s1+$0x0], $0xffff  }
0x232: {  	v46 =	vshll.u32 v46, $0x4;
	v48 =	vor.u32 v16, v48;
	v53 =	vld.idx.msk [tilespmem:v53+s26+$0x0], $0xffff  }
0x233: {  	v55 =	vor.u32 v16, v46;
	v46 =	vshll.u32 v47, $0x4;
	v54 =	vld.idx.msk [tilespmem:v54+s26+$0x0], $0xffff  }
0x234: {  	v43 =	vshll.u32 v43, $0x4;
	v57 =	vor.u32 v16, v46;
	v56 =	vld.idx.msk [tilespmem:v56+s26+$0x0], $0xffff  }
0x235: {  	v42 =	vshll.u32 v42, $0x4;
	v60 =	vor.u32 v16, v43;
	v50 =	vld.idx.msk [tilespmem:v50+s26+$0x0], $0xffff  }
0x236: {  	s28 =	sadd.s32 s0, s18;
	v62 =	vor.u32 v16, v42;
	v61 =	vld.idx.msk [tilespmem:v49+s26+$0x0], $0xffff  }
0x237: {  	s29 =	sadd.s32 $0x6, s28;
	s30 =	sadd.s32 $0x8, s28;
	s31 =	sadd.s32 $0x9, s28;
	v63 =	vmov s28;
	v4 =	vld.idx.msk [tilespmem:v48+s26+$0x0], $0xffff  }
0x238: {  	v43 =	vmov s30;
	v42 =	vmov s31;
	v46 =	vmov s29;
	s29 =	sadd.s32 $0x7, s28;
	v5 =	vld.idx.msk [tilespmem:v55+s26+$0x0], $0xffff  }
0x239: {  	s30 =	sadd.s32 $0x4, s28;
	s31 =	sadd.s32 $0x5, s28;
	v47 =	vmov s29;
	v44 =	vmul.f32 v53, v44;
	v52 =	vmul.f32 v54, v52;
	v53 =	vld.idx.msk [tilespmem:v57+s26+$0x0], $0xffff  }
.Ltmp5:
0x23a: {  	v49 =	vmov s30;
	v48 =	vmov s31;
	v6 =	vmul.f32 v56, v51;
	v55 =	vld.idx.msk [tilespmem:v60+s26+$0x0], $0xffff;
	(pc) =	sbr.rel @p1 .LBB2_9-.Ltmp5, $4  }
0x23b: {  	s29 =	sadd.s32 $0x2, s28;
	s30 =	sadd.s32 $0x3, s28;
	v1 =	vadd.f32 v44, v1;
	v2 =	vadd.f32 v52, v2;
	v3 =	vmul.f32 v50, v3;
	v54 =	vld.idx.msk [tilespmem:v62+s26+$0x0], $0xffff  }
0x23c: {  	v51 =	vmov s29;
	v50 =	vmov s30;
	v56 =	vmul.f32 v61, v59;
	v44 =	vld.idx.msk [tilespmem:v63+s1+$0x0], $0xffff  }
0x23d: {  	s28 =	sadd.s32 $0x1, s28;
	v61 =	vadd.f32 v6, v1;
	v59 =	vadd.f32 v3, v2;
	v62 =	vmul.f32 v4, v58;
	v57 =	vld.idx.msk [tilespmem:v43+s1+$0x0], $0xffff  }
0x23e: {  	s0 =	sadd.s32 $0xA, s0;
	v60 =	vshll.u32 v63, $0x4;
	v52 =	vmov s28;
	v58 =	vmul.f32 v5, v0;
	v63 =	vld.idx.msk [tilespmem:v42+s1+$0x0], $0xffff  }
0x23f: {  	_ =	sdelay $0x3  }
0x240: {  	v1 =	vmovc v41;
	v0 =	vmov v40;
	v41 =	vmov v57;
	v40 =	vmov v63  }
.LBB2_11:
0x241: {  	_ =	sdelay $0x3  }
0x242: {  	v2 =	vld.idx.msk [tilespmem:v46+s1+$0x0], $0xffff  }
0x243: {  	v3 =	vld.idx.msk [tilespmem:v47+s1+$0x0], $0xffff  }
0x244: {  	v4 =	vor.u32 v16, v60;
	v5 =	vshll.u32 v52, $0x4;
	v6 =	vld.idx.msk [tilespmem:v49+s1+$0x0], $0xffff  }
0x245: {  	v57 =	vshll.u32 v51, $0x4;
	v60 =	vld.idx.msk [tilespmem:v48+s1+$0x0], $0xffff;
	v5 =	vor.u32 v16, v5  }
0x246: {  	v56 =	vadd.f32 @p0 v56, v61;
	v7 =	vshll.u32 v50, $0x4;
	v51 =	vld.idx.msk [tilespmem:v51+s1+$0x0], $0xffff;
	v57 =	vor.u32 v16, v57  }
0x247: {  	v59 =	vadd.f32 @p0 v62, v59;
	v50 =	vld.idx.msk [tilespmem:v50+s1+$0x0], $0xffff;
	v62 =	vshll.u32 v48, $0x4;
	v61 =	vor.u32 v16, v7  }
0x248: {  	v45 =	vmul.f32 @p0 v53, v45;
	v52 =	vld.idx.msk [tilespmem:v52+s1+$0x0], $0xffff;
	v7 =	vshll.u32 v49, $0x4;
	v48 =	vor.u32 v16, v62  }
0x249: {  	v1 =	vmul.f32 @p0 v55, v1;
	v63 =	vshll.u32 v46, $0x4;
	v49 =	vor.u32 v16, v7;
	v4 =	vld.idx.msk [tilespmem:v4+s26+$0x0], $0xffff  }
0x24a: {  	v46 =	vor.u32 v16, v63;
	v53 =	vadd.f32 @p0 v58, v56;
	v58 =	vshll.u32 v47, $0x4;
	v5 =	vld.idx.msk [tilespmem:v5+s26+$0x0], $0xffff  }
0x24b: {  	v43 =	vshll.u32 v43, $0x4;
	v0 =	vmul.f32 @p0 v54, v0;
	v47 =	vor.u32 v16, v58;
	v62 =	vld.idx.msk [tilespmem:v57+s26+$0x0], $0xffff  }
0x24c: {  	v42 =	vshll.u32 v42, $0x4;
	v43 =	vor.u32 v16, v43;
	v45 =	vadd.f32 @p0 v45, v59;
	v63 =	vld.idx.msk [tilespmem:v61+s26+$0x0], $0xffff  }
0x24d: {  	v42 =	vor.u32 v16, v42;
	v48 =	vld.idx.msk [tilespmem:v48+s26+$0x0], $0xffff  }
0x24e: {  	v1 =	vadd.f32 @p0 v1, v53;
	v0 =	vadd.f32 @p0 v0, v45;
	v49 =	vld.idx.msk [tilespmem:v49+s26+$0x0], $0xffff  }
0x24f: {  	v46 =	vld.idx.msk [tilespmem:v46+s26+$0x0], $0xffff;
	v4 =	vmul.f32 v4, v44;
	v5 =	vmul.f32 v5, v52  }
0x250: {  	v1 =	vpsel p0, v1, v39;
	v0 =	vpsel p0, v0, v39;
	v53 =	vld.idx.msk [tilespmem:v47+s26+$0x0], $0xffff;
	v56 =	vmul.f32 v62, v51  }
0x251: {  	v57 =	vld.idx.msk [tilespmem:v43+s26+$0x0], $0xffff;
	v58 =	vmul.f32 v63, v50;
	v1 =	vadd.f32 v4, v1;
	v0 =	vadd.f32 v5, v0  }
0x252: {  	v59 =	vld.idx.msk [tilespmem:v42+s26+$0x0], $0xffff;
	v60 =	vmul.f32 v48, v60  }
0x253: {  	v6 =	vmul.f32 v49, v6;
	v1 =	vadd.f32 v56, v1;
	v0 =	vadd.f32 v58, v0  }
0x254: {  	v2 =	vmul.f32 v46, v2  }
0x255: {  	v3 =	vmul.f32 v53, v3;
	v1 =	vadd.f32 v6, v1;
	v0 =	vadd.f32 v60, v0  }
0x256: {  	v61 =	vmul.f32 v57, v41  }
0x257: {  	s0 =	sshll.u32 s23, $0x4;
	s23 =	sadd.s32 $0x1, s23;
	v62 =	vmul.f32 v59, v40;
	v1 =	vadd.f32 v2, v1;
	v0 =	vadd.f32 v3, v0  }
0x258: {  	p0 =	sne.s32 s23, $0x40;
	v63 =	vor.u32 s0, v16  }
.Ltmp6:
0x259: {  	v1 =	vadd.f32 v61, v1;
	v0 =	vadd.f32 v62, v0;
	(pc) =	sbr.rel @p0 .LBB2_5-.Ltmp6, $4  }
.Ltmp7:
0x25a: {  	_ = 	snop;
	(pc) =	sbr.rel @!p0 .LBB2_12-.Ltmp7, $4  }
0x25b: {  	v0 =	vadd.f32 v0, v1  }
0x25c: {  	_ = 	snop  }
0x25d: {  	s18 =	sadd.s32 $0x32, s18;
	[tilespmem:v63+s2+$0x0] =	vst.idx.msk $0xffff, v0  }
0x25e: {  	_ = 	snop  }
.LBB2_6:
.Ltmp8:
0x25f: {  	(pc) =	sbr.rel .LBB2_11-.Ltmp8, $2  }
0x260: {  	_ =	sdelay $0x2  }
0x261: {  	_ = 	snop  }
.LBB2_8:
.Ltmp9:
0x262: {  	_ = 	snop;
	(pc) =	sbr.rel .LBB2_11-.Ltmp9, $2  }
0x263: {  	_ =	sdelay $0x2  }
0x264: {  	v1 =	vmovc v41;
	v0 =	vmov v40;
	v41 =	vmov v57;
	v40 =	vmov v63  }
.LBB2_12:
0x265: {  	p0 =	seq.s32 s15, $0x7  }
.Ltmp10:
0x266: {  	_ = 	snop;
	(pc) =	sbr.rel @p0 .LBB2_14-.Ltmp10, $2  }
0x267: {  	_ =	sdelay $0x2  }
0x268: {  	s18 =	sadd.s32 $0x1, s15  }
0x269: {  	s0 =	sshll.u32 s18, $0x6  }
0x26a: {  	s0 =	sadd.s32 s16, s0  }
0x26b: {  	s0 =	smul.u32 $0x32, s0;
	_ =	sdelay $0x1  }
0x26c: {  	s17 =	rddreg [dreg:$0x6];
	s0 =	sshrl.u32 s0, $0x3  }
0x26d: {  	s0 =	sadd.s32 s17, s0  }
0x26e: {  	[tilespmem:s6], [sflag:$0x4] =	stream.linear.gather [hbm4b:s0+s6], $0xC80, $0x38;
	[tilespmem:$0x1C300] =	vst v63  }
0x26f: {  	_ =	swait.ge [sflag:s20], $0xC80  }
0x270: {  	[sflag:s20] =	ssyncset.done $0x0  }
0x271: {  	[sflag:s20] =	ssyncadd.s32 $0xFFFFF380  }
0x272: {  	[tilespmem:s26], [sflag:$0x1] =	stream.indirect.gather [hbm4b:s9+s25], $0x10, s6, s25, $0xb8;
	[tilespmem:$0x1C300] =	vst v63  }
0x273: {  	s23 =	simm.s32 $0x2100  }
0x274: {  	[tilespmem:s23], [sflag:$0x1] =	stream.indirect.gather [hbm4b:s9+s25], $0x10, s25, s25, $0xb8;
	[tilespmem:$0x1C300] =	vst v63  }
0x275: {  	s28 =	simm.s32 $0x100;
	s29 =	simm.s32 $0x2900  }
0x276: {  	[tilespmem:s29], [sflag:$0x1] =	stream.indirect.gather [hbm4b:s9+s25], $0x10, s28, s25, $0xb8;
	[tilespmem:$0x1C300] =	vst v63  }
0x277: {  	s30 =	simm.s32 $0x180;
	s31 =	simm.s32 $0x3100  }
0x278: {  	[tilespmem:s31], [sflag:$0x1] =	stream.indirect.gather [hbm4b:s9+s25], $0x10, s30, s25, $0xb8;
	[tilespmem:$0x1C300] =	vst v63  }
0x279: {  	s17 =	simm.s32 $0x200;
	s23 =	simm.s32 $0x3900  }
0x27a: {  	[tilespmem:s23], [sflag:$0x1] =	stream.indirect.gather [hbm4b:s9+s25], $0x10, s17, s25, $0xb8;
	[tilespmem:$0x1C300] =	vst v63  }
0x27b: {  	s28 =	simm.s32 $0x280;
	s29 =	simm.s32 $0x4100  }
0x27c: {  	[tilespmem:s29], [sflag:$0x1] =	stream.indirect.gather [hbm4b:s9+s25], $0x10, s28, s25, $0xb8;
	[tilespmem:$0x1C300] =	vst v63  }
0x27d: {  	s30 =	simm.s32 $0x300;
	s31 =	simm.s32 $0x4900  }
0x27e: {  	[tilespmem:s31], [sflag:$0x1] =	stream.indirect.gather [hbm4b:s9+s25], $0x10, s30, s25, $0xb8;
	[tilespmem:$0x1C300] =	vst v63  }
0x27f: {  	s17 =	simm.s32 $0x380;
	s23 =	simm.s32 $0x5100  }
0x280: {  	[tilespmem:s23], [sflag:$0x1] =	stream.indirect.gather [hbm4b:s9+s25], $0x10, s17, s25, $0xb8;
	[tilespmem:$0x1C300] =	vst v63  }
0x281: {  	s28 =	simm.s32 $0x400;
	s29 =	simm.s32 $0x5900  }
0x282: {  	[tilespmem:s29], [sflag:$0x1] =	stream.indirect.gather [hbm4b:s9+s25], $0x10, s28, s25, $0xb8;
	[tilespmem:$0x1C300] =	vst v63  }
0x283: {  	s30 =	simm.s32 $0x480;
	s31 =	simm.s32 $0x6100  }
0x284: {  	[tilespmem:s31], [sflag:$0x1] =	stream.indirect.gather [hbm4b:s9+s25], $0x10, s30, s25, $0xb8;
	[tilespmem:$0x1C300] =	vst v63  }
0x285: {  	s17 =	simm.s32 $0x500;
	s23 =	simm.s32 $0x6900  }
0x286: {  	[tilespmem:s23], [sflag:$0x1] =	stream.indirect.gather [hbm4b:s9+s25], $0x10, s17, s25, $0xb8;
	[tilespmem:$0x1C300] =	vst v63  }
0x287: {  	s28 =	simm.s32 $0x580;
	s29 =	simm.s32 $0x7100  }
0x288: {  	[tilespmem:s29], [sflag:$0x1] =	stream.indirect.gather [hbm4b:s9+s25], $0x10, s28, s25, $0xb8;
	[tilespmem:$0x1C300] =	vst v63  }
0x289: {  	s30 =	simm.s32 $0x600;
	s31 =	simm.s32 $0x7900  }
0x28a: {  	[tilespmem:s31], [sflag:$0x1] =	stream.indirect.gather [hbm4b:s9+s25], $0x10, s30, s25, $0xb8;
	[tilespmem:$0x1C300] =	vst v63  }
0x28b: {  	s17 =	simm.s32 $0x680;
	s23 =	simm.s32 $0x8100  }
0x28c: {  	[tilespmem:s23], [sflag:$0x1] =	stream.indirect.gather [hbm4b:s9+s25], $0x10, s17, s25, $0xb8;
	[tilespmem:$0x1C300] =	vst v63  }
0x28d: {  	s28 =	simm.s32 $0x700;
	s29 =	simm.s32 $0x8900  }
0x28e: {  	[tilespmem:s29], [sflag:$0x1] =	stream.indirect.gather [hbm4b:s9+s25], $0x10, s28, s25, $0xb8;
	[tilespmem:$0x1C300] =	vst v63  }
0x28f: {  	s30 =	simm.s32 $0x780;
	s31 =	simm.s32 $0x9100  }
0x290: {  	[tilespmem:s31], [sflag:$0x1] =	stream.indirect.gather [hbm4b:s9+s25], $0x10, s30, s25, $0xb8;
	[tilespmem:$0x1C300] =	vst v63  }
0x291: {  	s17 =	simm.s32 $0x800;
	s23 =	simm.s32 $0x9900  }
0x292: {  	[tilespmem:s23], [sflag:$0x1] =	stream.indirect.gather [hbm4b:s9+s25], $0x10, s17, s25, $0xb8;
	[tilespmem:$0x1C300] =	vst v63  }
0x293: {  	s28 =	simm.s32 $0x880;
	s29 =	simm.s32 $0xA100  }
0x294: {  	[tilespmem:s29], [sflag:$0x1] =	stream.indirect.gather [hbm4b:s9+s25], $0x10, s28, s25, $0xb8;
	[tilespmem:$0x1C300] =	vst v63  }
0x295: {  	s30 =	simm.s32 $0x900;
	s31 =	simm.s32 $0xA900  }
0x296: {  	[tilespmem:s31], [sflag:$0x1] =	stream.indirect.gather [hbm4b:s9+s25], $0x10, s30, s25, $0xb8;
	[tilespmem:$0x1C300] =	vst v63  }
0x297: {  	s17 =	simm.s32 $0x980;
	s23 =	simm.s32 $0xB100  }
0x298: {  	[tilespmem:s23], [sflag:$0x1] =	stream.indirect.gather [hbm4b:s9+s25], $0x10, s17, s25, $0xb8;
	[tilespmem:$0x1C300] =	vst v63  }
0x299: {  	s28 =	simm.s32 $0xA00;
	s29 =	simm.s32 $0xB900  }
0x29a: {  	[tilespmem:s29], [sflag:$0x1] =	stream.indirect.gather [hbm4b:s9+s25], $0x10, s28, s25, $0xb8;
	[tilespmem:$0x1C300] =	vst v63  }
0x29b: {  	s30 =	simm.s32 $0xA80;
	s31 =	simm.s32 $0xC100  }
0x29c: {  	[tilespmem:s31], [sflag:$0x1] =	stream.indirect.gather [hbm4b:s9+s25], $0x10, s30, s25, $0xb8;
	[tilespmem:$0x1C300] =	vst v63  }
0x29d: {  	s17 =	simm.s32 $0xB00;
	s23 =	simm.s32 $0xC900  }
0x29e: {  	[tilespmem:s23], [sflag:$0x1] =	stream.indirect.gather [hbm4b:s9+s25], $0x10, s17, s25, $0xb8;
	[tilespmem:$0x1C300] =	vst v63  }
0x29f: {  	s28 =	simm.s32 $0xB80;
	s29 =	simm.s32 $0xD100  }
0x2a0: {  	[tilespmem:s29], [sflag:$0x1] =	stream.indirect.gather [hbm4b:s9+s25], $0x10, s28, s25, $0xb8;
	[tilespmem:$0x1C300] =	vst v63  }
0x2a1: {  	s30 =	simm.s32 $0xC00;
	s31 =	simm.s32 $0xD900  }
0x2a2: {  	[tilespmem:s31], [sflag:$0x1] =	stream.indirect.gather [hbm4b:s9+s25], $0x10, s30, s25, $0xb8;
	[tilespmem:$0x1C300] =	vst v63  }
.LBB2_14:
0x2a3: {  	_ =	swait.ge [sflag:s4], $0x800  }
0x2a4: {  	[sflag:s4] =	ssyncset.done $0x0  }
0x2a5: {  	[sflag:s4] =	ssyncadd.s32 $0xFFFFF800  }
0x2a6: {  	_ =	swait.ge [sflag:s4], $0x800  }
0x2a7: {  	[sflag:s4] =	ssyncset.done $0x0  }
0x2a8: {  	[sflag:s4] =	ssyncadd.s32 $0xFFFFF800  }
0x2a9: {  	_ =	swait.ge [sflag:s4], $0x800  }
0x2aa: {  	[sflag:s4] =	ssyncset.done $0x0  }
0x2ab: {  	[sflag:s4] =	ssyncadd.s32 $0xFFFFF800  }
0x2ac: {  	_ =	swait.ge [sflag:s4], $0x800  }
0x2ad: {  	[sflag:s4] =	ssyncset.done $0x0  }
0x2ae: {  	[sflag:s4] =	ssyncadd.s32 $0xFFFFF800  }
0x2af: {  	_ =	swait.ge [sflag:s4], $0x800  }
0x2b0: {  	[sflag:s4] =	ssyncset.done $0x0  }
0x2b1: {  	[sflag:s4] =	ssyncadd.s32 $0xFFFFF800  }
0x2b2: {  	_ =	swait.ge [sflag:s4], $0x800  }
0x2b3: {  	[sflag:s4] =	ssyncset.done $0x0  }
0x2b4: {  	[sflag:s4] =	ssyncadd.s32 $0xFFFFF800  }
0x2b5: {  	_ =	swait.ge [sflag:s4], $0x800  }
0x2b6: {  	[sflag:s4] =	ssyncset.done $0x0  }
0x2b7: {  	[sflag:s4] =	ssyncadd.s32 $0xFFFFF800  }
0x2b8: {  	_ =	swait.ge [sflag:s4], $0x800  }
0x2b9: {  	[sflag:s4] =	ssyncset.done $0x0  }
0x2ba: {  	[sflag:s4] =	ssyncadd.s32 $0xFFFFF800  }
0x2bb: {  	_ =	swait.ge [sflag:s4], $0x800  }
0x2bc: {  	[sflag:s4] =	ssyncset.done $0x0  }
0x2bd: {  	[sflag:s4] =	ssyncadd.s32 $0xFFFFF800  }
0x2be: {  	_ =	swait.ge [sflag:s4], $0x800  }
0x2bf: {  	[sflag:s4] =	ssyncset.done $0x0  }
0x2c0: {  	[sflag:s4] =	ssyncadd.s32 $0xFFFFF800  }
0x2c1: {  	_ =	swait.ge [sflag:s4], $0x800  }
0x2c2: {  	[sflag:s4] =	ssyncset.done $0x0  }
0x2c3: {  	[sflag:s4] =	ssyncadd.s32 $0xFFFFF800  }
0x2c4: {  	_ =	swait.ge [sflag:s4], $0x800  }
0x2c5: {  	[sflag:s4] =	ssyncset.done $0x0  }
0x2c6: {  	[sflag:s4] =	ssyncadd.s32 $0xFFFFF800  }
0x2c7: {  	_ =	swait.ge [sflag:s4], $0x800  }
0x2c8: {  	[sflag:s4] =	ssyncset.done $0x0  }
0x2c9: {  	[sflag:s4] =	ssyncadd.s32 $0xFFFFF800  }
0x2ca: {  	_ =	swait.ge [sflag:s4], $0x800  }
0x2cb: {  	[sflag:s4] =	ssyncset.done $0x0  }
0x2cc: {  	[sflag:s4] =	ssyncadd.s32 $0xFFFFF800  }
0x2cd: {  	_ =	swait.ge [sflag:s4], $0x800  }
0x2ce: {  	[sflag:s4] =	ssyncset.done $0x0  }
0x2cf: {  	[sflag:s4] =	ssyncadd.s32 $0xFFFFF800  }
0x2d0: {  	_ =	swait.ge [sflag:s4], $0x800  }
0x2d1: {  	[sflag:s4] =	ssyncset.done $0x0  }
0x2d2: {  	[sflag:s4] =	ssyncadd.s32 $0xFFFFF800  }
0x2d3: {  	_ =	swait.ge [sflag:s4], $0x800  }
0x2d4: {  	[sflag:s4] =	ssyncset.done $0x0  }
0x2d5: {  	[sflag:s4] =	ssyncadd.s32 $0xFFFFF800  }
0x2d6: {  	_ =	swait.ge [sflag:s4], $0x800  }
0x2d7: {  	[sflag:s4] =	ssyncset.done $0x0  }
0x2d8: {  	[sflag:s4] =	ssyncadd.s32 $0xFFFFF800  }
0x2d9: {  	_ =	swait.ge [sflag:s4], $0x800  }
0x2da: {  	[sflag:s4] =	ssyncset.done $0x0  }
0x2db: {  	[sflag:s4] =	ssyncadd.s32 $0xFFFFF800  }
0x2dc: {  	_ =	swait.ge [sflag:s4], $0x800  }
0x2dd: {  	[sflag:s4] =	ssyncset.done $0x0  }
0x2de: {  	[sflag:s4] =	ssyncadd.s32 $0xFFFFF800  }
0x2df: {  	_ =	swait.ge [sflag:s4], $0x800  }
0x2e0: {  	[sflag:s4] =	ssyncset.done $0x0  }
0x2e1: {  	[sflag:s4] =	ssyncadd.s32 $0xFFFFF800  }
0x2e2: {  	_ =	swait.ge [sflag:s4], $0x800  }
0x2e3: {  	[sflag:s4] =	ssyncset.done $0x0  }
0x2e4: {  	[sflag:s4] =	ssyncadd.s32 $0xFFFFF800  }
0x2e5: {  	s0 =	simm.s32 $0x0;
	_ =	swait.ge [sflag:s4], $0x800  }
0x2e6: {  	v0 =	vmov s0;
	[sflag:s4] =	ssyncset.done $0x0  }
0x2e7: {  	v0 =	vshll.u32 v0, $0x4;
	[sflag:s4] =	ssyncadd.s32 $0xFFFFF800  }
0x2e8: {  	v0 =	vor.u32 v19, v0;
	_ =	swait.ge [sflag:s4], $0x800  }
0x2e9: {  	v1 =	vadd.s32 v20, v0;
	[sflag:s4] =	ssyncset.done $0x0  }
0x2ea: {  	v2 =	vor.u32 $0x1, v0;
	[sflag:s4] =	ssyncadd.s32 $0xFFFFF800  }
0x2eb: {  	v3 =	vor.u32 $0x2, v0;
	_ =	swait.ge [sflag:s4], $0x800  }
0x2ec: {  	v4 =	vor.u32 $0x3, v0;
	[sflag:s4] =	ssyncset.done $0x0  }
0x2ed: {  	v6 =	vor.u32 $0x5, v0;
	[sflag:s4] =	ssyncadd.s32 $0xFFFFF800  }
0x2ee: {  	v5 =	vor.u32 $0x4, v0;
	v1 =	vld.idx.msk [tilespmem:v1+s11+$0x0], $0xffff  }
0x2ef: {  	v40 =	vor.u32 $0x7, v0;
	v2 =	vld.idx.msk [tilespmem:v2+s11+$0x0], $0xffff  }
0x2f0: {  	v39 =	vor.u32 $0x6, v0;
	v3 =	vld.idx.msk [tilespmem:v3+s11+$0x0], $0xffff  }
0x2f1: {  	v42 =	vor.u32 $0x9, v0;
	v4 =	vld.idx.msk [tilespmem:v4+s11+$0x0], $0xffff  }
0x2f2: {  	v41 =	vor.u32 $0x8, v0;
	v6 =	vld.idx.msk [tilespmem:v6+s11+$0x0], $0xffff  }
0x2f3: {  	v44 =	vor.u32 $0xB, v0;
	v5 =	vld.idx.msk [tilespmem:v5+s11+$0x0], $0xffff  }
0x2f4: {  	v43 =	vor.u32 $0xA, v0;
	v40 =	vld.idx.msk [tilespmem:v40+s11+$0x0], $0xffff;
	v1 =	vmul.f32 v1, v21;
	v2 =	vmul.f32 v2, v22  }
0x2f5: {  	v45 =	vor.u32 $0xC, v0;
	v46 =	vor.u32 $0xD, v0;
	v39 =	vld.idx.msk [tilespmem:v39+s11+$0x0], $0xffff;
	v3 =	vmul.f32 v3, v23  }
0x2f6: {  	v42 =	vld.idx.msk [tilespmem:v42+s11+$0x0], $0xffff;
	v4 =	vmul.f32 v4, v24;
	v1 =	vadd.f32 v1, v37;
	v2 =	vadd.f32 $0.0e+00, v2  }
0x2f7: {  	v47 =	vor.u32 $0xF, v0;
	v0 =	vor.u32 $0xE, v0;
	v41 =	vld.idx.msk [tilespmem:v41+s11+$0x0], $0xffff;
	v48 =	vmul.f32 v6, v26  }
0x2f8: {  	v49 =	vld.idx.msk [tilespmem:v44+s11+$0x0], $0xffff;
	v1 =	vadd.f32 v3, v1;
	v3 =	vmul.f32 v5, v25;
	v2 =	vadd.f32 v4, v2  }
0x2f9: {  	v63 =	vld.idx.msk [tilespmem:v43+s11+$0x0], $0xffff;
	v51 =	vmul.f32 v40, v28  }
0x2fa: {  	v52 =	vld.idx.msk [tilespmem:v46+s11+$0x0], $0xffff;
	v1 =	vadd.f32 v3, v1;
	v3 =	vmul.f32 v39, v27;
	v2 =	vadd.f32 v48, v2  }
0x2fb: {  	v50 =	vld.idx.msk [tilespmem:v45+s11+$0x0], $0xffff;
	v54 =	vmul.f32 v42, v30  }
0x2fc: {  	v0 =	vld.idx.msk [tilespmem:v0+s11+$0x0], $0xffff;
	v1 =	vadd.f32 v3, v1;
	v3 =	vmul.f32 v41, v29;
	v2 =	vadd.f32 v51, v2  }
0x2fd: {  	v53 =	vld.idx.msk [tilespmem:v47+s11+$0x0], $0xffff;
	v55 =	vmul.f32 v49, v32  }
0x2fe: {  	s17 =	simm.s32 $0x10;
	v1 =	vadd.f32 v3, v1;
	v3 =	vmul.f32 v63, v31;
	v2 =	vadd.f32 v54, v2  }
0x2ff: {  	v57 =	vmov s17;
	v56 =	vmul.f32 v52, v34  }
0x300: {  	v1 =	vadd.f32 v3, v1;
	v3 =	vmul.f32 v50, v33;
	v2 =	vadd.f32 v55, v2  }
0x301: {  	v58 =	vshll.u32 v57, $0x4;
	v0 =	vmul.f32 v0, v35  }
0x302: {  	v1 =	vadd.f32 v3, v1;
	v3 =	vmul.f32 v53, v36;
	v2 =	vadd.f32 v56, v2  }
0x303: {  	v4 =	vor.u32 v19, v58  }
0x304: {  	v0 =	vadd.f32 v0, v1;
	v1 =	vadd.f32 v3, v2;
	v2 =	vadd.s32 v20, v4  }
0x305: {  	v3 =	vor.u32 $0x1, v4  }
0x306: {  	v59 =	vor.u32 $0x3, v4;
	v0 =	vadd.f32 v1, v0  }
0x307: {  	s30 =	simm.s32 $0x1A910;
	v61 =	vor.u32 $0x4, v4  }
0x308: {  	s23 =	simm.s32 $0x20;
	v1 =	vor.u32 $0x2, v4;
	[tilespmem:s30+$0xFFFFFFF0] =	vst v0  }
0x309: {  	v60 =	vmov s23;
	v0 =	vor.u32 $0x5, v4;
	v2 =	vld.idx.msk [tilespmem:v2+s11+$0x0], $0xffff  }
0x30a: {  	v6 =	vshll.u32 v60, $0x4;
	v62 =	vor.u32 $0x7, v4;
	v3 =	vld.idx.msk [tilespmem:v3+s11+$0x0], $0xffff  }
0x30b: {  	v40 =	vor.u32 v19, v6;
	v55 =	vor.u32 $0x9, v4;
	v5 =	vld.idx.msk [tilespmem:v59+s11+$0x0], $0xffff  }
0x30c: {  	v42 =	vadd.s32 v20, v40;
	v45 =	vor.u32 $0xE, v4;
	v56 =	vor.u32 $0x8, v4;
	v48 =	vld.idx.msk [tilespmem:v61+s11+$0x0], $0xffff  }
0x30d: {  	s17 =	simm.s32 $0x40;
	v46 =	vor.u32 $0xF, v4;
	v52 =	vor.u32 $0xB, v4;
	v63 =	vld.idx.msk [tilespmem:v1+s11+$0x0], $0xffff;
	v1 =	vor.u32 $0x6, v4  }
0x30e: {  	v47 =	vor.u32 $0xC, v4;
	v41 =	vor.u32 $0x1, v40;
	v49 =	vld.idx.msk [tilespmem:v0+s11+$0x0], $0xffff;
	v0 =	vmov s17  }
0x30f: {  	v54 =	vor.u32 $0xD, v4;
	v53 =	vor.u32 $0xA, v4;
	v50 =	vld.idx.msk [tilespmem:v62+s11+$0x0], $0xffff;
	v0 =	vshll.u32 v0, $0x4  }
0x310: {  	s29 =	simm.s32 $0x30;
	v55 =	vld.idx.msk [tilespmem:v55+s11+$0x0], $0xffff;
	v2 =	vmul.f32 v2, v21;
	v3 =	vmul.f32 v3, v22;
	v39 =	vor.u32 v19, v0  }
0x311: {  	s31 =	simm.s32 $0x70;
	s28 =	simm.s32 $0x1A930;
	s23 =	sshll.u32 s15, $0x6;
	v56 =	vld.idx.msk [tilespmem:v56+s11+$0x0], $0xffff;
	v58 =	vmul.f32 v5, v24;
	v44 =	vadd.s32 v20, v39;
	v43 =	vor.u32 $0x1, v39  }
0x312: {  	s15 =	sadd.s32 s16, s23;
	s23 =	simm.s32 $0x50;
	s17 =	simm.s32 $0x1A930;
	v51 =	vld.idx.msk [tilespmem:v1+s11+$0x0], $0xffff;
	v0 =	vadd.f32 v2, v37;
	v1 =	vadd.f32 $0.0e+00, v3;
	v57 =	vmul.f32 v63, v23  }
.LBB2_15:
0x313: {  	p1 =	sne.s32 s31, $0xC70  }
0x314: {  	s17 =	sadd.s32 $0x20, s17;
	v2 =	vmul.f32 v49, v26;
	v3 =	vld.idx.msk [tilespmem:v52+s11+$0x0], $0xffff;
	s0 =	smov.u32 s31;
	s31 =	sadd.s32 $0x20, s31  }
0x315: {  	v4 =	vmul.f32 v48, v25;
	v0 =	vadd.f32 v57, v0;
	v1 =	vadd.f32 v58, v1;
	v5 =	vld.idx.msk [tilespmem:v53+s11+$0x0], $0xffff  }
0x316: {  	v6 =	vmul.f32 v50, v28;
	v48 =	vld.idx.msk [tilespmem:v54+s11+$0x0], $0xffff  }
0x317: {  	v0 =	vadd.f32 v4, v0;
	v1 =	vadd.f32 v2, v1;
	v2 =	vmul.f32 v51, v27;
	v4 =	vld.idx.msk [tilespmem:v47+s11+$0x0], $0xffff  }
0x318: {  	v47 =	vmul.f32 v55, v30;
	v46 =	vld.idx.msk [tilespmem:v46+s11+$0x0], $0xffff  }
0x319: {  	v0 =	vadd.f32 v2, v0;
	v1 =	vadd.f32 v6, v1;
	v2 =	vmul.f32 v56, v29;
	v6 =	vld.idx.msk [tilespmem:v45+s11+$0x0], $0xffff  }
0x31a: {  	v3 =	vmul.f32 v3, v32  }
0x31b: {  	v0 =	vadd.f32 v2, v0;
	v1 =	vadd.f32 v47, v1;
	v2 =	vmul.f32 v5, v31  }
0x31c: {  	v5 =	vmul.f32 v48, v34  }
0x31d: {  	v0 =	vadd.f32 v2, v0;
	v1 =	vadd.f32 v3, v1;
	v2 =	vmul.f32 v4, v33  }
0x31e: {  	v3 =	vmul.f32 v46, v36  }
0x31f: {  	v0 =	vadd.f32 v2, v0;
	v1 =	vadd.f32 v5, v1;
	v2 =	vmul.f32 v6, v35;
	_ =	sdelay $0x1  }
0x320: {  	v0 =	vadd.f32 v2, v0;
	v1 =	vadd.f32 v3, v1;
	_ =	sdelay $0x1  }
0x321: {  	v2 =	vor.u32 $0x2, v40;
	v0 =	vadd.f32 v1, v0  }
0x322: {  	v1 =	vor.u32 $0x3, v40  }
0x323: {  	v3 =	vor.u32 $0x4, v40;
	[tilespmem:s30+$0x0] =	vst v0;
	s30 =	smov.u32 s28;
	s28 =	smov.u32 s17  }
0x324: {  	v4 =	vor.u32 $0x5, v40;
	v0 =	vld.idx.msk [tilespmem:v42+s11+$0x0], $0xffff;
	v42 =	vmov v44  }
0x325: {  	v6 =	vor.u32 $0x6, v40;
	v5 =	vld.idx.msk [tilespmem:v41+s11+$0x0], $0xffff;
	v41 =	vmov v43  }
0x326: {  	v43 =	vor.u32 $0x7, v40;
	v2 =	vld.idx.msk [tilespmem:v2+s11+$0x0], $0xffff  }
0x327: {  	v44 =	vor.u32 $0x8, v40;
	v1 =	vld.idx.msk [tilespmem:v1+s11+$0x0], $0xffff  }
0x328: {  	v45 =	vor.u32 $0x9, v40;
	v3 =	vld.idx.msk [tilespmem:v3+s11+$0x0], $0xffff  }
0x329: {  	v46 =	vor.u32 $0xA, v40;
	v4 =	vld.idx.msk [tilespmem:v4+s11+$0x0], $0xffff  }
0x32a: {  	v47 =	vor.u32 $0xB, v40;
	v0 =	vmul.f32 v0, v21;
	v6 =	vld.idx.msk [tilespmem:v6+s11+$0x0], $0xffff  }
0x32b: {  	v48 =	vor.u32 $0xC, v40;
	v5 =	vmul.f32 v5, v22;
	v43 =	vld.idx.msk [tilespmem:v43+s11+$0x0], $0xffff  }
0x32c: {  	v49 =	vor.u32 $0xD, v40;
	v0 =	vadd.f32 v0, v37;
	v2 =	vmul.f32 v2, v23;
	v44 =	vld.idx.msk [tilespmem:v44+s11+$0x0], $0xffff  }
0x32d: {  	v50 =	vor.u32 $0xF, v40;
	v5 =	vadd.f32 $0.0e+00, v5;
	v1 =	vmul.f32 v1, v24;
	v45 =	vld.idx.msk [tilespmem:v45+s11+$0x0], $0xffff  }
0x32e: {  	v0 =	vadd.f32 v2, v0;
	v2 =	vmul.f32 v3, v25;
	v3 =	vld.idx.msk [tilespmem:v46+s11+$0x0], $0xffff;
	v46 =	vor.u32 $0xE, v40;
	v40 =	vmovc v39  }
0x32f: {  	v1 =	vadd.f32 v1, v5;
	v4 =	vmul.f32 v4, v26;
	v5 =	vld.idx.msk [tilespmem:v47+s11+$0x0], $0xffff  }
0x330: {  	v0 =	vadd.f32 v2, v0;
	v2 =	vmul.f32 v6, v27;
	v6 =	vld.idx.msk [tilespmem:v48+s11+$0x0], $0xffff  }
0x331: {  	v1 =	vadd.f32 v4, v1;
	v4 =	vmul.f32 v43, v28;
	v39 =	vld.idx.msk [tilespmem:v49+s11+$0x0], $0xffff  }
0x332: {  	v0 =	vadd.f32 v2, v0;
	v2 =	vmul.f32 v44, v29;
	v43 =	vld.idx.msk [tilespmem:v50+s11+$0x0], $0xffff  }
0x333: {  	v1 =	vadd.f32 v4, v1;
	v4 =	vmul.f32 v45, v30;
	v44 =	vld.idx.msk [tilespmem:v46+s11+$0x0], $0xffff  }
0x334: {  	v0 =	vadd.f32 v2, v0;
	v2 =	vmul.f32 v3, v31  }
0x335: {  	v1 =	vadd.f32 v4, v1;
	v3 =	vmul.f32 v5, v32  }
0x336: {  	v0 =	vadd.f32 v2, v0;
	v2 =	vmul.f32 v6, v33  }
0x337: {  	v1 =	vadd.f32 v3, v1;
	v3 =	vmul.f32 v39, v34  }
0x338: {  	v4 =	vmov s29;
	s29 =	smov.u32 s23;
	s23 =	smov.u32 s0;
	v0 =	vadd.f32 v2, v0;
	v2 =	vmul.f32 v43, v36  }
0x339: {  	v4 =	vshll.u32 v4, $0x4;
	v1 =	vadd.f32 v3, v1;
	v3 =	vmul.f32 v44, v35  }
0x33a: {  	v4 =	vor.u32 v19, v4  }
0x33b: {  	v0 =	vadd.f32 v3, v0;
	v1 =	vadd.f32 v2, v1;
	v2 =	vadd.s32 v20, v4  }
0x33c: {  	v45 =	vor.u32 $0xE, v4;
	v3 =	vor.u32 $0x1, v4  }
0x33d: {  	v0 =	vadd.f32 v1, v0;
	v1 =	vor.u32 $0x2, v4  }
0x33e: {  	v5 =	vor.u32 $0x3, v4  }
0x33f: {  	[tilespmem:s30+$0xFFFFFFF0] =	vst v0;
	v0 =	vor.u32 $0x5, v4  }
0x340: {  	v6 =	vor.u32 $0x4, v4;
	v2 =	vld.idx.msk [tilespmem:v2+s11+$0x0], $0xffff  }
0x341: {  	v39 =	vor.u32 $0x7, v4;
	v3 =	vld.idx.msk [tilespmem:v3+s11+$0x0], $0xffff  }
0x342: {  	v56 =	vld.idx.msk [tilespmem:v1+s11+$0x0], $0xffff;
	v1 =	vor.u32 $0x6, v4  }
0x343: {  	v55 =	vor.u32 $0x9, v4;
	v5 =	vld.idx.msk [tilespmem:v5+s11+$0x0], $0xffff  }
0x344: {  	s0 =	sadd.s32 $0xFFFFFFF0, s23;
	v59 =	vor.u32 $0x8, v4;
	v46 =	vor.u32 $0xF, v4;
	v49 =	vld.idx.msk [tilespmem:v0+s11+$0x0], $0xffff  }
.Ltmp11:
0x345: {  	v52 =	vor.u32 $0xB, v4;
	v47 =	vor.u32 $0xC, v4;
	v0 =	vmov s0;
	v48 =	vld.idx.msk [tilespmem:v6+s11+$0x0], $0xffff;
	(pc) =	sbr.rel @p1 .LBB2_15-.Ltmp11, $4  }
0x346: {  	v53 =	vor.u32 $0xA, v4;
	v0 =	vshll.u32 v0, $0x4;
	v2 =	vmul.f32 v2, v21;
	v50 =	vld.idx.msk [tilespmem:v39+s11+$0x0], $0xffff  }
0x347: {  	v54 =	vor.u32 $0xD, v4;
	v39 =	vor.u32 v19, v0;
	v3 =	vmul.f32 v3, v22;
	v51 =	vld.idx.msk [tilespmem:v1+s11+$0x0], $0xffff  }
0x348: {  	v44 =	vadd.s32 v20, v39;
	v43 =	vor.u32 $0x1, v39;
	v0 =	vadd.f32 v2, v37;
	v55 =	vld.idx.msk [tilespmem:v55+s11+$0x0], $0xffff  }
0x349: {  	v57 =	vmul.f32 v56, v23;
	v1 =	vadd.f32 $0.0e+00, v3;
	v58 =	vmul.f32 v5, v24;
	v56 =	vld.idx.msk [tilespmem:v59+s11+$0x0], $0xffff  }
0x34a: {  	_ =	sdelay $0x2  }
0x34b: {  	v2 =	vmul.f32 v49, v26  }
0x34c: {  	v3 =	vld.idx.msk [tilespmem:v52+s11+$0x0], $0xffff;
	v4 =	vmul.f32 v48, v25;
	v0 =	vadd.f32 v57, v0;
	v1 =	vadd.f32 v58, v1  }
0x34d: {  	v5 =	vld.idx.msk [tilespmem:v53+s11+$0x0], $0xffff;
	v6 =	vmul.f32 v50, v28  }
0x34e: {  	v59 =	vld.idx.msk [tilespmem:v54+s11+$0x0], $0xffff;
	v60 =	vmul.f32 v51, v27;
	v0 =	vadd.f32 v4, v0;
	v1 =	vadd.f32 v2, v1  }
0x34f: {  	v61 =	vld.idx.msk [tilespmem:v47+s11+$0x0], $0xffff;
	v62 =	vmul.f32 v55, v30  }
0x350: {  	v46 =	vld.idx.msk [tilespmem:v46+s11+$0x0], $0xffff;
	v63 =	vmul.f32 v56, v29;
	v0 =	vadd.f32 v60, v0;
	v1 =	vadd.f32 v6, v1  }
0x351: {  	v45 =	vld.idx.msk [tilespmem:v45+s11+$0x0], $0xffff;
	v3 =	vmul.f32 v3, v32  }
0x352: {  	v47 =	vmul.f32 v5, v31;
	v0 =	vadd.f32 v63, v0;
	v1 =	vadd.f32 v62, v1  }
0x353: {  	v48 =	vmul.f32 v59, v34  }
0x354: {  	v49 =	vmul.f32 v61, v33;
	v0 =	vadd.f32 v47, v0;
	v1 =	vadd.f32 v3, v1  }
0x355: {  	v50 =	vmul.f32 v46, v36  }
0x356: {  	v51 =	vmul.f32 v45, v35;
	v0 =	vadd.f32 v49, v0;
	v1 =	vadd.f32 v48, v1;
	_ =	sdelay $0x1  }
0x357: {  	v0 =	vadd.f32 v51, v0;
	v1 =	vadd.f32 v50, v1;
	_ =	sdelay $0x1  }
0x358: {  	v52 =	vor.u32 $0x2, v40;
	v0 =	vadd.f32 v1, v0  }
0x359: {  	v53 =	vor.u32 $0x3, v40  }
0x35a: {  	v54 =	vor.u32 $0x4, v40;
	[tilespmem:s30+$0x0] =	vst v0  }
0x35b: {  	v55 =	vor.u32 $0x5, v40;
	v0 =	vld.idx.msk [tilespmem:v42+s11+$0x0], $0xffff  }
0x35c: {  	v57 =	vor.u32 $0x6, v40;
	v56 =	vld.idx.msk [tilespmem:v41+s11+$0x0], $0xffff  }
0x35d: {  	v58 =	vor.u32 $0x7, v40;
	v2 =	vld.idx.msk [tilespmem:v52+s11+$0x0], $0xffff  }
0x35e: {  	v59 =	vor.u32 $0x8, v40;
	v1 =	vld.idx.msk [tilespmem:v53+s11+$0x0], $0xffff  }
0x35f: {  	v60 =	vor.u32 $0x9, v40;
	v3 =	vld.idx.msk [tilespmem:v54+s11+$0x0], $0xffff  }
0x360: {  	v61 =	vor.u32 $0xA, v40;
	v4 =	vld.idx.msk [tilespmem:v55+s11+$0x0], $0xffff  }
0x361: {  	v62 =	vor.u32 $0xB, v40;
	v6 =	vld.idx.msk [tilespmem:v57+s11+$0x0], $0xffff;
	v0 =	vmul.f32 v0, v21;
	v5 =	vmul.f32 v56, v22  }
0x362: {  	v63 =	vor.u32 $0xC, v40;
	v41 =	vld.idx.msk [tilespmem:v58+s11+$0x0], $0xffff;
	v52 =	vor.u32 $0xD, v40;
	v2 =	vmul.f32 v2, v23  }
0x363: {  	v42 =	vld.idx.msk [tilespmem:v59+s11+$0x0], $0xffff;
	v1 =	vmul.f32 v1, v24;
	v0 =	vadd.f32 v0, v37;
	v5 =	vadd.f32 $0.0e+00, v5  }
0x364: {  	v45 =	vld.idx.msk [tilespmem:v60+s11+$0x0], $0xffff;
	v53 =	vor.u32 $0xF, v40;
	v54 =	vmul.f32 v3, v25;
	v56 =	vor.u32 $0xE, v40  }
0x365: {  	v55 =	vld.idx.msk [tilespmem:v61+s11+$0x0], $0xffff;
	v4 =	vmul.f32 v4, v26;
	v0 =	vadd.f32 v2, v0;
	v1 =	vadd.f32 v1, v5  }
0x366: {  	v57 =	vld.idx.msk [tilespmem:v62+s11+$0x0], $0xffff;
	v58 =	vmul.f32 v6, v27  }
0x367: {  	v59 =	vld.idx.msk [tilespmem:v63+s11+$0x0], $0xffff;
	v60 =	vmul.f32 v41, v28;
	v0 =	vadd.f32 v54, v0;
	v1 =	vadd.f32 v4, v1  }
0x368: {  	v61 =	vld.idx.msk [tilespmem:v52+s11+$0x0], $0xffff;
	v62 =	vmul.f32 v42, v29  }
0x369: {  	v63 =	vld.idx.msk [tilespmem:v53+s11+$0x0], $0xffff;
	v45 =	vmul.f32 v45, v30;
	v0 =	vadd.f32 v58, v0;
	v1 =	vadd.f32 v60, v1  }
0x36a: {  	v46 =	vmul.f32 v55, v31;
	v40 =	vld.idx.msk [tilespmem:v56+s11+$0x0], $0xffff  }
0x36b: {  	v47 =	vmul.f32 v57, v32;
	v0 =	vadd.f32 v62, v0;
	v1 =	vadd.f32 v45, v1  }
0x36c: {  	v51 =	vmov s29;
	v48 =	vmul.f32 v59, v33  }
0x36d: {  	v49 =	vmul.f32 v61, v34;
	v0 =	vadd.f32 v46, v0;
	v1 =	vadd.f32 v47, v1  }
0x36e: {  	v50 =	vmul.f32 v63, v36;
	v4 =	vshll.u32 v51, $0x4  }
0x36f: {  	v52 =	vmul.f32 v40, v35;
	v0 =	vadd.f32 v48, v0;
	v1 =	vadd.f32 v49, v1  }
0x370: {  	v4 =	vor.u32 v19, v4  }
0x371: {  	v53 =	vadd.s32 v20, v4;
	v0 =	vadd.f32 v52, v0;
	v1 =	vadd.f32 v50, v1  }
0x372: {  	v54 =	vor.u32 $0x1, v4  }
0x373: {  	v55 =	vor.u32 $0x2, v4;
	v0 =	vadd.f32 v1, v0  }
0x374: {  	v56 =	vor.u32 $0x3, v4  }
0x375: {  	v57 =	vor.u32 $0x5, v4;
	[tilespmem:s28+$0xFFFFFFF0] =	vst v0  }
0x376: {  	v58 =	vor.u32 $0x4, v4;
	v2 =	vld.idx.msk [tilespmem:v53+s11+$0x0], $0xffff  }
0x377: {  	v59 =	vor.u32 $0x7, v4;
	v3 =	vld.idx.msk [tilespmem:v54+s11+$0x0], $0xffff  }
0x378: {  	v60 =	vor.u32 $0x6, v4;
	v1 =	vld.idx.msk [tilespmem:v55+s11+$0x0], $0xffff  }
0x379: {  	v61 =	vor.u32 $0x9, v4;
	v5 =	vld.idx.msk [tilespmem:v56+s11+$0x0], $0xffff  }
0x37a: {  	v62 =	vor.u32 $0x8, v4;
	v0 =	vld.idx.msk [tilespmem:v57+s11+$0x0], $0xffff  }
0x37b: {  	v63 =	vor.u32 $0xB, v4;
	v6 =	vld.idx.msk [tilespmem:v58+s11+$0x0], $0xffff  }
0x37c: {  	v52 =	vor.u32 $0xA, v4;
	v40 =	vld.idx.msk [tilespmem:v59+s11+$0x0], $0xffff;
	v2 =	vmul.f32 v2, v21;
	v3 =	vmul.f32 v3, v22  }
0x37d: {  	v53 =	vor.u32 $0xC, v4;
	v41 =	vld.idx.msk [tilespmem:v60+s11+$0x0], $0xffff;
	v54 =	vor.u32 $0xD, v4;
	v1 =	vmul.f32 v1, v23  }
0x37e: {  	v42 =	vld.idx.msk [tilespmem:v61+s11+$0x0], $0xffff;
	v5 =	vmul.f32 v5, v24;
	v2 =	vadd.f32 v2, v37;
	v3 =	vadd.f32 $0.0e+00, v3  }
0x37f: {  	v55 =	vor.u32 $0xE, v4;
	v4 =	vor.u32 $0xF, v4;
	v45 =	vld.idx.msk [tilespmem:v62+s11+$0x0], $0xffff;
	v0 =	vmul.f32 v0, v26  }
0x380: {  	v46 =	vld.idx.msk [tilespmem:v63+s11+$0x0], $0xffff;
	v57 =	vmul.f32 v6, v25;
	v1 =	vadd.f32 v1, v2;
	v56 =	vadd.f32 v5, v3  }
0x381: {  	v58 =	vld.idx.msk [tilespmem:v52+s11+$0x0], $0xffff;
	v59 =	vmul.f32 v40, v28  }
0x382: {  	v60 =	vld.idx.msk [tilespmem:v54+s11+$0x0], $0xffff;
	v61 =	vmul.f32 v41, v27;
	v1 =	vadd.f32 v57, v1;
	v0 =	vadd.f32 v0, v56  }
0x383: {  	v62 =	vld.idx.msk [tilespmem:v53+s11+$0x0], $0xffff;
	v63 =	vmul.f32 v42, v30  }
0x384: {  	v4 =	vld.idx.msk [tilespmem:v4+s11+$0x0], $0xffff;
	v47 =	vmul.f32 v45, v29;
	v1 =	vadd.f32 v61, v1;
	v0 =	vadd.f32 v59, v0  }
0x385: {  	v48 =	vld.idx.msk [tilespmem:v55+s11+$0x0], $0xffff;
	v49 =	vmul.f32 v46, v32  }
0x386: {  	v50 =	vmul.f32 v58, v31;
	v1 =	vadd.f32 v47, v1;
	v0 =	vadd.f32 v63, v0  }
0x387: {  	v51 =	vmul.f32 v60, v34  }
0x388: {  	v52 =	vmul.f32 v62, v33;
	v1 =	vadd.f32 v50, v1;
	v0 =	vadd.f32 v49, v0  }
0x389: {  	v53 =	vmul.f32 v4, v36  }
0x38a: {  	v54 =	vmul.f32 v48, v35;
	v1 =	vadd.f32 v52, v1;
	v0 =	vadd.f32 v51, v0;
	_ =	sdelay $0x1  }
0x38b: {  	v1 =	vadd.f32 v54, v1;
	v0 =	vadd.f32 v53, v0;
	_ =	sdelay $0x1  }
0x38c: {  	v55 =	vor.u32 $0x2, v39;
	v0 =	vadd.f32 v0, v1  }
0x38d: {  	v56 =	vor.u32 $0x3, v39  }
0x38e: {  	v57 =	vor.u32 $0x4, v39;
	[tilespmem:s28+$0x0] =	vst v0  }
0x38f: {  	v58 =	vor.u32 $0x5, v39;
	v0 =	vld.idx.msk [tilespmem:v44+s11+$0x0], $0xffff  }
0x390: {  	v60 =	vor.u32 $0x6, v39;
	v59 =	vld.idx.msk [tilespmem:v43+s11+$0x0], $0xffff  }
0x391: {  	v61 =	vor.u32 $0x7, v39;
	v2 =	vld.idx.msk [tilespmem:v55+s11+$0x0], $0xffff  }
0x392: {  	v62 =	vor.u32 $0x8, v39;
	v1 =	vld.idx.msk [tilespmem:v56+s11+$0x0], $0xffff  }
0x393: {  	v63 =	vor.u32 $0x9, v39;
	v3 =	vld.idx.msk [tilespmem:v57+s11+$0x0], $0xffff  }
0x394: {  	v48 =	vor.u32 $0xA, v39;
	v4 =	vld.idx.msk [tilespmem:v58+s11+$0x0], $0xffff  }
0x395: {  	v49 =	vor.u32 $0xB, v39;
	v6 =	vld.idx.msk [tilespmem:v60+s11+$0x0], $0xffff  }
0x396: {  	v50 =	vor.u32 $0xC, v39;
	v40 =	vld.idx.msk [tilespmem:v61+s11+$0x0], $0xffff;
	v0 =	vmul.f32 v0, v21;
	v5 =	vmul.f32 v59, v22  }
0x397: {  	v51 =	vor.u32 $0xD, v39;
	v52 =	vor.u32 $0xF, v39;
	v41 =	vld.idx.msk [tilespmem:v62+s11+$0x0], $0xffff;
	v2 =	vmul.f32 v2, v23  }
0x398: {  	v42 =	vld.idx.msk [tilespmem:v63+s11+$0x0], $0xffff;
	v1 =	vmul.f32 v1, v24;
	v0 =	vadd.f32 v0, v37;
	v5 =	vadd.f32 $0.0e+00, v5  }
0x399: {  	v54 =	vld.idx.msk [tilespmem:v48+s11+$0x0], $0xffff;
	v55 =	vor.u32 $0xE, v39;
	v53 =	vmul.f32 v3, v25  }
0x39a: {  	v56 =	vld.idx.msk [tilespmem:v49+s11+$0x0], $0xffff;
	v4 =	vmul.f32 v4, v26;
	v0 =	vadd.f32 v2, v0;
	v1 =	vadd.f32 v1, v5  }
0x39b: {  	v58 =	vld.idx.msk [tilespmem:v50+s11+$0x0], $0xffff;
	v57 =	vmul.f32 v6, v27  }
0x39c: {  	v60 =	vld.idx.msk [tilespmem:v51+s11+$0x0], $0xffff;
	v59 =	vmul.f32 v40, v28;
	v0 =	vadd.f32 v53, v0;
	v1 =	vadd.f32 v4, v1  }
0x39d: {  	v62 =	vld.idx.msk [tilespmem:v52+s11+$0x0], $0xffff;
	v61 =	vmul.f32 v41, v29  }
0x39e: {  	v63 =	vmul.f32 v42, v30;
	v39 =	vld.idx.msk [tilespmem:v55+s11+$0x0], $0xffff;
	v0 =	vadd.f32 v57, v0;
	v1 =	vadd.f32 v59, v1  }
0x39f: {  	v42 =	vmul.f32 v54, v31  }
0x3a0: {  	v43 =	vmul.f32 v56, v32;
	v0 =	vadd.f32 v61, v0;
	v1 =	vadd.f32 v63, v1  }
0x3a1: {  	v44 =	vmul.f32 v58, v33  }
0x3a2: {  	v45 =	vmul.f32 v60, v34;
	v0 =	vadd.f32 v42, v0;
	v1 =	vadd.f32 v43, v1  }
0x3a3: {  	v47 =	vmov s23;
	v46 =	vmul.f32 v62, v36;
	v48 =	vmul.f32 v39, v35  }
0x3a4: {  	v4 =	vshll.u32 v47, $0x4;
	v0 =	vadd.f32 v44, v0;
	v1 =	vadd.f32 v45, v1  }
0x3a5: {  	v4 =	vor.u32 v19, v4  }
0x3a6: {  	v49 =	vadd.s32 v20, v4;
	v0 =	vadd.f32 v48, v0;
	v1 =	vadd.f32 v46, v1  }
0x3a7: {  	v50 =	vor.u32 $0x1, v4  }
0x3a8: {  	v51 =	vor.u32 $0x2, v4;
	v0 =	vadd.f32 v1, v0  }
0x3a9: {  	s0 =	sadd.s32 $0x20, s17;
	v52 =	vor.u32 $0x3, v4  }
0x3aa: {  	v53 =	vor.u32 $0x5, v4;
	[tilespmem:s0+$0xFFFFFFF0] =	vst v0  }
0x3ab: {  	v54 =	vor.u32 $0x4, v4;
	v2 =	vld.idx.msk [tilespmem:v49+s11+$0x0], $0xffff  }
0x3ac: {  	v55 =	vor.u32 $0x7, v4;
	v3 =	vld.idx.msk [tilespmem:v50+s11+$0x0], $0xffff  }
0x3ad: {  	v56 =	vor.u32 $0x6, v4;
	v1 =	vld.idx.msk [tilespmem:v51+s11+$0x0], $0xffff  }
0x3ae: {  	v57 =	vor.u32 $0x9, v4;
	v5 =	vld.idx.msk [tilespmem:v52+s11+$0x0], $0xffff  }
0x3af: {  	v58 =	vor.u32 $0x8, v4;
	v0 =	vld.idx.msk [tilespmem:v53+s11+$0x0], $0xffff  }
0x3b0: {  	v59 =	vor.u32 $0xB, v4;
	v6 =	vld.idx.msk [tilespmem:v54+s11+$0x0], $0xffff  }
0x3b1: {  	v60 =	vor.u32 $0xA, v4;
	v39 =	vld.idx.msk [tilespmem:v55+s11+$0x0], $0xffff;
	v2 =	vmul.f32 v2, v21;
	v3 =	vmul.f32 v3, v22  }
0x3b2: {  	v62 =	vor.u32 $0xD, v4;
	v61 =	vor.u32 $0xC, v4;
	v40 =	vld.idx.msk [tilespmem:v56+s11+$0x0], $0xffff;
	v1 =	vmul.f32 v1, v23  }
0x3b3: {  	v41 =	vld.idx.msk [tilespmem:v57+s11+$0x0], $0xffff;
	v5 =	vmul.f32 v5, v24;
	v2 =	vadd.f32 v2, v37;
	v3 =	vadd.f32 $0.0e+00, v3  }
0x3b4: {  	v63 =	vor.u32 $0xE, v4;
	v4 =	vor.u32 $0xF, v4;
	v42 =	vld.idx.msk [tilespmem:v58+s11+$0x0], $0xffff;
	v0 =	vmul.f32 v0, v26  }
0x3b5: {  	v43 =	vld.idx.msk [tilespmem:v59+s11+$0x0], $0xffff;
	v49 =	vmul.f32 v6, v25;
	v1 =	vadd.f32 v1, v2;
	v48 =	vadd.f32 v5, v3  }
0x3b6: {  	v50 =	vld.idx.msk [tilespmem:v60+s11+$0x0], $0xffff;
	v51 =	vmul.f32 v39, v28  }
0x3b7: {  	v52 =	vld.idx.msk [tilespmem:v62+s11+$0x0], $0xffff;
	v53 =	vmul.f32 v40, v27;
	v1 =	vadd.f32 v49, v1;
	v0 =	vadd.f32 v0, v48  }
0x3b8: {  	v54 =	vld.idx.msk [tilespmem:v61+s11+$0x0], $0xffff;
	v55 =	vmul.f32 v41, v30  }
0x3b9: {  	v4 =	vld.idx.msk [tilespmem:v4+s11+$0x0], $0xffff;
	v56 =	vmul.f32 v42, v29;
	v1 =	vadd.f32 v53, v1;
	v0 =	vadd.f32 v51, v0  }
0x3ba: {  	v57 =	vld.idx.msk [tilespmem:v63+s11+$0x0], $0xffff;
	v58 =	vmul.f32 v43, v32  }
0x3bb: {  	v59 =	vmul.f32 v50, v31;
	v1 =	vadd.f32 v56, v1;
	v0 =	vadd.f32 v55, v0  }
0x3bc: {  	v60 =	vmul.f32 v52, v34  }
0x3bd: {  	v61 =	vmul.f32 v54, v33;
	v1 =	vadd.f32 v59, v1;
	v0 =	vadd.f32 v58, v0  }
0x3be: {  	v62 =	vmul.f32 v4, v36  }
0x3bf: {  	v63 =	vmul.f32 v57, v35;
	v1 =	vadd.f32 v61, v1;
	v0 =	vadd.f32 v60, v0;
	_ =	sdelay $0x1  }
0x3c0: {  	v1 =	vadd.f32 v63, v1;
	v0 =	vadd.f32 v62, v0;
	_ =	sdelay $0x1  }
0x3c1: {  	v0 =	vadd.f32 v0, v1;
	_ =	sdelay $0x1  }
0x3c2: {  	s17 =	simm.s32 $0x0;
	s23 =	simm.s32 $0x0;
	[tilespmem:s0+$0x0] =	vst v0  }
.LBB2_17:
0x3c3: {  	s0 =	smul.u32 $0x32, s23;
	_ =	sdelay $0x1  }
0x3c4: {  	v0 =	vadd.s32 s0, v16;
	s28 =	sadd.s32 $0x10, s0  }
0x3c5: {  	s31 =	sadd.s32 $0x20, s0;
	s29 =	sadd.s32 $0x30, s0;
	v1 =	vadd.s32 s28, v16  }
0x3c6: {  	v2 =	vadd.s32 s31, v16;
	v3 =	vor.u32 s29, v16  }
0x3c7: {  	v3 =	vsel vm0, s0, v3;
	_ =	sdelay $0x1  }
0x3c8: {  	v4 =	vld.idx.msk [tilespmem:v0+s10+$0x0], $0xffff  }
0x3c9: {  	v5 =	vld.idx.msk [tilespmem:v1+s10+$0x0], $0xffff  }
0x3ca: {  	v6 =	vld.idx.msk [tilespmem:v2+s10+$0x0], $0xffff  }
0x3cb: {  	v39 =	vld.idx.msk [tilespmem:v3+s10+$0x0], $0xffff;
	_ =	sdelay $0x3  }
0x3cc: {  	vm3 =	vne.s32 v4, $0x0;
	vm4 =	vne.s32 v5, $0x0;
	vm5 =	vne.s32 v6, $0x0  }
0x3cd: {  	v4 =	vmpcnt.ones.xlane vm3;
	vm6 =	vne.s32 v39, $0x0;
	v5 =	vmpcnt.ones.xlane vm4  }
0x3ce: {  	v49 =	vld.idx.msk [tilespmem:v0+s1+$0x0], $0xffff;
	v6 =	vmpcnt.ones.xlane vm5;
	vm6 =	vmand vm6, vm1  }
0x3cf: {  	v40 =	vld.idx.msk [tilespmem:v1+s1+$0x0], $0xffff;
	v4 =	vadd.s32 v4, v5;
	v50 =	vmpcnt.ones.xlane vm6  }
0x3d0: {  	v51 =	vld.idx.msk [tilespmem:v2+s1+$0x0], $0xffff;
	v4 =	vadd.s32 v6, v4  }
0x3d1: {  	v52 =	vld.idx.msk [tilespmem:v3+s1+$0x0], $0xffff;
	v4 =	vadd.s32 v50, v4  }
0x3d2: {  	vm7 =	vgt.s32 v4, $0x0  }
0x3d3: {  	vm8 =	vmneg vm7  }
0x3d4: {  	vm3 =	vmand vm7, vm3;
	vm15 =	vmand vm8, vm2  }
0x3d5: {  	v54 =	vnsel vm4, $0xFF800000, v40;
	vm3 =	vmor vm3, vm15  }
0x3d6: {  	v5 =	vnsel vm6, $0xFF800000, v52;
	v6 =	vnsel vm5, $0xFF800000, v51;
	v53 =	vnsel vm3, $0xFF800000, v49  }
0x3d7: {  	v41 =	vmax.f32 v6, v5;
	v40 =	vmax.f32 v53, v54  }
0x3d8: {  	v40 =	vmax.f32 v40, v41  }
0x3d9: {  	(xrf0) =	vmax.scan.msk.f32 $0xffff, v40;
	_ =	sdelay $0x5  }
0x3da: {  	v40, _, _ =	vpop (xrf0)  }
0x3db: {  	v40 =	vbroadcast v40, $0xF;
	_ =	sdelay $0x1  }
0x3dc: {  	v4 =	vsub.f32 v53, v40  }
0x3dd: {  	v39 =	vsub.f32 v54, v40  }
0x3de: {  	v4 =	vmul.f32 $1.442695020e+00, v4  }
0x3df: {  	v6 =	vsub.f32 v6, v40;
	v39 =	vmul.f32 $1.442695020e+00, v39  }
0x3e0: {  	(erf) = vpow2.f32 v4  }
0x3e1: {  	v5 =	vsub.f32 v5, v40;
	v55 =	vmul.f32 $1.442695020e+00, v6;
	(erf) = vpow2.f32 v39;
	_ =	sdelay $0x1  }
0x3e2: {  	v56 =	vmul.f32 $1.442695020e+00, v5;
	(erf) = vpow2.f32 v55;
	_ =	sdelay $0x1  }
0x3e3: {  	(erf) = vpow2.f32 v56;
	_ =	sdelay $0x3  }
0x3e4: {  	v57 =	vpop (erf)  }
0x3e5: {  	v58 =	vpop (erf)  }
0x3e6: {  	v59 =	vadd.f32 v58, v57  }
0x3e7: {  	v60 =	vpop (erf)  }
0x3e8: {  	v6 =	vadd.f32 v59, v60  }
0x3e9: {  	v61 =	vpop (erf)  }
0x3ea: {  	v6 =	vadd.f32 v6, v61;
	_ =	sdelay $0x1  }
0x3eb: {  	(xrf2) =	vadd.scan.msk.f32 $0xffff, v6;
	_ =	sdelay $0x9  }
0x3ec: {  	v6, _, _ =	vpop (xrf2)  }
0x3ed: {  	v6 =	vbroadcast v6, $0xF;
	_ =	sdelay $0x1  }
0x3ee: {  	(erf) = vrcp.f32 v6;
	_ =	sdelay $0x8  }
0x3ef: {  	s0 =	sadd.s32 $0x0, s17;
	v6 =	vpop (erf)  }
0x3f0: {  	s30 =	sadd.s32 $0x8, s0;
	v4 =	vmul.f32 v6, v57  }
0x3f1: {  	s31 =	sadd.s32 $0x9, s0;
	v43 =	vmov s30;
	v5 =	vmul.f32 v6, v58  }
0x3f2: {  	v42 =	vmov s31;
	v62 =	vmul.f32 v6, v60;
	[tilespmem:v0+s1+$0x0] =	vst.idx.msk $0xffff, v4  }
0x3f3: {  	v63 =	vmul.f32 v6, v61;
	[tilespmem:v1+s1+$0x0] =	vst.idx.msk $0xffff, v5  }
0x3f4: {  	p2 =	por $0x1, $0x1;
	v45 =	vmov s0;
	[tilespmem:v2+s1+$0x0] =	vst.idx.msk $0xffff, v62  }
.Ltmp12:
0x3f5: {  	[tilespmem:v3+s1+$0x0] =	vst.idx.msk $0x3, v63;
	(pc) =	sbr.rel @!p2 .LBB2_18-.Ltmp12, $4  }
0x3f6: {  	s29 =	sadd.s32 $0x7, s0;
	s30 =	sadd.s32 $0x6, s0;
	s31 =	sadd.s32 $0x4, s0;
	v41 =	vld.idx.msk [tilespmem:v43+s1+$0x0], $0xffff  }
0x3f7: {  	v47 =	vmov s29;
	s29 =	sadd.s32 $0x2, s0;
	v46 =	vmov s30;
	s30 =	sadd.s32 $0x5, s0;
	v49 =	vmov s31;
	s31 =	sadd.s32 $0x3, s0;
	v40 =	vld.idx.msk [tilespmem:v42+s1+$0x0], $0xffff  }
0x3f8: {  	v48 =	vmov s30;
	v51 =	vmov s29;
	s0 =	sadd.s32 $0x1, s0;
	v50 =	vmov s31  }
0x3f9: {  	p1 =	por $0x0, $0x0;
	v52 =	vmov s0;
	v39 =	vimm.f32 $0.0e+00;
	v60 =	vshll.u32 v45, $0x4;
	v44 =	vld.idx.msk [tilespmem:v45+s1+$0x0], $0xffff  }
0x3fa: {  	_ =	sdelay $0x3  }
0x3fb: {  	v0 =	vld.idx.msk [tilespmem:v46+s1+$0x0], $0xffff  }
0x3fc: {  	v45 =	vld.idx.msk [tilespmem:v47+s1+$0x0], $0xffff  }
0x3fd: {  	v1 =	vor.u32 v16, v60;
	v2 =	vshll.u32 v52, $0x4;
	v3 =	vld.idx.msk [tilespmem:v49+s1+$0x0], $0xffff  }
0x3fe: {  	v4 =	vshll.u32 v51, $0x4;
	v5 =	vld.idx.msk [tilespmem:v48+s1+$0x0], $0xffff;
	v2 =	vor.u32 v16, v2  }
0x3ff: {  	v6 =	vshll.u32 v50, $0x4;
	v51 =	vld.idx.msk [tilespmem:v51+s1+$0x0], $0xffff;
	v4 =	vor.u32 v16, v4  }
0x400: {  	v50 =	vld.idx.msk [tilespmem:v50+s1+$0x0], $0xffff;
	v60 =	vshll.u32 v49, $0x4;
	v6 =	vor.u32 v16, v6  }
0x401: {  	v52 =	vld.idx.msk [tilespmem:v52+s1+$0x0], $0xffff;
	v61 =	vshll.u32 v48, $0x4;
	v49 =	vor.u32 v16, v60  }
0x402: {  	v62 =	vshll.u32 v46, $0x4;
	v48 =	vor.u32 v16, v61;
	v1 =	vld.idx.msk [tilespmem:v1+s11+$0x0], $0xffff  }
0x403: {  	v63 =	vshll.u32 v47, $0x4;
	v53 =	vor.u32 v16, v62;
	v2 =	vld.idx.msk [tilespmem:v2+s11+$0x0], $0xffff  }
0x404: {  	v43 =	vshll.u32 v43, $0x4;
	v54 =	vor.u32 v16, v63;
	v4 =	vld.idx.msk [tilespmem:v4+s11+$0x0], $0xffff  }
0x405: {  	v42 =	vshll.u32 v42, $0x4;
	s0 =	sadd.s32 $0xA, s17;
	v55 =	vor.u32 v16, v43;
	v6 =	vld.idx.msk [tilespmem:v6+s11+$0x0], $0xffff  }
0x406: {  	v57 =	vor.u32 v16, v42;
	s29 =	sadd.s32 $0x8, s0;
	v56 =	vld.idx.msk [tilespmem:v49+s11+$0x0], $0xffff  }
0x407: {  	s28 =	sadd.s32 $0x6, s0;
	s30 =	sadd.s32 $0x9, s0;
	v43 =	vmov s29;
	v60 =	vld.idx.msk [tilespmem:v48+s11+$0x0], $0xffff  }
0x408: {  	v58 =	vmov s0;
	v46 =	vmov s28;
	s28 =	sadd.s32 $0x7, s0;
	v42 =	vmov s30;
	v7 =	vld.idx.msk [tilespmem:v53+s11+$0x0], $0xffff  }
0x409: {  	p2 =	por $0x1, $0x1;
	s31 =	sadd.s32 $0x5, s0;
	s29 =	sadd.s32 $0x4, s0;
	v47 =	vmov s28;
	v53 =	vld.idx.msk [tilespmem:v54+s11+$0x0], $0xffff;
	v1 =	vmul.f32 v1, v44;
	v2 =	vmul.f32 v2, v52  }
.Ltmp13:
0x40a: {  	v49 =	vmov s29;
	v48 =	vmov s31;
	v55 =	vld.idx.msk [tilespmem:v55+s11+$0x0], $0xffff;
	v4 =	vmul.f32 v4, v51;
	(pc) =	sbr.rel @!p2 .LBB2_20-.Ltmp13, $4  }
0x40b: {  	s30 =	sadd.s32 $0x2, s0;
	s31 =	sadd.s32 $0x3, s0;
	v54 =	vld.idx.msk [tilespmem:v57+s11+$0x0], $0xffff;
	v6 =	vmul.f32 v6, v50;
	v1 =	vadd.f32 v1, v39;
	v2 =	vadd.f32 v2, v39  }
0x40c: {  	v57 =	vld.idx.msk [tilespmem:v43+s1+$0x0], $0xffff;
	v51 =	vmov s30;
	v50 =	vmov s31;
	v56 =	vmul.f32 v56, v3  }
0x40d: {  	s0 =	sadd.s32 $0x1, s0;
	v63 =	vld.idx.msk [tilespmem:v42+s1+$0x0], $0xffff;
	v62 =	vmul.f32 v60, v5;
	v61 =	vadd.f32 v4, v1;
	v59 =	vadd.f32 v6, v2  }
0x40e: {  	p1 =	por $0x1, $0x1;
	v44 =	vld.idx.msk [tilespmem:v58+s1+$0x0], $0xffff;
	v60 =	vshll.u32 v58, $0x4;
	v52 =	vmov s0;
	s0 =	simm.s32 $0x14;
	v58 =	vmul.f32 v7, v0  }
.LBB2_21:
0x40f: {  	p2 =	sne.s32 s0, $0x28;
	v0 =	vld.idx.msk [tilespmem:v46+s1+$0x0], $0xffff;
	v1 =	vadd.f32 v56, v61;
	v2 =	vadd.f32 v62, v59;
	v3 =	vmul.f32 v53, v45  }
0x410: {  	v4 =	vor.u32 v16, v60;
	v5 =	vshll.u32 v52, $0x4;
	v6 =	vmul.f32 v55, v41;
	v45 =	vld.idx.msk [tilespmem:v47+s1+$0x0], $0xffff  }
0x411: {  	v7 =	vld.idx.msk [tilespmem:v49+s1+$0x0], $0xffff;
	v1 =	vadd.f32 v58, v1;
	v2 =	vadd.f32 v3, v2;
	v3 =	vmul.f32 v54, v40  }
0x412: {  	v8 =	vshll.u32 v50, $0x4;
	v5 =	vor.u32 v16, v5;
	v54 =	vshll.u32 v51, $0x4;
	v58 =	vld.idx.msk [tilespmem:v48+s1+$0x0], $0xffff  }
0x413: {  	v53 =	vor.u32 v16, v54;
	v51 =	vld.idx.msk [tilespmem:v51+s1+$0x0], $0xffff;
	v1 =	vadd.f32 v6, v1;
	v2 =	vadd.f32 v3, v2  }
0x414: {  	v49 =	vshll.u32 v49, $0x4;
	v41 =	vmovc v57;
	v6 =	vor.u32 v16, v8;
	v40 =	vmov v63;
	v3 =	vld.idx.msk [tilespmem:v50+s1+$0x0], $0xffff  }
0x415: {  	v49 =	vor.u32 v16, v49;
	v48 =	vshll.u32 v48, $0x4;
	v50 =	vld.idx.msk [tilespmem:v52+s1+$0x0], $0xffff  }
0x416: {  	v46 =	vshll.u32 v46, $0x4;
	v48 =	vor.u32 v16, v48;
	v4 =	vld.idx.msk [tilespmem:v4+s11+$0x0], $0xffff  }
0x417: {  	v52 =	vor.u32 v16, v46;
	v46 =	vshll.u32 v47, $0x4;
	v5 =	vld.idx.msk [tilespmem:v5+s11+$0x0], $0xffff  }
0x418: {  	v43 =	vshll.u32 v43, $0x4;
	v54 =	vld.idx.msk [tilespmem:v53+s11+$0x0], $0xffff;
	v53 =	vor.u32 v16, v46  }
0x419: {  	v42 =	vshll.u32 v42, $0x4;
	v55 =	vor.u32 v16, v43;
	v6 =	vld.idx.msk [tilespmem:v6+s11+$0x0], $0xffff  }
0x41a: {  	s28 =	sadd.s32 s0, s17;
	v57 =	vor.u32 v16, v42;
	v56 =	vld.idx.msk [tilespmem:v49+s11+$0x0], $0xffff  }
0x41b: {  	v60 =	vmov s28;
	s29 =	sadd.s32 $0x6, s28;
	s30 =	sadd.s32 $0x8, s28;
	s31 =	sadd.s32 $0x9, s28;
	v62 =	vld.idx.msk [tilespmem:v48+s11+$0x0], $0xffff  }
0x41c: {  	v43 =	vmov s30;
	v42 =	vmov s31;
	v46 =	vmov s29;
	s29 =	sadd.s32 $0x7, s28;
	v8 =	vld.idx.msk [tilespmem:v52+s11+$0x0], $0xffff  }
0x41d: {  	s30 =	sadd.s32 $0x4, s28;
	s31 =	sadd.s32 $0x5, s28;
	v47 =	vmov s29;
	v4 =	vmul.f32 v4, v44;
	v5 =	vmul.f32 v5, v50;
	v53 =	vld.idx.msk [tilespmem:v53+s11+$0x0], $0xffff  }
.Ltmp14:
0x41e: {  	v49 =	vmov s30;
	v48 =	vmov s31;
	v52 =	vmul.f32 v54, v51;
	v55 =	vld.idx.msk [tilespmem:v55+s11+$0x0], $0xffff;
	(pc) =	sbr.rel @p2 .LBB2_21-.Ltmp14, $4  }
0x41f: {  	s29 =	sadd.s32 $0x2, s28;
	s30 =	sadd.s32 $0x3, s28;
	v1 =	vadd.f32 v4, v1;
	v2 =	vadd.f32 v5, v2;
	v3 =	vmul.f32 v6, v3;
	v54 =	vld.idx.msk [tilespmem:v57+s11+$0x0], $0xffff  }
0x420: {  	v50 =	vmov s30;
	v51 =	vmov s29;
	v56 =	vmul.f32 v56, v7;
	v44 =	vld.idx.msk [tilespmem:v60+s1+$0x0], $0xffff  }
0x421: {  	s28 =	sadd.s32 $0x1, s28;
	v61 =	vadd.f32 v52, v1;
	v59 =	vadd.f32 v3, v2;
	v62 =	vmul.f32 v62, v58;
	v57 =	vld.idx.msk [tilespmem:v43+s1+$0x0], $0xffff  }
0x422: {  	s0 =	sadd.s32 $0xA, s0;
	v52 =	vmov s28;
	v60 =	vshll.u32 v60, $0x4;
	v58 =	vmul.f32 v8, v0;
	v63 =	vld.idx.msk [tilespmem:v42+s1+$0x0], $0xffff  }
0x423: {  	_ =	sdelay $0x3  }
0x424: {  	v1 =	vmovc v41;
	v0 =	vmov v40;
	v41 =	vmov v57;
	v40 =	vmov v63  }
.LBB2_23:
0x425: {  	_ =	sdelay $0x3  }
0x426: {  	v2 =	vld.idx.msk [tilespmem:v46+s1+$0x0], $0xffff  }
0x427: {  	v3 =	vld.idx.msk [tilespmem:v47+s1+$0x0], $0xffff  }
0x428: {  	v4 =	vor.u32 v16, v60;
	v5 =	vshll.u32 v52, $0x4;
	v6 =	vld.idx.msk [tilespmem:v49+s1+$0x0], $0xffff  }
0x429: {  	v7 =	vshll.u32 v51, $0x4;
	v8 =	vld.idx.msk [tilespmem:v48+s1+$0x0], $0xffff;
	v5 =	vor.u32 v16, v5  }
0x42a: {  	v57 =	vshll.u32 v50, $0x4;
	v51 =	vld.idx.msk [tilespmem:v51+s1+$0x0], $0xffff;
	v7 =	vor.u32 v16, v7  }
0x42b: {  	v50 =	vld.idx.msk [tilespmem:v50+s1+$0x0], $0xffff;
	v63 =	vshll.u32 v49, $0x4;
	v57 =	vor.u32 v16, v57  }
0x42c: {  	v52 =	vld.idx.msk [tilespmem:v52+s1+$0x0], $0xffff;
	v60 =	vshll.u32 v48, $0x4;
	v49 =	vor.u32 v16, v63  }
0x42d: {  	v56 =	vadd.f32 @p1 v56, v61;
	v59 =	vadd.f32 @p1 v62, v59;
	v48 =	vor.u32 v16, v60;
	v4 =	vld.idx.msk [tilespmem:v4+s11+$0x0], $0xffff  }
0x42e: {  	v45 =	vmul.f32 @p1 v53, v45;
	v1 =	vmul.f32 @p1 v55, v1;
	v61 =	vshll.u32 v46, $0x4;
	v5 =	vld.idx.msk [tilespmem:v5+s11+$0x0], $0xffff  }
0x42f: {  	v62 =	vshll.u32 v47, $0x4;
	v43 =	vshll.u32 v43, $0x4;
	v46 =	vor.u32 v16, v61;
	v7 =	vld.idx.msk [tilespmem:v7+s11+$0x0], $0xffff  }
0x430: {  	v42 =	vshll.u32 v42, $0x4;
	v47 =	vor.u32 v16, v62;
	v53 =	vadd.f32 @p1 v58, v56;
	v63 =	vld.idx.msk [tilespmem:v57+s11+$0x0], $0xffff  }
0x431: {  	v0 =	vmul.f32 @p1 v54, v0;
	v42 =	vor.u32 v16, v42;
	v45 =	vadd.f32 @p1 v45, v59;
	v49 =	vld.idx.msk [tilespmem:v49+s11+$0x0], $0xffff  }
0x432: {  	v43 =	vor.u32 v16, v43;
	v1 =	vadd.f32 @p1 v1, v53;
	v53 =	vld.idx.msk [tilespmem:v48+s11+$0x0], $0xffff  }
0x433: {  	v0 =	vadd.f32 @p1 v0, v45  }
0x434: {  	v59 =	vmov s23;
	v55 =	vld.idx.msk [tilespmem:v46+s11+$0x0], $0xffff;
	v4 =	vmul.f32 v4, v44;
	v5 =	vmul.f32 v5, v52  }
0x435: {  	v1 =	vpsel p1, v1, v39;
	v56 =	vld.idx.msk [tilespmem:v47+s11+$0x0], $0xffff;
	v0 =	vpsel p1, v0, v39;
	v7 =	vmul.f32 v7, v51  }
0x436: {  	v42 =	vld.idx.msk [tilespmem:v42+s11+$0x0], $0xffff;
	v58 =	vmul.f32 v63, v50;
	v1 =	vadd.f32 v4, v1;
	v0 =	vadd.f32 v5, v0  }
0x437: {  	v60 =	vshll.u32 v59, $0x4;
	v57 =	vld.idx.msk [tilespmem:v43+s11+$0x0], $0xffff;
	v6 =	vmul.f32 v49, v6;
	v61 =	vmul.f32 v53, v8  }
0x438: {  	v1 =	vadd.f32 v7, v1;
	v7 =	vor.u32 v16, v60;
	v0 =	vadd.f32 v58, v0  }
0x439: {  	v2 =	vmul.f32 v55, v2  }
0x43a: {  	v3 =	vmul.f32 v56, v3;
	v1 =	vadd.f32 v6, v1;
	v0 =	vadd.f32 v61, v0  }
0x43b: {  	v62 =	vmul.f32 v42, v40  }
0x43c: {  	v4 =	vmul.f32 v57, v41;
	v1 =	vadd.f32 v2, v1;
	v0 =	vadd.f32 v3, v0  }
0x43d: {  	v63 =	vld.idx.msk [tilespmem:v7+s2+$0x0], $0xffff  }
0x43e: {  	v1 =	vadd.f32 v4, v1;
	v0 =	vadd.f32 v62, v0;
	_ =	sdelay $0x1  }
0x43f: {  	v0 =	vadd.f32 v0, v1;
	_ =	sdelay $0x1  }
0x440: {  	v0 =	vmul.f32 v63, v0;
	_ =	sdelay $0x1  }
0x441: {  	(xrf2) =	vadd.scan.msk.f32 $0xffff, v0;
	_ =	sdelay $0x6  }
0x442: {  	s23 =	sadd.s32 $0x1, s23  }
0x443: {  	p1 =	sne.s32 s23, $0x40  }
.Ltmp15:
0x444: {  	_ = 	snop;
	(pc) =	sbr.rel @p1 .LBB2_17-.Ltmp15, $4  }
.Ltmp16:
0x445: {  	v0, _, _ =	vpop (xrf2);
	(pc) =	sbr.rel @!p1 .LBB2_24-.Ltmp16, $4  }
0x446: {  	v0 =	vbroadcast v0, $0xF  }
0x447: {  	_ = 	snop  }
0x448: {  	s17 =	sadd.s32 $0x32, s17;
	[tilespmem:v59+s7+$0x0] =	vst.idx.msk $0x1, v0  }
0x449: {  	_ = 	snop  }
.LBB2_18:
.Ltmp17:
0x44a: {  	(pc) =	sbr.rel .LBB2_23-.Ltmp17, $2  }
0x44b: {  	_ =	sdelay $0x2  }
0x44c: {  	_ = 	snop  }
.LBB2_20:
.Ltmp18:
0x44d: {  	(pc) =	sbr.rel .LBB2_23-.Ltmp18, $2  }
0x44e: {  	_ =	sdelay $0x2  }
0x44f: {  	v1 =	vmovc v41;
	v0 =	vmov v40;
	v41 =	vmov v57;
	v40 =	vmov v63  }
.LBB2_24:
0x450: {  	_ =	swait.ge [sflag:s14], $0x400  }
0x451: {  	[sflag:s14] =	ssyncset.done $0x0  }
0x452: {  	[sflag:s14] =	ssyncadd.s32 $0xFFFFFC00  }
0x453: {  	_ =	swait.ge [sflag:s14], $0x400  }
0x454: {  	[sflag:s14] =	ssyncset.done $0x0  }
0x455: {  	[sflag:s14] =	ssyncadd.s32 $0xFFFFFC00  }
0x456: {  	v0 =	vld [tilespmem:$0x1B980];
	_ =	sdelay $0x1  }
0x457: {  	v1 =	vld [tilespmem:$0x1B9C0];
	_ =	sdelay $0x2  }
0x458: {  	v0 =	vand.u32 $0xF, v0  }
0x459: {  	v0 =	vor.u32 v19, v0  }
0x45a: {  	v1 =	vand.u32 $0xF, v1  }
0x45b: {  	v1 =	vor.u32 v19, v1;
	_ =	sdelay $0x1  }
0x45c: {  	v2 =	vld [tilespmem:$0x1C280]  }
0x45d: {  	v0 =	vld.idx.msk [tilespmem:v0+s19+$0x0], $0xffff  }
0x45e: {  	v3 =	vld [tilespmem:$0x1B990]  }
0x45f: {  	v1 =	vld.idx.msk [tilespmem:v1+s22+$0x0], $0xffff  }
0x460: {  	v4 =	vld [tilespmem:$0x1B9D0];
	_ =	sdelay $0x1  }
0x461: {  	v0 =	vadd.f32 v0, v2  }
0x462: {  	v48 =	vor.u32 $0x100, v19;
	v47 =	vand.u32 $0xF, v3  }
0x463: {  	v49 =	vor.u32 v48, v47;
	v0 =	vadd.f32 v1, v0  }
0x464: {  	v50 =	vand.u32 $0xF, v4  }
0x465: {  	v2 =	vor.u32 v48, v50;
	v0 =	vadd.f32 v0, v38;
	_ =	sdelay $0x1  }
0x466: {  	v51 =	vld [tilespmem:$0x1C290];
	[tilespmem:$0x1C280] =	vst v0  }
0x467: {  	v1 =	vld.idx.msk [tilespmem:v49+s19+$0x0], $0xffff  }
0x468: {  	v52 =	vld [tilespmem:$0x1B9A0]  }
0x469: {  	v2 =	vld.idx.msk [tilespmem:v2+s22+$0x0], $0xffff  }
0x46a: {  	v53 =	vld [tilespmem:$0x1B9E0];
	_ =	sdelay $0x1  }
0x46b: {  	v0 =	vadd.f32 v1, v51  }
0x46c: {  	v55 =	vor.u32 $0x200, v19;
	v54 =	vand.u32 $0xF, v52  }
0x46d: {  	v1 =	vor.u32 v55, v54;
	v0 =	vadd.f32 v2, v0  }
0x46e: {  	v56 =	vand.u32 $0xF, v53  }
0x46f: {  	v2 =	vor.u32 v55, v56;
	v0 =	vadd.f32 v0, v38;
	_ =	sdelay $0x1  }
0x470: {  	v57 =	vld [tilespmem:$0x1C2A0];
	[tilespmem:$0x1C290] =	vst v0  }
0x471: {  	v1 =	vld.idx.msk [tilespmem:v1+s19+$0x0], $0xffff  }
0x472: {  	v58 =	vld [tilespmem:$0x1B9B0]  }
0x473: {  	v2 =	vld.idx.msk [tilespmem:v2+s22+$0x0], $0xffff  }
0x474: {  	v59 =	vld [tilespmem:$0x1B9F0];
	_ =	sdelay $0x1  }
0x475: {  	v0 =	vadd.f32 v1, v57  }
0x476: {  	v61 =	vor.u32 $0x300, v19;
	v60 =	vand.u32 $0xF, v58  }
0x477: {  	v1 =	vor.u32 v61, v60;
	v0 =	vadd.f32 v2, v0  }
0x478: {  	v62 =	vand.u32 $0xF, v59  }
0x479: {  	v2 =	vor.u32 v61, v62;
	v0 =	vadd.f32 v0, v38;
	_ =	sdelay $0x1  }
0x47a: {  	v63 =	vld [tilespmem:$0x1C2B0];
	[tilespmem:$0x1C2A0] =	vst v0  }
0x47b: {  	v1 =	vld.idx.msk [tilespmem:v1+s19+$0x0], $0xffff;
	_ =	sdelay $0x1  }
0x47c: {  	v2 =	vld.idx.msk [tilespmem:v2+s22+$0x0], $0xffff;
	_ =	sdelay $0x2  }
0x47d: {  	v0 =	vadd.f32 v1, v63;
	_ =	sdelay $0x1  }
0x47e: {  	v0 =	vadd.f32 v2, v0;
	_ =	sdelay $0x1  }
0x47f: {  	v0 =	vadd.f32 v0, v38  }
0x480: {  	s0 =	sshrl.u32 s15, $0x3;
	s31 =	rddreg [dreg:$0x4]  }
.Ltmp19:
0x481: {  	s0 =	sadd.s32 s31, s0;
	[tilespmem:$0x1C2B0] =	vst v0;
	(pc) =	sbr.rel @p0 .LBB2_26-.Ltmp19, $4  }
0x482: {  	[hbm4b:s0+s6] =	stream.linear.scatter [tilespmem:s7], [sflag:$0x4], $0x40, $0x38;
	[tilespmem:$0x1C300] =	vst v63  }
0x483: {  	_ =	swait.ge [sflag:s20], $0x40  }
0x484: {  	[sflag:s20] =	ssyncset.done $0x0  }
0x485: {  	[sflag:s20] =	ssyncadd.s32 $0xFFFFFFC0  }
0x486: {  	s0 =	sshll.u32 s18, $0x6  }
0x487: {  	s0 =	sadd.s32 s16, s0  }
0x488: {  	s15 =	smul.u32 $0x32, s0;
	_ =	sdelay $0x1  }
0x489: {  	s15 =	sshrl.u32 s15, $0x3  }
0x48a: {  	s15 =	sadd.s32 s8, s15  }
0x48b: {  	[tilespmem:s10], [sflag:$0x4] =	stream.linear.gather [hbm4b:s15+s6], $0xC80, $0x38;
	[tilespmem:$0x1C300] =	vst v63  }
0x48c: {  	_ =	swait.ge [sflag:s20], $0xC80  }
0x48d: {  	[sflag:s20] =	ssyncset.done $0x0  }
0x48e: {  	[sflag:s20] =	ssyncadd.s32 $0xFFFFF380  }
0x48f: {  	[tilespmem:s11], [sflag:$0x2] =	stream.indirect.gather [hbm4b:s9+s25], $0x10, s10, s25, $0xb8;
	[tilespmem:$0x1C300] =	vst v63  }
0x490: {  	s23 =	simm.s32 $0xD00;
	s17 =	simm.s32 $0xE900  }
0x491: {  	[tilespmem:s17], [sflag:$0x2] =	stream.indirect.gather [hbm4b:s9+s25], $0x10, s23, s25, $0xb8;
	[tilespmem:$0x1C300] =	vst v63  }
0x492: {  	s28 =	simm.s32 $0xD80;
	s29 =	simm.s32 $0xF100  }
0x493: {  	[tilespmem:s29], [sflag:$0x2] =	stream.indirect.gather [hbm4b:s9+s25], $0x10, s28, s25, $0xb8;
	[tilespmem:$0x1C300] =	vst v63  }
0x494: {  	s30 =	simm.s32 $0xE00;
	s31 =	simm.s32 $0xF900  }
0x495: {  	[tilespmem:s31], [sflag:$0x2] =	stream.indirect.gather [hbm4b:s9+s25], $0x10, s30, s25, $0xb8;
	[tilespmem:$0x1C300] =	vst v63  }
0x496: {  	s17 =	simm.s32 $0xE80;
	s23 =	simm.s32 $0x10100  }
0x497: {  	[tilespmem:s23], [sflag:$0x2] =	stream.indirect.gather [hbm4b:s9+s25], $0x10, s17, s25, $0xb8;
	[tilespmem:$0x1C300] =	vst v63  }
0x498: {  	s28 =	simm.s32 $0xF00;
	s29 =	simm.s32 $0x10900  }
0x499: {  	[tilespmem:s29], [sflag:$0x2] =	stream.indirect.gather [hbm4b:s9+s25], $0x10, s28, s25, $0xb8;
	[tilespmem:$0x1C300] =	vst v63  }
0x49a: {  	s30 =	simm.s32 $0xF80;
	s31 =	simm.s32 $0x11100  }
0x49b: {  	[tilespmem:s31], [sflag:$0x2] =	stream.indirect.gather [hbm4b:s9+s25], $0x10, s30, s25, $0xb8;
	[tilespmem:$0x1C300] =	vst v63  }
0x49c: {  	s17 =	simm.s32 $0x1000;
	s23 =	simm.s32 $0x11900  }
0x49d: {  	[tilespmem:s23], [sflag:$0x2] =	stream.indirect.gather [hbm4b:s9+s25], $0x10, s17, s25, $0xb8;
	[tilespmem:$0x1C300] =	vst v63  }
0x49e: {  	s28 =	simm.s32 $0x1080;
	s29 =	simm.s32 $0x12100  }
0x49f: {  	[tilespmem:s29], [sflag:$0x2] =	stream.indirect.gather [hbm4b:s9+s25], $0x10, s28, s25, $0xb8;
	[tilespmem:$0x1C300] =	vst v63  }
0x4a0: {  	s30 =	simm.s32 $0x1100;
	s31 =	simm.s32 $0x12900  }
0x4a1: {  	[tilespmem:s31], [sflag:$0x2] =	stream.indirect.gather [hbm4b:s9+s25], $0x10, s30, s25, $0xb8;
	[tilespmem:$0x1C300] =	vst v63  }
0x4a2: {  	s17 =	simm.s32 $0x1180;
	s23 =	simm.s32 $0x13100  }
0x4a3: {  	[tilespmem:s23], [sflag:$0x2] =	stream.indirect.gather [hbm4b:s9+s25], $0x10, s17, s25, $0xb8;
	[tilespmem:$0x1C300] =	vst v63  }
0x4a4: {  	s28 =	simm.s32 $0x1200;
	s29 =	simm.s32 $0x13900  }
0x4a5: {  	[tilespmem:s29], [sflag:$0x2] =	stream.indirect.gather [hbm4b:s9+s25], $0x10, s28, s25, $0xb8;
	[tilespmem:$0x1C300] =	vst v63  }
0x4a6: {  	s30 =	simm.s32 $0x1280;
	s31 =	simm.s32 $0x14100  }
0x4a7: {  	[tilespmem:s31], [sflag:$0x2] =	stream.indirect.gather [hbm4b:s9+s25], $0x10, s30, s25, $0xb8;
	[tilespmem:$0x1C300] =	vst v63  }
0x4a8: {  	s17 =	simm.s32 $0x1300;
	s23 =	simm.s32 $0x14900  }
0x4a9: {  	[tilespmem:s23], [sflag:$0x2] =	stream.indirect.gather [hbm4b:s9+s25], $0x10, s17, s25, $0xb8;
	[tilespmem:$0x1C300] =	vst v63  }
0x4aa: {  	s28 =	simm.s32 $0x1380;
	s29 =	simm.s32 $0x15100  }
0x4ab: {  	[tilespmem:s29], [sflag:$0x2] =	stream.indirect.gather [hbm4b:s9+s25], $0x10, s28, s25, $0xb8;
	[tilespmem:$0x1C300] =	vst v63  }
0x4ac: {  	s30 =	simm.s32 $0x1400;
	s31 =	simm.s32 $0x15900  }
0x4ad: {  	[tilespmem:s31], [sflag:$0x2] =	stream.indirect.gather [hbm4b:s9+s25], $0x10, s30, s25, $0xb8;
	[tilespmem:$0x1C300] =	vst v63  }
0x4ae: {  	s17 =	simm.s32 $0x1480;
	s23 =	simm.s32 $0x16100  }
0x4af: {  	[tilespmem:s23], [sflag:$0x2] =	stream.indirect.gather [hbm4b:s9+s25], $0x10, s17, s25, $0xb8;
	[tilespmem:$0x1C300] =	vst v63  }
0x4b0: {  	s28 =	simm.s32 $0x1500;
	s29 =	simm.s32 $0x16900  }
0x4b1: {  	[tilespmem:s29], [sflag:$0x2] =	stream.indirect.gather [hbm4b:s9+s25], $0x10, s28, s25, $0xb8;
	[tilespmem:$0x1C300] =	vst v63  }
0x4b2: {  	s30 =	simm.s32 $0x1580;
	s31 =	simm.s32 $0x17100  }
0x4b3: {  	[tilespmem:s31], [sflag:$0x2] =	stream.indirect.gather [hbm4b:s9+s25], $0x10, s30, s25, $0xb8;
	[tilespmem:$0x1C300] =	vst v63  }
0x4b4: {  	s17 =	simm.s32 $0x1600;
	s23 =	simm.s32 $0x17900  }
0x4b5: {  	[tilespmem:s23], [sflag:$0x2] =	stream.indirect.gather [hbm4b:s9+s25], $0x10, s17, s25, $0xb8;
	[tilespmem:$0x1C300] =	vst v63  }
0x4b6: {  	s28 =	simm.s32 $0x1680;
	s29 =	simm.s32 $0x18100  }
0x4b7: {  	[tilespmem:s29], [sflag:$0x2] =	stream.indirect.gather [hbm4b:s9+s25], $0x10, s28, s25, $0xb8;
	[tilespmem:$0x1C300] =	vst v63  }
0x4b8: {  	s30 =	simm.s32 $0x1700;
	s31 =	simm.s32 $0x18900  }
0x4b9: {  	[tilespmem:s31], [sflag:$0x2] =	stream.indirect.gather [hbm4b:s9+s25], $0x10, s30, s25, $0xb8;
	[tilespmem:$0x1C300] =	vst v63  }
0x4ba: {  	s17 =	simm.s32 $0x1780;
	s23 =	simm.s32 $0x19100  }
0x4bb: {  	[tilespmem:s23], [sflag:$0x2] =	stream.indirect.gather [hbm4b:s9+s25], $0x10, s17, s25, $0xb8;
	[tilespmem:$0x1C300] =	vst v63  }
.Ltmp20:
0x4bc: {  	_ = 	snop;
	(pc) =	sbr.rel .LBB2_2-.Ltmp20, $4  }
0x4bd: {  	s0 =	sshrl.u32 s0, $0x3;
	s28 =	simm.s32 $0x1800;
	s29 =	simm.s32 $0x19900  }
0x4be: {  	[tilespmem:s29], [sflag:$0x2] =	stream.indirect.gather [hbm4b:s9+s25], $0x10, s28, s25, $0xb8;
	[tilespmem:$0x1C300] =	vst v63  }
0x4bf: {  	s15 =	smov.u32 s18;
	s30 =	simm.s32 $0x1880;
	s31 =	simm.s32 $0x1A100  }
0x4c0: {  	[tilespmem:s31], [sflag:$0x2] =	stream.indirect.gather [hbm4b:s9+s25], $0x10, s30, s25, $0xb8;
	[tilespmem:$0x1C300] =	vst v63  }
.LBB2_27:
0x4c1: {  	_ =	sfence.sel $0x180000  }
0x4c2: {  	[bflag:$0x0] =	sbarrier.arrive $0xFFFF  }
0x4c3: {  	_ =	strace $0x90000047  }
0x4c4: {  	s0 =	stileid.u32;
	[bflag:$0x2] =	sbarrier.arrive $0xFFFF  }
0x4c5: {  	p0 =	sne.s32 s0, $0x0;
	s0 =	rddreg [dreg:$0x5]  }
0x4c6: {  	s0 =	sadd.s32 @!p0 $0x100000, s0  }
0x4c7: {  	[sflag:s0] =	ssyncadd.tile.s32 @!p0 $0x1;
	_ =	shalt  }
.Lfunc_end2:
_tile_overlayer_lowered:
.L_overlay_start_2:
0x4c8: {  	(tag) =	ssettag $0x2  }
0x4c9: {  	s0 =	rddreg [dreg:$0x0];
	s2 =	stileid.u32  }
0x4ca: {  	s1 =	rddreg [dreg:$0x1];
	p0 =	sne.s32 s2, $0x0  }
0x4cb: {  	s3 =	rddreg [dreg:$0x2];
	[bflag:$0x3] =	sbarrier.arrive $0xFFFF;
	s2 =	simm.s32 @!p0 $0x1C04  }
0x4cc: {  	[timem:s3], [sflag:s2] =	dma.local @!p0 [hbm:s0], s1  }
0x4cd: {  	s0 =	simm.s32 @!p0 $0x4  }
0x4ce: {  	_ =	swait.ge @!p0 [sflag:s0], s1  }
0x4cf: {  	s1 =	ssub.s32 @!p0 $0x0, s1;
	[sflag:s0] =	ssyncset.done @!p0 $0x0  }
0x4d0: {  	[sflag:s0] =	ssyncadd.s32 @!p0 s1  }
0x4d1: {  	[bflag:$0x3] =	sbarrier.arrive $0xFFFF  }
0x4d2: {  	_ =	shalt  }

</sc_bundles>
